<compile_context>
chip_gen: v7x
topology: tpu7x:2x2x1
jax: 0.10.2.dev20260603
libtpu: 0.0.44.dev20260713+nightly
codegen_flags: <defaults>
</compile_context>

<pallas_src>
import functools

import jax
import jax.numpy as jnp
from jax import lax
from jax.experimental import pallas as pl
from jax.experimental.pallas import tpu as pltpu
from jax.experimental.pallas import tpu_sc as plsc

N = 10000
D = 128
EDGES = 320000
N_BLK = 1000
GRID = N // N_BLK

NC = 2
NS = 16
CHUNK = 80
EPW = EDGES // (NC * NS)
GRP = 25
GROUPS = EPW // (GRP * CHUNK)
NB = 3
ZC = 80



def _emb_bx_body(x_ref, ew_ref, eb_ref, bw_ref, bb_ref, h_ref, bx_ref):
    h = jnp.dot(x_ref[...], ew_ref[...], preferred_element_type=jnp.float32) + eb_ref[...]
    h_ref[...] = h
    bx_ref[...] = jnp.dot(h, bw_ref[...], preferred_element_type=jnp.float32) + bb_ref[...]


def _phase_a(i, h_ref, p_ref, sn_ref, aw_ref, ab_ref, t_scr, h_scr, ps_scr, pq_scr):
    h = h_ref[...]
    t = (jnp.dot(h, aw_ref[...], preferred_element_type=jnp.float32) + ab_ref[...]
         + p_ref[0] + p_ref[1]) * sn_ref[...]
    t_scr[pl.ds(i * N_BLK, N_BLK), :] = t
    h_scr[pl.ds(i * N_BLK, N_BLK), :] = h
    s = jnp.sum(t.reshape(N_BLK // 8, 8, D), axis=0)
    q = jnp.sum((t * t).reshape(N_BLK // 8, 8, D), axis=0)

    @pl.when(i == 0)
    def _():
        ps_scr[...] = jnp.zeros_like(ps_scr)
        pq_scr[...] = jnp.zeros_like(pq_scr)

    ps_scr[...] += s
    pq_scr[...] += q


def _phase_b_hn(j, g_ref, b_ref, t_scr, h_scr, ps_scr, pq_scr):
    mu = jnp.sum(ps_scr[...], axis=0, keepdims=True) * (1.0 / N)
    var = jnp.sum(pq_scr[...], axis=0, keepdims=True) * (1.0 / N) - mu * mu
    inv = lax.rsqrt(var + 1e-5)
    t = t_scr[pl.ds(j * N_BLK, N_BLK), :]
    h = h_scr[pl.ds(j * N_BLK, N_BLK), :]
    return h + jnp.maximum(g_ref[...] * (t - mu) * inv + b_ref[...], 0.0)


def _mid_layer_body(h_ref, p_ref, sn_ref, aw_ref, ab_ref, g_ref, b_ref,
                    bw_ref, bb_ref, hn_ref, bxn_ref,
                    t_scr, h_scr, ps_scr, pq_scr):
    i = pl.program_id(0)

    @pl.when(i < GRID)
    def _():
        _phase_a(i, h_ref, p_ref, sn_ref, aw_ref, ab_ref,
                 t_scr, h_scr, ps_scr, pq_scr)

    @pl.when(i >= GRID)
    def _():
        hn = _phase_b_hn(i - GRID, g_ref, b_ref, t_scr, h_scr, ps_scr, pq_scr)
        hn_ref[...] = hn
        bxn_ref[...] = (
            jnp.dot(hn, bw_ref[...], preferred_element_type=jnp.float32)
            + bb_ref[...]
        )


def _last_layer_body(h_ref, p_ref, sn_ref, aw_ref, ab_ref, g_ref, b_ref,
                     w0_ref, b0_ref, w1_ref, b1_ref, w2_ref, b2_ref,
                     y_ref, t_scr, h_scr, ps_scr, pq_scr, hs_scr):
    i = pl.program_id(0)

    @pl.when(i < GRID)
    def _():
        _phase_a(i, h_ref, p_ref, sn_ref, aw_ref, ab_ref,
                 t_scr, h_scr, ps_scr, pq_scr)

    @pl.when(i >= GRID)
    def _():
        hn = _phase_b_hn(i - GRID, g_ref, b_ref, t_scr, h_scr, ps_scr, pq_scr)

        @pl.when(i == GRID)
        def _():
            hs_scr[...] = jnp.zeros_like(hs_scr)

        hs_scr[...] += jnp.sum(hn.reshape(N_BLK // 8, 8, D), axis=0)

    @pl.when(i == 2 * GRID - 1)
    def _():
        m = jnp.sum(hs_scr[...], axis=0, keepdims=True) * (1.0 / N)
        y = jnp.maximum(
            jnp.dot(m, w0_ref[...], preferred_element_type=jnp.float32)
            + b0_ref[...], 0.0)
        y = jnp.maximum(
            jnp.dot(y, w1_ref[...], preferred_element_type=jnp.float32)
            + b1_ref[...], 0.0)
        y_ref[...] = (
            jnp.dot(y, w2_ref[...], preferred_element_type=jnp.float32)
            + b2_ref[...]
        )


_row_spec = pl.BlockSpec((N_BLK, D), lambda i: (i, 0))
_full_w = pl.BlockSpec((D, D), lambda i: (0, 0))
_full_b = pl.BlockSpec((1, D), lambda i: (0, 0))
_acc_spec = pl.BlockSpec((8, D), lambda i: (0, 0))

_rowA_spec = pl.BlockSpec((N_BLK, D), lambda i: (jnp.where(i < GRID, i, GRID - 1), 0))
_pA_spec = pl.BlockSpec((2, N_BLK, D), lambda i: (0, jnp.where(i < GRID, i, GRID - 1), 0))
_snA_spec = pl.BlockSpec((N_BLK, 1), lambda i: (jnp.where(i < GRID, i, GRID - 1), 0))
_rowB_spec = pl.BlockSpec((N_BLK, D), lambda i: (jnp.maximum(i - GRID, 0), 0))
_accB_spec = pl.BlockSpec((8, D), lambda i: (0, 0))

_layer_scratch = [
    pltpu.VMEM((N, D), jnp.float32),
    pltpu.VMEM((N, D), jnp.float32),
    pltpu.VMEM((8, D), jnp.float32),
    pltpu.VMEM((8, D), jnp.float32),
]


def _emb_bx(x, ew, eb, bw, bb):
    return pl.pallas_call(
        _emb_bx_body,
        grid=(GRID,),
        in_specs=[_row_spec, _full_w, _full_b, _full_w, _full_b],
        out_specs=[_row_spec, _row_spec],
        out_shape=[
            jax.ShapeDtypeStruct((N, D), jnp.float32),
            jax.ShapeDtypeStruct((N, D), jnp.float32),
        ],
    )(x, ew, eb, bw, bb)


def _mid_layer(h, p, snorm, aw, ab, g, b, bw, bb):
    return pl.pallas_call(
        _mid_layer_body,
        grid=(2 * GRID,),
        in_specs=[_rowA_spec, _pA_spec, _snA_spec, _full_w, _full_b,
                  _full_b, _full_b, _full_w, _full_b],
        out_specs=[_rowB_spec, _rowB_spec],
        out_shape=[
            jax.ShapeDtypeStruct((N, D), jnp.float32),
            jax.ShapeDtypeStruct((N, D), jnp.float32),
        ],
        scratch_shapes=_layer_scratch,
    )(h, p, snorm, aw, ab, g, b, bw, bb)


def _last_layer(h, p, snorm, aw, ab, g, b, w0, b0, w1, b1, w2, b2):
    return pl.pallas_call(
        _last_layer_body,
        grid=(2 * GRID,),
        in_specs=[_rowA_spec, _pA_spec, _snA_spec, _full_w, _full_b,
                  _full_b, _full_b,
                  _full_w, _full_b, _full_w, _full_b, _full_w, _full_b],
        out_specs=pl.BlockSpec((1, D), lambda i: (0, 0)),
        out_shape=jax.ShapeDtypeStruct((1, D), jnp.float32),
        scratch_shapes=_layer_scratch + [pltpu.VMEM((8, D), jnp.float32)],
    )(h, p, snorm, aw, ab, g, b, w0, b0, w1, b1, w2, b2)



def _sc_agg_kernel(bx_hbm, srcr_hbm, dstr_hbm, out_hbm,
                   sstage, dstage, rows_v, acc_sh,
                   g0, g1, g2, s0, s1, s2, isem, zsem):
    cid = lax.axis_index("c")
    sid = lax.axis_index("s")
    wid = cid * NS + sid
    gsems = (g0, g1, g2)
    ssems = (s0, s1, s2)

    cps = pltpu.async_copy(srcr_hbm.at[wid, 0], sstage, isem)
    cpd = pltpu.async_copy(dstr_hbm.at[wid, 0], dstage, isem)

    @pl.loop(0, ZC)
    def _(r):
        @pl.loop(0, D, step=16)
        def _(j):
            rows_v[0, r, pl.ds(j, 16)] = jnp.zeros((16,), jnp.float32)

    @pl.loop(ZC * sid, N, step=ZC * NS)
    def _(r):
        pltpu.async_copy(rows_v.at[0].at[pl.ds(0, ZC)],
                         acc_sh.at[pl.ds(r, ZC)], zsem)

    @pl.loop(ZC * sid, N, step=ZC * NS)
    def _(r):
        pltpu.make_async_copy(rows_v.at[0].at[pl.ds(0, ZC)],
                              acc_sh.at[pl.ds(r, ZC)], zsem).wait()

    cps.wait()
    cpd.wait()
    plsc.subcore_barrier()

    def scat_wait(slot):
        pltpu.make_async_copy(rows_v.at[slot], acc_sh.at[dstage.at[0]],
                              ssems[slot]).wait()

    @pl.loop(0, GROUPS)
    def _(g):
        @pl.when(g > 0)
        def _():
            for k in range(NB):
                scat_wait((GRP - NB + k) % NB)
            pltpu.sync_copy(srcr_hbm.at[wid, g], sstage)
            pltpu.sync_copy(dstr_hbm.at[wid, g], dstage)

        copies = [None] * GRP
        copies[0] = pltpu.async_copy(bx_hbm.at[sstage.at[0]], rows_v.at[0], g0)
        for b in range(GRP):
            if b + 1 < GRP:
                nb = (b + 1) % NB
                if b + 1 >= NB:
                    scat_wait(nb)
                copies[b + 1] = pltpu.async_copy(
                    bx_hbm.at[sstage.at[b + 1]], rows_v.at[nb], gsems[nb])
            copies[b].wait()
            pltpu.async_copy(rows_v.at[b % NB], acc_sh.at[dstage.at[b]],
                             ssems[b % NB], add=True)

    for k in range(NB):
        scat_wait((GRP - NB + k) % NB)

    plsc.subcore_barrier()

    @pl.loop(ZC * sid, N, step=ZC * NS)
    def _(r):
        pltpu.async_copy(acc_sh.at[pl.ds(r, ZC)],
                         out_hbm.at[cid].at[pl.ds(r, ZC)], zsem)

    @pl.loop(ZC * sid, N, step=ZC * NS)
    def _(r):
        pltpu.make_async_copy(acc_sh.at[pl.ds(r, ZC)],
                              out_hbm.at[cid].at[pl.ds(r, ZC)], zsem).wait()


@jax.jit
def _sc_agg(bx, src, dst):
    mesh = plsc.VectorSubcoreMesh(core_axis_name="c", subcore_axis_name="s")
    f = pl.kernel(
        _sc_agg_kernel,
        mesh=mesh,
        out_type=jax.ShapeDtypeStruct((NC, N, D), jnp.float32),
        scratch_types=[
            pltpu.VMEM((GRP, CHUNK), jnp.int32),
            pltpu.VMEM((GRP, CHUNK), jnp.int32),
            pltpu.VMEM((NB, CHUNK, D), jnp.float32),
            pltpu.VMEM_SHARED((N, D), jnp.float32),
            pltpu.SemaphoreType.DMA,
            pltpu.SemaphoreType.DMA,
            pltpu.SemaphoreType.DMA,
            pltpu.SemaphoreType.DMA,
            pltpu.SemaphoreType.DMA,
            pltpu.SemaphoreType.DMA,
            pltpu.SemaphoreType.DMA,
            pltpu.SemaphoreType.DMA,
        ],
    )
    return f(bx, src.reshape(NC * NS, GROUPS, GRP, CHUNK),
             dst.reshape(NC * NS, GROUPS, GRP, CHUNK))



def kernel(X, E, snorm_n, snorm_e, params, edge_index):
    src = edge_index[0]
    dst = edge_index[1]
    layers = params['layers']

    H, bx = _emb_bx(X, params['emb_h_w'], params['emb_h_b'].reshape(1, D),
                    layers[0]['B_w'], layers[0]['B_b'].reshape(1, D))

    for l, lp in enumerate(layers):
        p = _sc_agg(bx, src, dst)
        aw, ab = lp['A_w'], lp['A_b'].reshape(1, D)
        g, b = lp['bn_g'].reshape(1, D), lp['bn_b'].reshape(1, D)
        if l + 1 < len(layers):
            nxt = layers[l + 1]
            H, bx = _mid_layer(H, p, snorm_n, aw, ab, g, b,
                               nxt['B_w'], nxt['B_b'].reshape(1, D))
        else:
            mlp = params['mlp']
            y = _last_layer(H, p, snorm_n, aw, ab, g, b,
                            mlp[0]['w'], mlp[0]['b'].reshape(1, D),
                            mlp[1]['w'], mlp[1]['b'].reshape(1, D),
                            mlp[2]['w'], mlp[2]['b'].reshape(1, D))

    return y

# --- scband reference (transcript-rebuilt; emitter-appended) ---
"""Pipeline reference for scband-normal-gcn-79199196938457 (READ-ONLY COPY).

The authoritative reference and input builder live on the scoring server;
editing this copy changes nothing except your own understanding.
"""

import jax, jax.numpy as jnp
import numpy as np

N = 10000
EDGES = 320000
D = 128
L_GCN = 4
L_MLP = 2


def _lin_params(key, din, dout):
    k1, k2 = jax.random.split(key)
    s = 1.0 / np.sqrt(din)
    w = jax.random.uniform(k1, (din, dout), minval=-s, maxval=s, dtype=jnp.float32)
    b = jax.random.uniform(k2, (dout,), minval=-s, maxval=s, dtype=jnp.float32)
    return w, b


def setup_inputs(seed: int = 0):
    key = jax.random.key(seed)
    ks = jax.random.split(key, 64)
    X = jax.random.normal(ks[0], (N, D), dtype=jnp.float32)
    edge_index = jax.random.randint(ks[1], (2, EDGES), 0, N, dtype=jnp.int32)
    E = jax.random.normal(ks[2], (EDGES, 1), dtype=jnp.float32)
    snorm_n = jax.random.uniform(ks[3], (N, 1), dtype=jnp.float32)
    snorm_e = jax.random.uniform(ks[4], (EDGES, 1), dtype=jnp.float32)

    emb_h_w, emb_h_b = _lin_params(ks[5], D, D)
    emb_e_w, emb_e_b = _lin_params(ks[6], 1, D)

    layers = []
    for l in range(L_GCN):
        A_w, A_b = _lin_params(ks[7 + 2 * l], D, D)
        B_w, B_b = _lin_params(ks[8 + 2 * l], D, D)
        layers.append({
            'A_w': A_w, 'A_b': A_b,
            'B_w': B_w, 'B_b': B_b,
            'bn_g': jnp.ones((D,), dtype=jnp.float32),
            'bn_b': jnp.zeros((D,), dtype=jnp.float32),
        })

    mlp = []
    for l in range(L_MLP + 1):
        w, b = _lin_params(ks[20 + l], D, D)
        mlp.append({'w': w, 'b': b})

    params = {
        'emb_h_w': emb_h_w, 'emb_h_b': emb_h_b,
        'emb_e_w': emb_e_w, 'emb_e_b': emb_e_b,
        'layers': layers,
        'mlp': mlp,
    }
    return {'X': X, 'E': E, 'snorm_n': snorm_n, 'snorm_e': snorm_e,
            'params': params, 'edge_index': edge_index}


def _batch_norm(h, g, b, eps=1e-5):
    mu = jnp.mean(h, axis=0)
    var = jnp.var(h, axis=0)
    return g * (h - mu) / jnp.sqrt(var + eps) + b


def reference(X, E, snorm_n, snorm_e, params, edge_index):
    src = edge_index[0]
    dst = edge_index[1]

    H = X @ params['emb_h_w'] + params['emb_h_b']
    Ee = E @ params['emb_e_w'] + params['emb_e_b']

    for lp in params['layers']:
        AX = H @ lp['A_w'] + lp['A_b']
        BX = H @ lp['B_w'] + lp['B_b']
        # message: Bx_j gathered from src nodes; reduce: sum into dst nodes
        msgs = jnp.take(BX, src, axis=0)
        agg = jax.ops.segment_sum(msgs, dst, num_segments=N)
        Hn = AX + agg
        Hn = Hn * snorm_n
        Hn = _batch_norm(Hn, lp['bn_g'], lp['bn_b'])
        Hn = jax.nn.relu(Hn)
        H = H + Hn

    # dgl.mean_nodes over a single graph -> [1, D]
    y = jnp.mean(H, axis=0, keepdims=True)
    for l in range(L_MLP):
        y = jax.nn.relu(y @ params['mlp'][l]['w'] + params['mlp'][l]['b'])
    y = y @ params['mlp'][L_MLP]['w'] + params['mlp'][L_MLP]['b']
    return y

if __name__ == "__main__":
    import jax
    _d = setup_inputs()
    print(jax.jit(kernel)(*tuple(_d.values())))

</pallas_src>

<mosaic_0001>
#map = affine_map<(d0, d1) -> (0, 0)>
#map1 = affine_map<(d0, d1) -> (0, 0, 0, 0)>
#map2 = affine_map<(d0, d1) -> (0, 0, 0)>
module attributes {stable_mosaic.version = 14 : i64} {
  func.func @_sc_agg_kernel(%arg0: i32, %arg1: i32, %arg2: memref<10000x128xf32, #tpu.memory_space<hbm>>, %arg3: memref<32x5x25x80xi32, #tpu.memory_space<hbm>>, %arg4: memref<32x5x25x80xi32, #tpu.memory_space<hbm>>, %arg5: memref<2x10000x128xf32, #tpu.memory_space<hbm>>, %arg6: memref<25x80xi32, #tpu.memory_space<vmem>>, %arg7: memref<25x80xi32, #tpu.memory_space<vmem>>, %arg8: memref<3x80x128xf32, #tpu.memory_space<vmem>>, %arg9: memref<10000x128xf32, #tpu.memory_space<vmem_shared>>, %arg10: memref<!tpu.dma_semaphore, #tpu.memory_space<semaphore_mem>>, %arg11: memref<!tpu.dma_semaphore, #tpu.memory_space<semaphore_mem>>, %arg12: memref<!tpu.dma_semaphore, #tpu.memory_space<semaphore_mem>>, %arg13: memref<!tpu.dma_semaphore, #tpu.memory_space<semaphore_mem>>, %arg14: memref<!tpu.dma_semaphore, #tpu.memory_space<semaphore_mem>>, %arg15: memref<!tpu.dma_semaphore, #tpu.memory_space<semaphore_mem>>, %arg16: memref<!tpu.dma_semaphore, #tpu.memory_space<semaphore_mem>>, %arg17: memref<!tpu.dma_semaphore, #tpu.memory_space<semaphore_mem>>) attributes {dimension_semantics = [#tpu.dimension_semantics<core_parallel>, #tpu.dimension_semantics<subcore_parallel>], iteration_bounds = array<i64: 2, 16>, scalar_prefetch = 0 : i64, scratch_operands = 12 : i64, tpu.core_type = #tpu.core_type<sc_vector_subcore>, window_params = [{transform_indices = #map}, {transform_indices = #map1}, {transform_indices = #map1}, {transform_indices = #map2}]} {
    %mul3A = arith.constant 16 : i32
    %mul3A_0 = arith.muli %arg0, %mul3A : i32
    %add3A = arith.addi %mul3A_0, %arg1 : i32
    %dma_start3A = arith.constant 0 : i32
    %dma_start3A_1 = arith.constant 0 : i32
    %dma_start3A_2 = arith.constant 0 : i32
    %dma_start3A_3 = tpu.memref_slice %arg3[%add3A, %dma_start3A, %dma_start3A_1, %dma_start3A_2] : memref<32x5x25x80xi32, #tpu.memory_space<hbm>> -> memref<1x1x25x80xi32, #tpu.memory_space<hbm>>
    %dma_start3A_4 = tpu.memref_squeeze %dma_start3A_3 : memref<1x1x25x80xi32, #tpu.memory_space<hbm>> -> memref<25x80xi32, #tpu.memory_space<hbm>>
    %dma_start3A_5 = arith.constant 0 : i32
    %dma_start3A_6 = arith.constant 0 : i32
    %dma_start3A_7 = tpu.memref_slice %arg3[%add3A, %dma_start3A, %dma_start3A_5, %dma_start3A_6] : memref<32x5x25x80xi32, #tpu.memory_space<hbm>> -> memref<1x1x25x80xi32, #tpu.memory_space<hbm>>
    %dma_start3A_8 = tpu.memref_squeeze %dma_start3A_7 : memref<1x1x25x80xi32, #tpu.memory_space<hbm>> -> memref<25x80xi32, #tpu.memory_space<hbm>>
    tpu.enqueue_dma source(%dma_start3A_8 : memref<25x80xi32, #tpu.memory_space<hbm>>) target(%arg6 : memref<25x80xi32, #tpu.memory_space<vmem>>) target_semaphore(%arg16 : memref<!tpu.dma_semaphore, #tpu.memory_space<semaphore_mem>>)
    %dma_start3A_9 = arith.constant 0 : i32
    %dma_start3A_10 = arith.constant 0 : i32
    %dma_start3A_11 = arith.constant 0 : i32
    %dma_start3A_12 = tpu.memref_slice %arg4[%add3A, %dma_start3A_9, %dma_start3A_10, %dma_start3A_11] : memref<32x5x25x80xi32, #tpu.memory_space<hbm>> -> memref<1x1x25x80xi32, #tpu.memory_space<hbm>>
    %dma_start3A_13 = tpu.memref_squeeze %dma_start3A_12 : memref<1x1x25x80xi32, #tpu.memory_space<hbm>> -> memref<25x80xi32, #tpu.memory_space<hbm>>
    %dma_start3A_14 = arith.constant 0 : i32
    %dma_start3A_15 = arith.constant 0 : i32
    %dma_start3A_16 = tpu.memref_slice %arg4[%add3A, %dma_start3A_9, %dma_start3A_14, %dma_start3A_15] : memref<32x5x25x80xi32, #tpu.memory_space<hbm>> -> memref<1x1x25x80xi32, #tpu.memory_space<hbm>>
    %dma_start3A_17 = tpu.memref_squeeze %dma_start3A_16 : memref<1x1x25x80xi32, #tpu.memory_space<hbm>> -> memref<25x80xi32, #tpu.memory_space<hbm>>
    tpu.enqueue_dma source(%dma_start3A_17 : memref<25x80xi32, #tpu.memory_space<hbm>>) target(%arg7 : memref<25x80xi32, #tpu.memory_space<vmem>>) target_semaphore(%arg16 : memref<!tpu.dma_semaphore, #tpu.memory_space<semaphore_mem>>)
    %scan3A = arith.constant 0 : i32
    %scan3A_18 = arith.constant 80 : i32
    %scan3A_19 = arith.addi %scan3A, %scan3A_18 : i32
    %scan3A_20 = arith.constant 1 : i32
    scf.for %scan3A_158 = %scan3A to %scan3A_19 step %scan3A_20  : i32 {
      %mul3A_159 = arith.constant 1 : i32
      %mul3A_160 = arith.muli %scan3A_158, %mul3A_159 : i32
      %add3A_161 = arith.constant 0 : i32
      %add3A_162 = arith.addi %add3A_161, %mul3A_160 : i32
      %scan3A_163 = arith.constant 0 : i32
      %scan3A_164 = arith.constant 8 : i32
      %scan3A_165 = arith.addi %scan3A_163, %scan3A_164 : i32
      %scan3A_166 = arith.constant 1 : i32
      scf.for %scan3A_168 = %scan3A_163 to %scan3A_165 step %scan3A_166  : i32 {
        %mul3A_169 = arith.constant 16 : i32
        %mul3A_170 = arith.muli %scan3A_168, %mul3A_169 : i32
        %add3A_171 = arith.constant 0 : i32
        %add3A_172 = arith.addi %add3A_171, %mul3A_170 : i32
        %broadcast_in_dim3A = arith.constant 0.000000e+00 : f32
        %broadcast_in_dim3A_173 = vector.broadcast %broadcast_in_dim3A : f32 to vector<16xf32>
        %swap3A = arith.constant 0 : i32
        %swap3A_174 = arith.index_cast %swap3A : i32 to index
        %swap3A_175 = arith.index_cast %add3A_162 : i32 to index
        %swap3A_176 = arith.index_cast %add3A_172 : i32 to index
        %swap3A_177 = tpu.vector_load %arg8[%swap3A_174, %swap3A_175, %swap3A_176] {strides = array<i32>} : memref<3x80x128xf32, #tpu.memory_space<vmem>>, vector<1x1x16xf32>,
        %swap3A_178 = vector.shape_cast %swap3A_177 : vector<1x1x16xf32> to vector<16xf32>
        %swap3A_179 = vector.shape_cast %broadcast_in_dim3A_173 : vector<16xf32> to vector<1x1x16xf32>
        tpu.vector_store %arg8[%swap3A_174, %swap3A_175, %swap3A_176], %swap3A_179 {strides = array<i32>} : memref<3x80x128xf32, #tpu.memory_space<vmem>>, vector<1x1x16xf32>,
      }
      %scan3A_167 = arith.constant 8 : i32
    }
    %scan3A_21 = arith.constant 80 : i32
    %mul3A_22 = arith.constant 80 : i32
    %mul3A_23 = arith.muli %mul3A_22, %arg1 : i32
    %sub3A = arith.constant 10000 : i32
    %sub3A_24 = arith.subi %sub3A, %mul3A_23 : i32
    %sub3A_25 = arith.constant 1280 : i32
    %sub3A_26 = arith.constant 1 : i32
    %sub3A_27 = arith.subi %sub3A_25, %sub3A_26 : i32
    %add3A_28 = arith.addi %sub3A_24, %sub3A_27 : i32
    %div3A = arith.constant 1280 : i32
    %div3A_29 = arith.divsi %add3A_28, %div3A : i32
    %while3A = arith.constant 1280 : i32
    %while3A_30 = arith.constant 0 : i32
    %while3A_31 = arith.subi %div3A_29, %while3A_30 : i32
    %while3A_32 = arith.addi %while3A_30, %while3A_31 : i32
    %while3A_33 = arith.constant 1 : i32
    %while3A_34 = arith.divsi %while3A_31, %while3A_33 : i32
    %while3A_35 = arith.muli %while3A_34, %while3A_33 : i32
    %while3A_36 = arith.addi %while3A_30, %while3A_35 : i32
    %while3A_37 = arith.constant 1 : i32
    scf.for %while3A_158 = %while3A_30 to %while3A_36 step %while3A_37  : i32 {
      %mul3A_159 = arith.muli %while3A_158, %while3A : i32
      %add3A_160 = arith.addi %mul3A_23, %mul3A_159 : i32
      %dma_start3A_161 = arith.constant 0 : i32
      %dma_start3A_162 = arith.constant 0 : i32
      %dma_start3A_163 = arith.constant 0 : i32
      %dma_start3A_164 = tpu.memref_slice %arg8[%dma_start3A_161, %dma_start3A_162, %dma_start3A_163] : memref<3x80x128xf32, #tpu.memory_space<vmem>> -> memref<1x80x128xf32, #tpu.memory_space<vmem>>
      %dma_start3A_165 = tpu.memref_squeeze %dma_start3A_164 : memref<1x80x128xf32, #tpu.memory_space<vmem>> -> memref<80x128xf32, #tpu.memory_space<vmem>>
      %dma_start3A_166 = arith.constant 0 : i32
      %dma_start3A_167 = arith.constant 0 : i32
      %dma_start3A_168 = tpu.memref_slice %dma_start3A_165[%dma_start3A_166, %dma_start3A_167] : memref<80x128xf32, #tpu.memory_space<vmem>> -> memref<80x128xf32, #tpu.memory_space<vmem>>
      %dma_start3A_169 = arith.constant 0 : i32
      %dma_start3A_170 = tpu.memref_slice %arg9[%add3A_160, %dma_start3A_169] : memref<10000x128xf32, #tpu.memory_space<vmem_shared>> -> memref<80x128xf32, #tpu.memory_space<vmem_shared>>
      %dma_start3A_171 = arith.constant 0 : i32
      %dma_start3A_172 = tpu.memref_slice %arg9[%add3A_160, %dma_start3A_171] : memref<10000x128xf32, #tpu.memory_space<vmem_shared>> -> memref<80x128xf32, #tpu.memory_space<vmem_shared>>
      %dma_start3A_173 = arith.constant 0 : i32
      %dma_start3A_174 = arith.constant 0 : i32
      %dma_start3A_175 = tpu.memref_slice %arg8[%dma_start3A_161, %dma_start3A_173, %dma_start3A_174] : memref<3x80x128xf32, #tpu.memory_space<vmem>> -> memref<1x80x128xf32, #tpu.memory_space<vmem>>
      %dma_start3A_176 = tpu.memref_squeeze %dma_start3A_175 : memref<1x80x128xf32, #tpu.memory_space<vmem>> -> memref<80x128xf32, #tpu.memory_space<vmem>>
      %dma_start3A_177 = arith.constant 0 : i32
      %dma_start3A_178 = arith.constant 0 : i32
      %dma_start3A_179 = tpu.memref_slice %dma_start3A_176[%dma_start3A_177, %dma_start3A_178] : memref<80x128xf32, #tpu.memory_space<vmem>> -> memref<80x128xf32, #tpu.memory_space<vmem>>
      tpu.enqueue_dma source(%dma_start3A_179 : memref<80x128xf32, #tpu.memory_space<vmem>>) target(%dma_start3A_172 : memref<80x128xf32, #tpu.memory_space<vmem_shared>>) target_semaphore(%arg17 : memref<!tpu.dma_semaphore, #tpu.memory_space<semaphore_mem>>)
    }
    %while3A_38 = arith.constant 1 : i32
    scf.for %while3A_158 = %while3A_36 to %while3A_32 step %while3A_38  : i32 {
      %mul3A_159 = arith.muli %while3A_158, %while3A : i32
      %add3A_160 = arith.addi %mul3A_23, %mul3A_159 : i32
      %dma_start3A_161 = arith.constant 0 : i32
      %dma_start3A_162 = arith.constant 0 : i32
      %dma_start3A_163 = arith.constant 0 : i32
      %dma_start3A_164 = tpu.memref_slice %arg8[%dma_start3A_161, %dma_start3A_162, %dma_start3A_163] : memref<3x80x128xf32, #tpu.memory_space<vmem>> -> memref<1x80x128xf32, #tpu.memory_space<vmem>>
      %dma_start3A_165 = tpu.memref_squeeze %dma_start3A_164 : memref<1x80x128xf32, #tpu.memory_space<vmem>> -> memref<80x128xf32, #tpu.memory_space<vmem>>
      %dma_start3A_166 = arith.constant 0 : i32
      %dma_start3A_167 = arith.constant 0 : i32
      %dma_start3A_168 = tpu.memref_slice %dma_start3A_165[%dma_start3A_166, %dma_start3A_167] : memref<80x128xf32, #tpu.memory_space<vmem>> -> memref<80x128xf32, #tpu.memory_space<vmem>>
      %dma_start3A_169 = arith.constant 0 : i32
      %dma_start3A_170 = tpu.memref_slice %arg9[%add3A_160, %dma_start3A_169] : memref<10000x128xf32, #tpu.memory_space<vmem_shared>> -> memref<80x128xf32, #tpu.memory_space<vmem_shared>>
      %dma_start3A_171 = arith.constant 0 : i32
      %dma_start3A_172 = tpu.memref_slice %arg9[%add3A_160, %dma_start3A_171] : memref<10000x128xf32, #tpu.memory_space<vmem_shared>> -> memref<80x128xf32, #tpu.memory_space<vmem_shared>>
      %dma_start3A_173 = arith.constant 0 : i32
      %dma_start3A_174 = arith.constant 0 : i32
      %dma_start3A_175 = tpu.memref_slice %arg8[%dma_start3A_161, %dma_start3A_173, %dma_start3A_174] : memref<3x80x128xf32, #tpu.memory_space<vmem>> -> memref<1x80x128xf32, #tpu.memory_space<vmem>>
      %dma_start3A_176 = tpu.memref_squeeze %dma_start3A_175 : memref<1x80x128xf32, #tpu.memory_space<vmem>> -> memref<80x128xf32, #tpu.memory_space<vmem>>
      %dma_start3A_177 = arith.constant 0 : i32
      %dma_start3A_178 = arith.constant 0 : i32
      %dma_start3A_179 = tpu.memref_slice %dma_start3A_176[%dma_start3A_177, %dma_start3A_178] : memref<80x128xf32, #tpu.memory_space<vmem>> -> memref<80x128xf32, #tpu.memory_space<vmem>>
      tpu.enqueue_dma source(%dma_start3A_179 : memref<80x128xf32, #tpu.memory_space<vmem>>) target(%dma_start3A_172 : memref<80x128xf32, #tpu.memory_space<vmem_shared>>) target_semaphore(%arg17 : memref<!tpu.dma_semaphore, #tpu.memory_space<semaphore_mem>>)
    }
    %mul3A_39 = arith.constant 80 : i32
    %mul3A_40 = arith.muli %mul3A_39, %arg1 : i32
    %sub3A_41 = arith.constant 10000 : i32
    %sub3A_42 = arith.subi %sub3A_41, %mul3A_40 : i32
    %sub3A_43 = arith.constant 1280 : i32
    %sub3A_44 = arith.constant 1 : i32
    %sub3A_45 = arith.subi %sub3A_43, %sub3A_44 : i32
    %add3A_46 = arith.addi %sub3A_42, %sub3A_45 : i32
    %div3A_47 = arith.constant 1280 : i32
    %div3A_48 = arith.divsi %add3A_46, %div3A_47 : i32
    %while3A_49 = arith.constant 1280 : i32
    %while3A_50 = arith.constant 0 : i32
    %while3A_51 = arith.subi %div3A_48, %while3A_50 : i32
    %while3A_52 = arith.addi %while3A_50, %while3A_51 : i32
    %while3A_53 = arith.constant 1 : i32
    %while3A_54 = arith.divsi %while3A_51, %while3A_53 : i32
    %while3A_55 = arith.muli %while3A_54, %while3A_53 : i32
    %while3A_56 = arith.addi %while3A_50, %while3A_55 : i32
    %while3A_57 = arith.constant 1 : i32
    scf.for %while3A_158 = %while3A_50 to %while3A_56 step %while3A_57  : i32 {
      %mul3A_159 = arith.muli %while3A_158, %while3A_49 : i32
      %add3A_160 = arith.addi %mul3A_40, %mul3A_159 : i32
      %dma_wait3A_161 = arith.constant 0 : i32
      %dma_wait3A_162 = arith.constant 0 : i32
      %dma_wait3A_163 = arith.constant 0 : i32
      %dma_wait3A_164 = tpu.memref_slice %arg8[%dma_wait3A_161, %dma_wait3A_162, %dma_wait3A_163] : memref<3x80x128xf32, #tpu.memory_space<vmem>> -> memref<1x80x128xf32, #tpu.memory_space<vmem>>
      %dma_wait3A_165 = tpu.memref_squeeze %dma_wait3A_164 : memref<1x80x128xf32, #tpu.memory_space<vmem>> -> memref<80x128xf32, #tpu.memory_space<vmem>>
      %dma_wait3A_166 = arith.constant 0 : i32
      %dma_wait3A_167 = arith.constant 0 : i32
      %dma_wait3A_168 = tpu.memref_slice %dma_wait3A_165[%dma_wait3A_166, %dma_wait3A_167] : memref<80x128xf32, #tpu.memory_space<vmem>> -> memref<80x128xf32, #tpu.memory_space<vmem>>
      %dma_wait3A_169 = arith.constant 0 : i32
      %dma_wait3A_170 = tpu.memref_slice %arg9[%add3A_160, %dma_wait3A_169] : memref<10000x128xf32, #tpu.memory_space<vmem_shared>> -> memref<80x128xf32, #tpu.memory_space<vmem_shared>>
      %dma_wait3A_171 = arith.constant 0 : i32
      %dma_wait3A_172 = tpu.memref_slice %arg9[%add3A_160, %dma_wait3A_171] : memref<10000x128xf32, #tpu.memory_space<vmem_shared>> -> memref<80x128xf32, #tpu.memory_space<vmem_shared>>
      %dma_wait3A_173 = arith.constant 0 : i32
      %dma_wait3A_174 = arith.constant 0 : i32
      %dma_wait3A_175 = tpu.memref_slice %arg8[%dma_wait3A_161, %dma_wait3A_173, %dma_wait3A_174] : memref<3x80x128xf32, #tpu.memory_space<vmem>> -> memref<1x80x128xf32, #tpu.memory_space<vmem>>
      %dma_wait3A_176 = tpu.memref_squeeze %dma_wait3A_175 : memref<1x80x128xf32, #tpu.memory_space<vmem>> -> memref<80x128xf32, #tpu.memory_space<vmem>>
      %dma_wait3A_177 = arith.constant 0 : i32
      %dma_wait3A_178 = arith.constant 0 : i32
      %dma_wait3A_179 = tpu.memref_slice %dma_wait3A_176[%dma_wait3A_177, %dma_wait3A_178] : memref<80x128xf32, #tpu.memory_space<vmem>> -> memref<80x128xf32, #tpu.memory_space<vmem>>
      tpu.wait_dma2 semaphore(%arg17 : memref<!tpu.dma_semaphore, #tpu.memory_space<semaphore_mem>>) src(%dma_wait3A_179 : memref<80x128xf32, #tpu.memory_space<vmem>>) dst(%dma_wait3A_172 : memref<80x128xf32, #tpu.memory_space<vmem_shared>>)
    }
    %while3A_58 = arith.constant 1 : i32
    scf.for %while3A_158 = %while3A_56 to %while3A_52 step %while3A_58  : i32 {
      %mul3A_159 = arith.muli %while3A_158, %while3A_49 : i32
      %add3A_160 = arith.addi %mul3A_40, %mul3A_159 : i32
      %dma_wait3A_161 = arith.constant 0 : i32
      %dma_wait3A_162 = arith.constant 0 : i32
      %dma_wait3A_163 = arith.constant 0 : i32
      %dma_wait3A_164 = tpu.memref_slice %arg8[%dma_wait3A_161, %dma_wait3A_162, %dma_wait3A_163] : memref<3x80x128xf32, #tpu.memory_space<vmem>> -> memref<1x80x128xf32, #tpu.memory_space<vmem>>
      %dma_wait3A_165 = tpu.memref_squeeze %dma_wait3A_164 : memref<1x80x128xf32, #tpu.memory_space<vmem>> -> memref<80x128xf32, #tpu.memory_space<vmem>>
      %dma_wait3A_166 = arith.constant 0 : i32
      %dma_wait3A_167 = arith.constant 0 : i32
      %dma_wait3A_168 = tpu.memref_slice %dma_wait3A_165[%dma_wait3A_166, %dma_wait3A_167] : memref<80x128xf32, #tpu.memory_space<vmem>> -> memref<80x128xf32, #tpu.memory_space<vmem>>
      %dma_wait3A_169 = arith.constant 0 : i32
      %dma_wait3A_170 = tpu.memref_slice %arg9[%add3A_160, %dma_wait3A_169] : memref<10000x128xf32, #tpu.memory_space<vmem_shared>> -> memref<80x128xf32, #tpu.memory_space<vmem_shared>>
      %dma_wait3A_171 = arith.constant 0 : i32
      %dma_wait3A_172 = tpu.memref_slice %arg9[%add3A_160, %dma_wait3A_171] : memref<10000x128xf32, #tpu.memory_space<vmem_shared>> -> memref<80x128xf32, #tpu.memory_space<vmem_shared>>
      %dma_wait3A_173 = arith.constant 0 : i32
      %dma_wait3A_174 = arith.constant 0 : i32
      %dma_wait3A_175 = tpu.memref_slice %arg8[%dma_wait3A_161, %dma_wait3A_173, %dma_wait3A_174] : memref<3x80x128xf32, #tpu.memory_space<vmem>> -> memref<1x80x128xf32, #tpu.memory_space<vmem>>
      %dma_wait3A_176 = tpu.memref_squeeze %dma_wait3A_175 : memref<1x80x128xf32, #tpu.memory_space<vmem>> -> memref<80x128xf32, #tpu.memory_space<vmem>>
      %dma_wait3A_177 = arith.constant 0 : i32
      %dma_wait3A_178 = arith.constant 0 : i32
      %dma_wait3A_179 = tpu.memref_slice %dma_wait3A_176[%dma_wait3A_177, %dma_wait3A_178] : memref<80x128xf32, #tpu.memory_space<vmem>> -> memref<80x128xf32, #tpu.memory_space<vmem>>
      tpu.wait_dma2 semaphore(%arg17 : memref<!tpu.dma_semaphore, #tpu.memory_space<semaphore_mem>>) src(%dma_wait3A_179 : memref<80x128xf32, #tpu.memory_space<vmem>>) dst(%dma_wait3A_172 : memref<80x128xf32, #tpu.memory_space<vmem_shared>>)
    }
    %dma_wait3A = arith.constant 0 : i32
    %dma_wait3A_59 = arith.constant 0 : i32
    %dma_wait3A_60 = arith.constant 0 : i32
    %dma_wait3A_61 = tpu.memref_slice %arg3[%add3A, %dma_wait3A, %dma_wait3A_59, %dma_wait3A_60] : memref<32x5x25x80xi32, #tpu.memory_space<hbm>> -> memref<1x1x25x80xi32, #tpu.memory_space<hbm>>
    %dma_wait3A_62 = tpu.memref_squeeze %dma_wait3A_61 : memref<1x1x25x80xi32, #tpu.memory_space<hbm>> -> memref<25x80xi32, #tpu.memory_space<hbm>>
    %dma_wait3A_63 = arith.constant 0 : i32
    %dma_wait3A_64 = arith.constant 0 : i32
    %dma_wait3A_65 = tpu.memref_slice %arg3[%add3A, %dma_wait3A, %dma_wait3A_63, %dma_wait3A_64] : memref<32x5x25x80xi32, #tpu.memory_space<hbm>> -> memref<1x1x25x80xi32, #tpu.memory_space<hbm>>
    %dma_wait3A_66 = tpu.memref_squeeze %dma_wait3A_65 : memref<1x1x25x80xi32, #tpu.memory_space<hbm>> -> memref<25x80xi32, #tpu.memory_space<hbm>>
    tpu.wait_dma2 semaphore(%arg16 : memref<!tpu.dma_semaphore, #tpu.memory_space<semaphore_mem>>) src(%dma_wait3A_66 : memref<25x80xi32, #tpu.memory_space<hbm>>) dst(%arg6 : memref<25x80xi32, #tpu.memory_space<vmem>>)
    %dma_wait3A_67 = arith.constant 0 : i32
    %dma_wait3A_68 = arith.constant 0 : i32
    %dma_wait3A_69 = arith.constant 0 : i32
    %dma_wait3A_70 = tpu.memref_slice %arg4[%add3A, %dma_wait3A_67, %dma_wait3A_68, %dma_wait3A_69] : memref<32x5x25x80xi32, #tpu.memory_space<hbm>> -> memref<1x1x25x80xi32, #tpu.memory_space<hbm>>
    %dma_wait3A_71 = tpu.memref_squeeze %dma_wait3A_70 : memref<1x1x25x80xi32, #tpu.memory_space<hbm>> -> memref<25x80xi32, #tpu.memory_space<hbm>>
    %dma_wait3A_72 = arith.constant 0 : i32
    %dma_wait3A_73 = arith.constant 0 : i32
    %dma_wait3A_74 = tpu.memref_slice %arg4[%add3A, %dma_wait3A_67, %dma_wait3A_72, %dma_wait3A_73] : memref<32x5x25x80xi32, #tpu.memory_space<hbm>> -> memref<1x1x25x80xi32, #tpu.memory_space<hbm>>
    %dma_wait3A_75 = tpu.memref_squeeze %dma_wait3A_74 : memref<1x1x25x80xi32, #tpu.memory_space<hbm>> -> memref<25x80xi32, #tpu.memory_space<hbm>>
    tpu.wait_dma2 semaphore(%arg16 : memref<!tpu.dma_semaphore, #tpu.memory_space<semaphore_mem>>) src(%dma_wait3A_75 : memref<25x80xi32, #tpu.memory_space<hbm>>) dst(%arg7 : memref<25x80xi32, #tpu.memory_space<vmem>>)
    %barrier3A = arith.constant 0 : index
    tpu.barrier barrier_id(%barrier3A)
    %scan3A_76 = arith.constant 0 : i32
    %scan3A_77 = arith.constant 5 : i32
    %scan3A_78 = arith.addi %scan3A_76, %scan3A_77 : i32
    %scan3A_79 = arith.constant 1 : i32
    scf.for %scan3A_158 = %scan3A_76 to %scan3A_78 step %scan3A_79  : i32 {
      %mul3A_159 = arith.constant 1 : i32
      %mul3A_160 = arith.muli %scan3A_158, %mul3A_159 : i32
      %add3A_161 = arith.constant 0 : i32
      %add3A_162 = arith.addi %add3A_161, %mul3A_160 : i32
      %gt3A = arith.constant 0 : i32
      %gt3A_163 = arith.cmpi sgt, %add3A_162, %gt3A : i32
      %convert_element_type3A = arith.extui %gt3A_163 : i1 to i32
      %cond3A = arith.constant 0 : i32
      %cond3A_164 = arith.cmpi ne, %convert_element_type3A, %cond3A : i32
      scf.if %cond3A_164 {
        %dma_wait3A_1329 = arith.constant 1 : i32
        %dma_wait3A_1330 = arith.constant 0 : i32
        %dma_wait3A_1331 = arith.constant 0 : i32
        %dma_wait3A_1332 = arith.constant 0 : i32
        %dma_wait3A_1333 = tpu.memref_slice %arg8[%dma_wait3A_1329, %dma_wait3A_1331, %dma_wait3A_1332] : memref<3x80x128xf32, #tpu.memory_space<vmem>> -> memref<1x80x128xf32, #tpu.memory_space<vmem>>
        %dma_wait3A_1334 = tpu.memref_squeeze %dma_wait3A_1333 : memref<1x80x128xf32, #tpu.memory_space<vmem>> -> memref<80x128xf32, #tpu.memory_space<vmem>>
        %dma_wait3A_1335 = arith.constant 0 : i32
        %dma_wait3A_1336 = tpu.memref_slice %arg7[%dma_wait3A_1330, %dma_wait3A_1335] : memref<25x80xi32, #tpu.memory_space<vmem>> -> memref<1x80xi32, #tpu.memory_space<vmem>>
        %dma_wait3A_1337 = tpu.memref_squeeze %dma_wait3A_1336 : memref<1x80xi32, #tpu.memory_space<vmem>> -> memref<80xi32, #tpu.memory_space<vmem>>
        %dma_wait3A_1338 = arith.constant 0 : i32
        %dma_wait3A_1339 = arith.constant 0 : i32
        %dma_wait3A_1340 = tpu.memref_slice %arg9[%dma_wait3A_1338, %dma_wait3A_1339] : memref<10000x128xf32, #tpu.memory_space<vmem_shared>> -> memref<10000x128xf32, #tpu.memory_space<vmem_shared>>
        tpu.wait_indirect_dma semaphore(%arg14 : memref<!tpu.dma_semaphore, #tpu.memory_space<semaphore_mem>>) src(%dma_wait3A_1334 : memref<80x128xf32, #tpu.memory_space<vmem>>) dst(%dma_wait3A_1340 : memref<10000x128xf32, #tpu.memory_space<vmem_shared>>)
        %dma_wait3A_1341 = arith.constant 2 : i32
        %dma_wait3A_1342 = arith.constant 0 : i32
        %dma_wait3A_1343 = arith.constant 0 : i32
        %dma_wait3A_1344 = arith.constant 0 : i32
        %dma_wait3A_1345 = tpu.memref_slice %arg8[%dma_wait3A_1341, %dma_wait3A_1343, %dma_wait3A_1344] : memref<3x80x128xf32, #tpu.memory_space<vmem>> -> memref<1x80x128xf32, #tpu.memory_space<vmem>>
        %dma_wait3A_1346 = tpu.memref_squeeze %dma_wait3A_1345 : memref<1x80x128xf32, #tpu.memory_space<vmem>> -> memref<80x128xf32, #tpu.memory_space<vmem>>
        %dma_wait3A_1347 = arith.constant 0 : i32
        %dma_wait3A_1348 = tpu.memref_slice %arg7[%dma_wait3A_1342, %dma_wait3A_1347] : memref<25x80xi32, #tpu.memory_space<vmem>> -> memref<1x80xi32, #tpu.memory_space<vmem>>
        %dma_wait3A_1349 = tpu.memref_squeeze %dma_wait3A_1348 : memref<1x80xi32, #tpu.memory_space<vmem>> -> memref<80xi32, #tpu.memory_space<vmem>>
        %dma_wait3A_1350 = arith.constant 0 : i32
        %dma_wait3A_1351 = arith.constant 0 : i32
        %dma_wait3A_1352 = tpu.memref_slice %arg9[%dma_wait3A_1350, %dma_wait3A_1351] : memref<10000x128xf32, #tpu.memory_space<vmem_shared>> -> memref<10000x128xf32, #tpu.memory_space<vmem_shared>>
        tpu.wait_indirect_dma semaphore(%arg15 : memref<!tpu.dma_semaphore, #tpu.memory_space<semaphore_mem>>) src(%dma_wait3A_1346 : memref<80x128xf32, #tpu.memory_space<vmem>>) dst(%dma_wait3A_1352 : memref<10000x128xf32, #tpu.memory_space<vmem_shared>>)
        %dma_wait3A_1353 = arith.constant 0 : i32
        %dma_wait3A_1354 = arith.constant 0 : i32
        %dma_wait3A_1355 = arith.constant 0 : i32
        %dma_wait3A_1356 = arith.constant 0 : i32
        %dma_wait3A_1357 = tpu.memref_slice %arg8[%dma_wait3A_1353, %dma_wait3A_1355, %dma_wait3A_1356] : memref<3x80x128xf32, #tpu.memory_space<vmem>> -> memref<1x80x128xf32, #tpu.memory_space<vmem>>
        %dma_wait3A_1358 = tpu.memref_squeeze %dma_wait3A_1357 : memref<1x80x128xf32, #tpu.memory_space<vmem>> -> memref<80x128xf32, #tpu.memory_space<vmem>>
        %dma_wait3A_1359 = arith.constant 0 : i32
        %dma_wait3A_1360 = tpu.memref_slice %arg7[%dma_wait3A_1354, %dma_wait3A_1359] : memref<25x80xi32, #tpu.memory_space<vmem>> -> memref<1x80xi32, #tpu.memory_space<vmem>>
        %dma_wait3A_1361 = tpu.memref_squeeze %dma_wait3A_1360 : memref<1x80xi32, #tpu.memory_space<vmem>> -> memref<80xi32, #tpu.memory_space<vmem>>
        %dma_wait3A_1362 = arith.constant 0 : i32
        %dma_wait3A_1363 = arith.constant 0 : i32
        %dma_wait3A_1364 = tpu.memref_slice %arg9[%dma_wait3A_1362, %dma_wait3A_1363] : memref<10000x128xf32, #tpu.memory_space<vmem_shared>> -> memref<10000x128xf32, #tpu.memory_space<vmem_shared>>
        tpu.wait_indirect_dma semaphore(%arg13 : memref<!tpu.dma_semaphore, #tpu.memory_space<semaphore_mem>>) src(%dma_wait3A_1358 : memref<80x128xf32, #tpu.memory_space<vmem>>) dst(%dma_wait3A_1364 : memref<10000x128xf32, #tpu.memory_space<vmem_shared>>)
        "tpu.region"() ({
          %run_scoped3A = tpu.sem_alloc : memref<!tpu.dma_semaphore, #tpu.memory_space<semaphore_mem>>
          %dma_start3A_1365 = arith.constant 0 : i32
          %dma_start3A_1366 = arith.constant 0 : i32
          %dma_start3A_1367 = tpu.memref_slice %arg3[%add3A, %add3A_162, %dma_start3A_1365, %dma_start3A_1366] : memref<32x5x25x80xi32, #tpu.memory_space<hbm>> -> memref<1x1x25x80xi32, #tpu.memory_space<hbm>>
          %dma_start3A_1368 = tpu.memref_squeeze %dma_start3A_1367 : memref<1x1x25x80xi32, #tpu.memory_space<hbm>> -> memref<25x80xi32, #tpu.memory_space<hbm>>
          %dma_start3A_1369 = arith.constant 0 : i32
          %dma_start3A_1370 = arith.constant 0 : i32
          %dma_start3A_1371 = tpu.memref_slice %arg3[%add3A, %add3A_162, %dma_start3A_1369, %dma_start3A_1370] : memref<32x5x25x80xi32, #tpu.memory_space<hbm>> -> memref<1x1x25x80xi32, #tpu.memory_space<hbm>>
          %dma_start3A_1372 = tpu.memref_squeeze %dma_start3A_1371 : memref<1x1x25x80xi32, #tpu.memory_space<hbm>> -> memref<25x80xi32, #tpu.memory_space<hbm>>
          tpu.enqueue_dma source(%dma_start3A_1372 : memref<25x80xi32, #tpu.memory_space<hbm>>) target(%arg6 : memref<25x80xi32, #tpu.memory_space<vmem>>) target_semaphore(%run_scoped3A : memref<!tpu.dma_semaphore, #tpu.memory_space<semaphore_mem>>)
          %dma_wait3A_1373 = arith.constant 0 : i32
          %dma_wait3A_1374 = arith.constant 0 : i32
          %dma_wait3A_1375 = tpu.memref_slice %arg3[%add3A, %add3A_162, %dma_wait3A_1373, %dma_wait3A_1374] : memref<32x5x25x80xi32, #tpu.memory_space<hbm>> -> memref<1x1x25x80xi32, #tpu.memory_space<hbm>>
          %dma_wait3A_1376 = tpu.memref_squeeze %dma_wait3A_1375 : memref<1x1x25x80xi32, #tpu.memory_space<hbm>> -> memref<25x80xi32, #tpu.memory_space<hbm>>
          %dma_wait3A_1377 = arith.constant 0 : i32
          %dma_wait3A_1378 = arith.constant 0 : i32
          %dma_wait3A_1379 = tpu.memref_slice %arg3[%add3A, %add3A_162, %dma_wait3A_1377, %dma_wait3A_1378] : memref<32x5x25x80xi32, #tpu.memory_space<hbm>> -> memref<1x1x25x80xi32, #tpu.memory_space<hbm>>
          %dma_wait3A_1380 = tpu.memref_squeeze %dma_wait3A_1379 : memref<1x1x25x80xi32, #tpu.memory_space<hbm>> -> memref<25x80xi32, #tpu.memory_space<hbm>>
          tpu.wait_dma2 semaphore(%run_scoped3A : memref<!tpu.dma_semaphore, #tpu.memory_space<semaphore_mem>>) src(%dma_wait3A_1380 : memref<25x80xi32, #tpu.memory_space<hbm>>) dst(%arg6 : memref<25x80xi32, #tpu.memory_space<vmem>>)
          tpu.yield
        }) : () -> ()
        "tpu.region"() ({
          %run_scoped3A = tpu.sem_alloc : memref<!tpu.dma_semaphore, #tpu.memory_space<semaphore_mem>>
          %dma_start3A_1365 = arith.constant 0 : i32
          %dma_start3A_1366 = arith.constant 0 : i32
          %dma_start3A_1367 = tpu.memref_slice %arg4[%add3A, %add3A_162, %dma_start3A_1365, %dma_start3A_1366] : memref<32x5x25x80xi32, #tpu.memory_space<hbm>> -> memref<1x1x25x80xi32, #tpu.memory_space<hbm>>
          %dma_start3A_1368 = tpu.memref_squeeze %dma_start3A_1367 : memref<1x1x25x80xi32, #tpu.memory_space<hbm>> -> memref<25x80xi32, #tpu.memory_space<hbm>>
          %dma_start3A_1369 = arith.constant 0 : i32
          %dma_start3A_1370 = arith.constant 0 : i32
          %dma_start3A_1371 = tpu.memref_slice %arg4[%add3A, %add3A_162, %dma_start3A_1369, %dma_start3A_1370] : memref<32x5x25x80xi32, #tpu.memory_space<hbm>> -> memref<1x1x25x80xi32, #tpu.memory_space<hbm>>
          %dma_start3A_1372 = tpu.memref_squeeze %dma_start3A_1371 : memref<1x1x25x80xi32, #tpu.memory_space<hbm>> -> memref<25x80xi32, #tpu.memory_space<hbm>>
          tpu.enqueue_dma source(%dma_start3A_1372 : memref<25x80xi32, #tpu.memory_space<hbm>>) target(%arg7 : memref<25x80xi32, #tpu.memory_space<vmem>>) target_semaphore(%run_scoped3A : memref<!tpu.dma_semaphore, #tpu.memory_space<semaphore_mem>>)
          %dma_wait3A_1373 = arith.constant 0 : i32
          %dma_wait3A_1374 = arith.constant 0 : i32
          %dma_wait3A_1375 = tpu.memref_slice %arg4[%add3A, %add3A_162, %dma_wait3A_1373, %dma_wait3A_1374] : memref<32x5x25x80xi32, #tpu.memory_space<hbm>> -> memref<1x1x25x80xi32, #tpu.memory_space<hbm>>
          %dma_wait3A_1376 = tpu.memref_squeeze %dma_wait3A_1375 : memref<1x1x25x80xi32, #tpu.memory_space<hbm>> -> memref<25x80xi32, #tpu.memory_space<hbm>>
          %dma_wait3A_1377 = arith.constant 0 : i32
          %dma_wait3A_1378 = arith.constant 0 : i32
          %dma_wait3A_1379 = tpu.memref_slice %arg4[%add3A, %add3A_162, %dma_wait3A_1377, %dma_wait3A_1378] : memref<32x5x25x80xi32, #tpu.memory_space<hbm>> -> memref<1x1x25x80xi32, #tpu.memory_space<hbm>>
          %dma_wait3A_1380 = tpu.memref_squeeze %dma_wait3A_1379 : memref<1x1x25x80xi32, #tpu.memory_space<hbm>> -> memref<25x80xi32, #tpu.memory_space<hbm>>
          tpu.wait_dma2 semaphore(%run_scoped3A : memref<!tpu.dma_semaphore, #tpu.memory_space<semaphore_mem>>) src(%dma_wait3A_1380 : memref<25x80xi32, #tpu.memory_space<hbm>>) dst(%arg7 : memref<25x80xi32, #tpu.memory_space<vmem>>)
          tpu.yield
        }) : () -> ()
      } else {
      }
      %dma_start3A_165 = arith.constant 0 : i32
      %dma_start3A_166 = arith.constant 0 : i32
      %dma_start3A_167 = arith.constant 0 : i32
      %dma_start3A_168 = arith.constant 0 : i32
      %dma_start3A_169 = tpu.memref_slice %arg8[%dma_start3A_166, %dma_start3A_167, %dma_start3A_168] : memref<3x80x128xf32, #tpu.memory_space<vmem>> -> memref<1x80x128xf32, #tpu.memory_space<vmem>>
      %dma_start3A_170 = tpu.memref_squeeze %dma_start3A_169 : memref<1x80x128xf32, #tpu.memory_space<vmem>> -> memref<80x128xf32, #tpu.memory_space<vmem>>
      %dma_start3A_171 = arith.constant 0 : i32
      %dma_start3A_172 = tpu.memref_slice %arg6[%dma_start3A_165, %dma_start3A_171] : memref<25x80xi32, #tpu.memory_space<vmem>> -> memref<1x80xi32, #tpu.memory_space<vmem>>
      %dma_start3A_173 = tpu.memref_squeeze %dma_start3A_172 : memref<1x80xi32, #tpu.memory_space<vmem>> -> memref<80xi32, #tpu.memory_space<vmem>>
      %dma_start3A_174 = arith.constant 0 : i32
      %dma_start3A_175 = arith.constant 0 : i32
      %dma_start3A_176 = tpu.memref_slice %arg2[%dma_start3A_174, %dma_start3A_175] : memref<10000x128xf32, #tpu.memory_space<hbm>> -> memref<10000x128xf32, #tpu.memory_space<hbm>>
      tpu.enqueue_indirect_dma source(%dma_start3A_176 : memref<10000x128xf32, #tpu.memory_space<hbm>>) target(%dma_start3A_170 : memref<80x128xf32, #tpu.memory_space<vmem>>) offsets(%dma_start3A_173 : memref<80xi32, #tpu.memory_space<vmem>>) semaphore(%arg10 : memref<!tpu.dma_semaphore, #tpu.memory_space<semaphore_mem>>)
      %dma_start3A_177 = arith.constant 1 : i32
      %dma_start3A_178 = arith.constant 1 : i32
      %dma_start3A_179 = arith.constant 0 : i32
      %dma_start3A_180 = arith.constant 0 : i32
      %dma_start3A_181 = tpu.memref_slice %arg8[%dma_start3A_178, %dma_start3A_179, %dma_start3A_180] : memref<3x80x128xf32, #tpu.memory_space<vmem>> -> memref<1x80x128xf32, #tpu.memory_space<vmem>>
      %dma_start3A_182 = tpu.memref_squeeze %dma_start3A_181 : memref<1x80x128xf32, #tpu.memory_space<vmem>> -> memref<80x128xf32, #tpu.memory_space<vmem>>
      %dma_start3A_183 = arith.constant 0 : i32
      %dma_start3A_184 = tpu.memref_slice %arg6[%dma_start3A_177, %dma_start3A_183] : memref<25x80xi32, #tpu.memory_space<vmem>> -> memref<1x80xi32, #tpu.memory_space<vmem>>
      %dma_start3A_185 = tpu.memref_squeeze %dma_start3A_184 : memref<1x80xi32, #tpu.memory_space<vmem>> -> memref<80xi32, #tpu.memory_space<vmem>>
      %dma_start3A_186 = arith.constant 0 : i32
      %dma_start3A_187 = arith.constant 0 : i32
      %dma_start3A_188 = tpu.memref_slice %arg2[%dma_start3A_186, %dma_start3A_187] : memref<10000x128xf32, #tpu.memory_space<hbm>> -> memref<10000x128xf32, #tpu.memory_space<hbm>>
      tpu.enqueue_indirect_dma source(%dma_start3A_188 : memref<10000x128xf32, #tpu.memory_space<hbm>>) target(%dma_start3A_182 : memref<80x128xf32, #tpu.memory_space<vmem>>) offsets(%dma_start3A_185 : memref<80xi32, #tpu.memory_space<vmem>>) semaphore(%arg11 : memref<!tpu.dma_semaphore, #tpu.memory_space<semaphore_mem>>)
      %dma_wait3A_189 = arith.constant 0 : i32
      %dma_wait3A_190 = arith.constant 0 : i32
      %dma_wait3A_191 = arith.constant 0 : i32
      %dma_wait3A_192 = arith.constant 0 : i32
      %dma_wait3A_193 = tpu.memref_slice %arg8[%dma_wait3A_190, %dma_wait3A_191, %dma_wait3A_192] : memref<3x80x128xf32, #tpu.memory_space<vmem>> -> memref<1x80x128xf32, #tpu.memory_space<vmem>>
      %dma_wait3A_194 = tpu.memref_squeeze %dma_wait3A_193 : memref<1x80x128xf32, #tpu.memory_space<vmem>> -> memref<80x128xf32, #tpu.memory_space<vmem>>
      %dma_wait3A_195 = arith.constant 0 : i32
      %dma_wait3A_196 = tpu.memref_slice %arg6[%dma_wait3A_189, %dma_wait3A_195] : memref<25x80xi32, #tpu.memory_space<vmem>> -> memref<1x80xi32, #tpu.memory_space<vmem>>
      %dma_wait3A_197 = tpu.memref_squeeze %dma_wait3A_196 : memref<1x80xi32, #tpu.memory_space<vmem>> -> memref<80xi32, #tpu.memory_space<vmem>>
      %dma_wait3A_198 = arith.constant 0 : i32
      %dma_wait3A_199 = arith.constant 0 : i32
      %dma_wait3A_200 = tpu.memref_slice %arg2[%dma_wait3A_198, %dma_wait3A_199] : memref<10000x128xf32, #tpu.memory_space<hbm>> -> memref<10000x128xf32, #tpu.memory_space<hbm>>
      tpu.wait_indirect_dma semaphore(%arg10 : memref<!tpu.dma_semaphore, #tpu.memory_space<semaphore_mem>>) src(%dma_wait3A_200 : memref<10000x128xf32, #tpu.memory_space<hbm>>) dst(%dma_wait3A_194 : memref<80x128xf32, #tpu.memory_space<vmem>>)
      %dma_start3A_201 = arith.constant 0 : i32
      %dma_start3A_202 = arith.constant 0 : i32
      %dma_start3A_203 = arith.constant 0 : i32
      %dma_start3A_204 = arith.constant 0 : i32
      %dma_start3A_205 = tpu.memref_slice %arg8[%dma_start3A_201, %dma_start3A_203, %dma_start3A_204] : memref<3x80x128xf32, #tpu.memory_space<vmem>> -> memref<1x80x128xf32, #tpu.memory_space<vmem>>
      %dma_start3A_206 = tpu.memref_squeeze %dma_start3A_205 : memref<1x80x128xf32, #tpu.memory_space<vmem>> -> memref<80x128xf32, #tpu.memory_space<vmem>>
      %dma_start3A_207 = arith.constant 0 : i32
      %dma_start3A_208 = tpu.memref_slice %arg7[%dma_start3A_202, %dma_start3A_207] : memref<25x80xi32, #tpu.memory_space<vmem>> -> memref<1x80xi32, #tpu.memory_space<vmem>>
      %dma_start3A_209 = tpu.memref_squeeze %dma_start3A_208 : memref<1x80xi32, #tpu.memory_space<vmem>> -> memref<80xi32, #tpu.memory_space<vmem>>
      %dma_start3A_210 = arith.constant 0 : i32
      %dma_start3A_211 = arith.constant 0 : i32
      %dma_start3A_212 = tpu.memref_slice %arg9[%dma_start3A_210, %dma_start3A_211] : memref<10000x128xf32, #tpu.memory_space<vmem_shared>> -> memref<10000x128xf32, #tpu.memory_space<vmem_shared>>
      tpu.enqueue_indirect_dma source(%dma_start3A_206 : memref<80x128xf32, #tpu.memory_space<vmem>>) target(%dma_start3A_212 : memref<10000x128xf32, #tpu.memory_space<vmem_shared>>) offsets(%dma_start3A_209 : memref<80xi32, #tpu.memory_space<vmem>>) semaphore(%arg13 : memref<!tpu.dma_semaphore, #tpu.memory_space<semaphore_mem>>) {add = true}
      %dma_start3A_213 = arith.constant 2 : i32
      %dma_start3A_214 = arith.constant 2 : i32
      %dma_start3A_215 = arith.constant 0 : i32
      %dma_start3A_216 = arith.constant 0 : i32
      %dma_start3A_217 = tpu.memref_slice %arg8[%dma_start3A_214, %dma_start3A_215, %dma_start3A_216] : memref<3x80x128xf32, #tpu.memory_space<vmem>> -> memref<1x80x128xf32, #tpu.memory_space<vmem>>
      %dma_start3A_218 = tpu.memref_squeeze %dma_start3A_217 : memref<1x80x128xf32, #tpu.memory_space<vmem>> -> memref<80x128xf32, #tpu.memory_space<vmem>>
      %dma_start3A_219 = arith.constant 0 : i32
      %dma_start3A_220 = tpu.memref_slice %arg6[%dma_start3A_213, %dma_start3A_219] : memref<25x80xi32, #tpu.memory_space<vmem>> -> memref<1x80xi32, #tpu.memory_space<vmem>>
      %dma_start3A_221 = tpu.memref_squeeze %dma_start3A_220 : memref<1x80xi32, #tpu.memory_space<vmem>> -> memref<80xi32, #tpu.memory_space<vmem>>
      %dma_start3A_222 = arith.constant 0 : i32
      %dma_start3A_223 = arith.constant 0 : i32
      %dma_start3A_224 = tpu.memref_slice %arg2[%dma_start3A_222, %dma_start3A_223] : memref<10000x128xf32, #tpu.memory_space<hbm>> -> memref<10000x128xf32, #tpu.memory_space<hbm>>
      tpu.enqueue_indirect_dma source(%dma_start3A_224 : memref<10000x128xf32, #tpu.memory_space<hbm>>) target(%dma_start3A_218 : memref<80x128xf32, #tpu.memory_space<vmem>>) offsets(%dma_start3A_221 : memref<80xi32, #tpu.memory_space<vmem>>) semaphore(%arg12 : memref<!tpu.dma_semaphore, #tpu.memory_space<semaphore_mem>>)
      %dma_wait3A_225 = arith.constant 1 : i32
      %dma_wait3A_226 = arith.constant 1 : i32
      %dma_wait3A_227 = arith.constant 0 : i32
      %dma_wait3A_228 = arith.constant 0 : i32
      %dma_wait3A_229 = tpu.memref_slice %arg8[%dma_wait3A_226, %dma_wait3A_227, %dma_wait3A_228] : memref<3x80x128xf32, #tpu.memory_space<vmem>> -> memref<1x80x128xf32, #tpu.memory_space<vmem>>
      %dma_wait3A_230 = tpu.memref_squeeze %dma_wait3A_229 : memref<1x80x128xf32, #tpu.memory_space<vmem>> -> memref<80x128xf32, #tpu.memory_space<vmem>>
      %dma_wait3A_231 = arith.constant 0 : i32
      %dma_wait3A_232 = tpu.memref_slice %arg6[%dma_wait3A_225, %dma_wait3A_231] : memref<25x80xi32, #tpu.memory_space<vmem>> -> memref<1x80xi32, #tpu.memory_space<vmem>>
      %dma_wait3A_233 = tpu.memref_squeeze %dma_wait3A_232 : memref<1x80xi32, #tpu.memory_space<vmem>> -> memref<80xi32, #tpu.memory_space<vmem>>
      %dma_wait3A_234 = arith.constant 0 : i32
      %dma_wait3A_235 = arith.constant 0 : i32
      %dma_wait3A_236 = tpu.memref_slice %arg2[%dma_wait3A_234, %dma_wait3A_235] : memref<10000x128xf32, #tpu.memory_space<hbm>> -> memref<10000x128xf32, #tpu.memory_space<hbm>>
      tpu.wait_indirect_dma semaphore(%arg11 : memref<!tpu.dma_semaphore, #tpu.memory_space<semaphore_mem>>) src(%dma_wait3A_236 : memref<10000x128xf32, #tpu.memory_space<hbm>>) dst(%dma_wait3A_230 : memref<80x128xf32, #tpu.memory_space<vmem>>)
      %dma_start3A_237 = arith.constant 1 : i32
      %dma_start3A_238 = arith.constant 1 : i32
      %dma_start3A_239 = arith.constant 0 : i32
      %dma_start3A_240 = arith.constant 0 : i32
      %dma_start3A_241 = tpu.memref_slice %arg8[%dma_start3A_237, %dma_start3A_239, %dma_start3A_240] : memref<3x80x128xf32, #tpu.memory_space<vmem>> -> memref<1x80x128xf32, #tpu.memory_space<vmem>>
      %dma_start3A_242 = tpu.memref_squeeze %dma_start3A_241 : memref<1x80x128xf32, #tpu.memory_space<vmem>> -> memref<80x128xf32, #tpu.memory_space<vmem>>
      %dma_start3A_243 = arith.constant 0 : i32
      %dma_start3A_244 = tpu.memref_slice %arg7[%dma_start3A_238, %dma_start3A_243] : memref<25x80xi32, #tpu.memory_space<vmem>> -> memref<1x80xi32, #tpu.memory_space<vmem>>
      %dma_start3A_245 = tpu.memref_squeeze %dma_start3A_244 : memref<1x80xi32, #tpu.memory_space<vmem>> -> memref<80xi32, #tpu.memory_space<vmem>>
      %dma_start3A_246 = arith.constant 0 : i32
      %dma_start3A_247 = arith.constant 0 : i32
      %dma_start3A_248 = tpu.memref_slice %arg9[%dma_start3A_246, %dma_start3A_247] : memref<10000x128xf32, #tpu.memory_space<vmem_shared>> -> memref<10000x128xf32, #tpu.memory_space<vmem_shared>>
      tpu.enqueue_indirect_dma source(%dma_start3A_242 : memref<80x128xf32, #tpu.memory_space<vmem>>) target(%dma_start3A_248 : memref<10000x128xf32, #tpu.memory_space<vmem_shared>>) offsets(%dma_start3A_245 : memref<80xi32, #tpu.memory_space<vmem>>) semaphore(%arg14 : memref<!tpu.dma_semaphore, #tpu.memory_space<semaphore_mem>>) {add = true}
      %dma_wait3A_249 = arith.constant 0 : i32
      %dma_wait3A_250 = arith.constant 0 : i32
      %dma_wait3A_251 = arith.constant 0 : i32
      %dma_wait3A_252 = arith.constant 0 : i32
      %dma_wait3A_253 = tpu.memref_slice %arg8[%dma_wait3A_249, %dma_wait3A_251, %dma_wait3A_252] : memref<3x80x128xf32, #tpu.memory_space<vmem>> -> memref<1x80x128xf32, #tpu.memory_space<vmem>>
      %dma_wait3A_254 = tpu.memref_squeeze %dma_wait3A_253 : memref<1x80x128xf32, #tpu.memory_space<vmem>> -> memref<80x128xf32, #tpu.memory_space<vmem>>
      %dma_wait3A_255 = arith.constant 0 : i32
      %dma_wait3A_256 = tpu.memref_slice %arg7[%dma_wait3A_250, %dma_wait3A_255] : memref<25x80xi32, #tpu.memory_space<vmem>> -> memref<1x80xi32, #tpu.memory_space<vmem>>
      %dma_wait3A_257 = tpu.memref_squeeze %dma_wait3A_256 : memref<1x80xi32, #tpu.memory_space<vmem>> -> memref<80xi32, #tpu.memory_space<vmem>>
      %dma_wait3A_258 = arith.constant 0 : i32
      %dma_wait3A_259 = arith.constant 0 : i32
      %dma_wait3A_260 = tpu.memref_slice %arg9[%dma_wait3A_258, %dma_wait3A_259] : memref<10000x128xf32, #tpu.memory_space<vmem_shared>> -> memref<10000x128xf32, #tpu.memory_space<vmem_shared>>
      tpu.wait_indirect_dma semaphore(%arg13 : memref<!tpu.dma_semaphore, #tpu.memory_space<semaphore_mem>>) src(%dma_wait3A_254 : memref<80x128xf32, #tpu.memory_space<vmem>>) dst(%dma_wait3A_260 : memref<10000x128xf32, #tpu.memory_space<vmem_shared>>)
      %dma_start3A_261 = arith.constant 3 : i32
      %dma_start3A_262 = arith.constant 0 : i32
      %dma_start3A_263 = arith.constant 0 : i32
      %dma_start3A_264 = arith.constant 0 : i32
      %dma_start3A_265 = tpu.memref_slice %arg8[%dma_start3A_262, %dma_start3A_263, %dma_start3A_264] : memref<3x80x128xf32, #tpu.memory_space<vmem>> -> memref<1x80x128xf32, #tpu.memory_space<vmem>>
      %dma_start3A_266 = tpu.memref_squeeze %dma_start3A_265 : memref<1x80x128xf32, #tpu.memory_space<vmem>> -> memref<80x128xf32, #tpu.memory_space<vmem>>
      %dma_start3A_267 = arith.constant 0 : i32
      %dma_start3A_268 = tpu.memref_slice %arg6[%dma_start3A_261, %dma_start3A_267] : memref<25x80xi32, #tpu.memory_space<vmem>> -> memref<1x80xi32, #tpu.memory_space<vmem>>
      %dma_start3A_269 = tpu.memref_squeeze %dma_start3A_268 : memref<1x80xi32, #tpu.memory_space<vmem>> -> memref<80xi32, #tpu.memory_space<vmem>>
      %dma_start3A_270 = arith.constant 0 : i32
      %dma_start3A_271 = arith.constant 0 : i32
      %dma_start3A_272 = tpu.memref_slice %arg2[%dma_start3A_270, %dma_start3A_271] : memref<10000x128xf32, #tpu.memory_space<hbm>> -> memref<10000x128xf32, #tpu.memory_space<hbm>>
      tpu.enqueue_indirect_dma source(%dma_start3A_272 : memref<10000x128xf32, #tpu.memory_space<hbm>>) target(%dma_start3A_266 : memref<80x128xf32, #tpu.memory_space<vmem>>) offsets(%dma_start3A_269 : memref<80xi32, #tpu.memory_space<vmem>>) semaphore(%arg10 : memref<!tpu.dma_semaphore, #tpu.memory_space<semaphore_mem>>)
      %dma_wait3A_273 = arith.constant 2 : i32
      %dma_wait3A_274 = arith.constant 2 : i32
      %dma_wait3A_275 = arith.constant 0 : i32
      %dma_wait3A_276 = arith.constant 0 : i32
      %dma_wait3A_277 = tpu.memref_slice %arg8[%dma_wait3A_274, %dma_wait3A_275, %dma_wait3A_276] : memref<3x80x128xf32, #tpu.memory_space<vmem>> -> memref<1x80x128xf32, #tpu.memory_space<vmem>>
      %dma_wait3A_278 = tpu.memref_squeeze %dma_wait3A_277 : memref<1x80x128xf32, #tpu.memory_space<vmem>> -> memref<80x128xf32, #tpu.memory_space<vmem>>
      %dma_wait3A_279 = arith.constant 0 : i32
      %dma_wait3A_280 = tpu.memref_slice %arg6[%dma_wait3A_273, %dma_wait3A_279] : memref<25x80xi32, #tpu.memory_space<vmem>> -> memref<1x80xi32, #tpu.memory_space<vmem>>
      %dma_wait3A_281 = tpu.memref_squeeze %dma_wait3A_280 : memref<1x80xi32, #tpu.memory_space<vmem>> -> memref<80xi32, #tpu.memory_space<vmem>>
      %dma_wait3A_282 = arith.constant 0 : i32
      %dma_wait3A_283 = arith.constant 0 : i32
      %dma_wait3A_284 = tpu.memref_slice %arg2[%dma_wait3A_282, %dma_wait3A_283] : memref<10000x128xf32, #tpu.memory_space<hbm>> -> memref<10000x128xf32, #tpu.memory_space<hbm>>
      tpu.wait_indirect_dma semaphore(%arg12 : memref<!tpu.dma_semaphore, #tpu.memory_space<semaphore_mem>>) src(%dma_wait3A_284 : memref<10000x128xf32, #tpu.memory_space<hbm>>) dst(%dma_wait3A_278 : memref<80x128xf32, #tpu.memory_space<vmem>>)
      %dma_start3A_285 = arith.constant 2 : i32
      %dma_start3A_286 = arith.constant 2 : i32
      %dma_start3A_287 = arith.constant 0 : i32
      %dma_start3A_288 = arith.constant 0 : i32
      %dma_start3A_289 = tpu.memref_slice %arg8[%dma_start3A_285, %dma_start3A_287, %dma_start3A_288] : memref<3x80x128xf32, #tpu.memory_space<vmem>> -> memref<1x80x128xf32, #tpu.memory_space<vmem>>
      %dma_start3A_290 = tpu.memref_squeeze %dma_start3A_289 : memref<1x80x128xf32, #tpu.memory_space<vmem>> -> memref<80x128xf32, #tpu.memory_space<vmem>>
      %dma_start3A_291 = arith.constant 0 : i32
      %dma_start3A_292 = tpu.memref_slice %arg7[%dma_start3A_286, %dma_start3A_291] : memref<25x80xi32, #tpu.memory_space<vmem>> -> memref<1x80xi32, #tpu.memory_space<vmem>>
      %dma_start3A_293 = tpu.memref_squeeze %dma_start3A_292 : memref<1x80xi32, #tpu.memory_space<vmem>> -> memref<80xi32, #tpu.memory_space<vmem>>
      %dma_start3A_294 = arith.constant 0 : i32
      %dma_start3A_295 = arith.constant 0 : i32
      %dma_start3A_296 = tpu.memref_slice %arg9[%dma_start3A_294, %dma_start3A_295] : memref<10000x128xf32, #tpu.memory_space<vmem_shared>> -> memref<10000x128xf32, #tpu.memory_space<vmem_shared>>
      tpu.enqueue_indirect_dma source(%dma_start3A_290 : memref<80x128xf32, #tpu.memory_space<vmem>>) target(%dma_start3A_296 : memref<10000x128xf32, #tpu.memory_space<vmem_shared>>) offsets(%dma_start3A_293 : memref<80xi32, #tpu.memory_space<vmem>>) semaphore(%arg15 : memref<!tpu.dma_semaphore, #tpu.memory_space<semaphore_mem>>) {add = true}
      %dma_wait3A_297 = arith.constant 1 : i32
      %dma_wait3A_298 = arith.constant 0 : i32
      %dma_wait3A_299 = arith.constant 0 : i32
      %dma_wait3A_300 = arith.constant 0 : i32
      %dma_wait3A_301 = tpu.memref_slice %arg8[%dma_wait3A_297, %dma_wait3A_299, %dma_wait3A_300] : memref<3x80x128xf32, #tpu.memory_space<vmem>> -> memref<1x80x128xf32, #tpu.memory_space<vmem>>
      %dma_wait3A_302 = tpu.memref_squeeze %dma_wait3A_301 : memref<1x80x128xf32, #tpu.memory_space<vmem>> -> memref<80x128xf32, #tpu.memory_space<vmem>>
      %dma_wait3A_303 = arith.constant 0 : i32
      %dma_wait3A_304 = tpu.memref_slice %arg7[%dma_wait3A_298, %dma_wait3A_303] : memref<25x80xi32, #tpu.memory_space<vmem>> -> memref<1x80xi32, #tpu.memory_space<vmem>>
      %dma_wait3A_305 = tpu.memref_squeeze %dma_wait3A_304 : memref<1x80xi32, #tpu.memory_space<vmem>> -> memref<80xi32, #tpu.memory_space<vmem>>
      %dma_wait3A_306 = arith.constant 0 : i32
      %dma_wait3A_307 = arith.constant 0 : i32
      %dma_wait3A_308 = tpu.memref_slice %arg9[%dma_wait3A_306, %dma_wait3A_307] : memref<10000x128xf32, #tpu.memory_space<vmem_shared>> -> memref<10000x128xf32, #tpu.memory_space<vmem_shared>>
      tpu.wait_indirect_dma semaphore(%arg14 : memref<!tpu.dma_semaphore, #tpu.memory_space<semaphore_mem>>) src(%dma_wait3A_302 : memref<80x128xf32, #tpu.memory_space<vmem>>) dst(%dma_wait3A_308 : memref<10000x128xf32, #tpu.memory_space<vmem_shared>>)
      %dma_start3A_309 = arith.constant 4 : i32
      %dma_start3A_310 = arith.constant 1 : i32
      %dma_start3A_311 = arith.constant 0 : i32
      %dma_start3A_312 = arith.constant 0 : i32
      %dma_start3A_313 = tpu.memref_slice %arg8[%dma_start3A_310, %dma_start3A_311, %dma_start3A_312] : memref<3x80x128xf32, #tpu.memory_space<vmem>> -> memref<1x80x128xf32, #tpu.memory_space<vmem>>
      %dma_start3A_314 = tpu.memref_squeeze %dma_start3A_313 : memref<1x80x128xf32, #tpu.memory_space<vmem>> -> memref<80x128xf32, #tpu.memory_space<vmem>>
      %dma_start3A_315 = arith.constant 0 : i32
      %dma_start3A_316 = tpu.memref_slice %arg6[%dma_start3A_309, %dma_start3A_315] : memref<25x80xi32, #tpu.memory_space<vmem>> -> memref<1x80xi32, #tpu.memory_space<vmem>>
      %dma_start3A_317 = tpu.memref_squeeze %dma_start3A_316 : memref<1x80xi32, #tpu.memory_space<vmem>> -> memref<80xi32, #tpu.memory_space<vmem>>
      %dma_start3A_318 = arith.constant 0 : i32
      %dma_start3A_319 = arith.constant 0 : i32
      %dma_start3A_320 = tpu.memref_slice %arg2[%dma_start3A_318, %dma_start3A_319] : memref<10000x128xf32, #tpu.memory_space<hbm>> -> memref<10000x128xf32, #tpu.memory_space<hbm>>
      tpu.enqueue_indirect_dma source(%dma_start3A_320 : memref<10000x128xf32, #tpu.memory_space<hbm>>) target(%dma_start3A_314 : memref<80x128xf32, #tpu.memory_space<vmem>>) offsets(%dma_start3A_317 : memref<80xi32, #tpu.memory_space<vmem>>) semaphore(%arg11 : memref<!tpu.dma_semaphore, #tpu.memory_space<semaphore_mem>>)
      %dma_wait3A_321 = arith.constant 3 : i32
      %dma_wait3A_322 = arith.constant 0 : i32
      %dma_wait3A_323 = arith.constant 0 : i32
      %dma_wait3A_324 = arith.constant 0 : i32
      %dma_wait3A_325 = tpu.memref_slice %arg8[%dma_wait3A_322, %dma_wait3A_323, %dma_wait3A_324] : memref<3x80x128xf32, #tpu.memory_space<vmem>> -> memref<1x80x128xf32, #tpu.memory_space<vmem>>
      %dma_wait3A_326 = tpu.memref_squeeze %dma_wait3A_325 : memref<1x80x128xf32, #tpu.memory_space<vmem>> -> memref<80x128xf32, #tpu.memory_space<vmem>>
      %dma_wait3A_327 = arith.constant 0 : i32
      %dma_wait3A_328 = tpu.memref_slice %arg6[%dma_wait3A_321, %dma_wait3A_327] : memref<25x80xi32, #tpu.memory_space<vmem>> -> memref<1x80xi32, #tpu.memory_space<vmem>>
      %dma_wait3A_329 = tpu.memref_squeeze %dma_wait3A_328 : memref<1x80xi32, #tpu.memory_space<vmem>> -> memref<80xi32, #tpu.memory_space<vmem>>
      %dma_wait3A_330 = arith.constant 0 : i32
      %dma_wait3A_331 = arith.constant 0 : i32
      %dma_wait3A_332 = tpu.memref_slice %arg2[%dma_wait3A_330, %dma_wait3A_331] : memref<10000x128xf32, #tpu.memory_space<hbm>> -> memref<10000x128xf32, #tpu.memory_space<hbm>>
      tpu.wait_indirect_dma semaphore(%arg10 : memref<!tpu.dma_semaphore, #tpu.memory_space<semaphore_mem>>) src(%dma_wait3A_332 : memref<10000x128xf32, #tpu.memory_space<hbm>>) dst(%dma_wait3A_326 : memref<80x128xf32, #tpu.memory_space<vmem>>)
      %dma_start3A_333 = arith.constant 0 : i32
      %dma_start3A_334 = arith.constant 3 : i32
      %dma_start3A_335 = arith.constant 0 : i32
      %dma_start3A_336 = arith.constant 0 : i32
      %dma_start3A_337 = tpu.memref_slice %arg8[%dma_start3A_333, %dma_start3A_335, %dma_start3A_336] : memref<3x80x128xf32, #tpu.memory_space<vmem>> -> memref<1x80x128xf32, #tpu.memory_space<vmem>>
      %dma_start3A_338 = tpu.memref_squeeze %dma_start3A_337 : memref<1x80x128xf32, #tpu.memory_space<vmem>> -> memref<80x128xf32, #tpu.memory_space<vmem>>
      %dma_start3A_339 = arith.constant 0 : i32
      %dma_start3A_340 = tpu.memref_slice %arg7[%dma_start3A_334, %dma_start3A_339] : memref<25x80xi32, #tpu.memory_space<vmem>> -> memref<1x80xi32, #tpu.memory_space<vmem>>
      %dma_start3A_341 = tpu.memref_squeeze %dma_start3A_340 : memref<1x80xi32, #tpu.memory_space<vmem>> -> memref<80xi32, #tpu.memory_space<vmem>>
      %dma_start3A_342 = arith.constant 0 : i32
      %dma_start3A_343 = arith.constant 0 : i32
      %dma_start3A_344 = tpu.memref_slice %arg9[%dma_start3A_342, %dma_start3A_343] : memref<10000x128xf32, #tpu.memory_space<vmem_shared>> -> memref<10000x128xf32, #tpu.memory_space<vmem_shared>>
      tpu.enqueue_indirect_dma source(%dma_start3A_338 : memref<80x128xf32, #tpu.memory_space<vmem>>) target(%dma_start3A_344 : memref<10000x128xf32, #tpu.memory_space<vmem_shared>>) offsets(%dma_start3A_341 : memref<80xi32, #tpu.memory_space<vmem>>) semaphore(%arg13 : memref<!tpu.dma_semaphore, #tpu.memory_space<semaphore_mem>>) {add = true}
      %dma_wait3A_345 = arith.constant 2 : i32
      %dma_wait3A_346 = arith.constant 0 : i32
      %dma_wait3A_347 = arith.constant 0 : i32
      %dma_wait3A_348 = arith.constant 0 : i32
      %dma_wait3A_349 = tpu.memref_slice %arg8[%dma_wait3A_345, %dma_wait3A_347, %dma_wait3A_348] : memref<3x80x128xf32, #tpu.memory_space<vmem>> -> memref<1x80x128xf32, #tpu.memory_space<vmem>>
      %dma_wait3A_350 = tpu.memref_squeeze %dma_wait3A_349 : memref<1x80x128xf32, #tpu.memory_space<vmem>> -> memref<80x128xf32, #tpu.memory_space<vmem>>
      %dma_wait3A_351 = arith.constant 0 : i32
      %dma_wait3A_352 = tpu.memref_slice %arg7[%dma_wait3A_346, %dma_wait3A_351] : memref<25x80xi32, #tpu.memory_space<vmem>> -> memref<1x80xi32, #tpu.memory_space<vmem>>
      %dma_wait3A_353 = tpu.memref_squeeze %dma_wait3A_352 : memref<1x80xi32, #tpu.memory_space<vmem>> -> memref<80xi32, #tpu.memory_space<vmem>>
      %dma_wait3A_354 = arith.constant 0 : i32
      %dma_wait3A_355 = arith.constant 0 : i32
      %dma_wait3A_356 = tpu.memref_slice %arg9[%dma_wait3A_354, %dma_wait3A_355] : memref<10000x128xf32, #tpu.memory_space<vmem_shared>> -> memref<10000x128xf32, #tpu.memory_space<vmem_shared>>
      tpu.wait_indirect_dma semaphore(%arg15 : memref<!tpu.dma_semaphore, #tpu.memory_space<semaphore_mem>>) src(%dma_wait3A_350 : memref<80x128xf32, #tpu.memory_space<vmem>>) dst(%dma_wait3A_356 : memref<10000x128xf32, #tpu.memory_space<vmem_shared>>)
      %dma_start3A_357 = arith.constant 5 : i32
      %dma_start3A_358 = arith.constant 2 : i32
      %dma_start3A_359 = arith.constant 0 : i32
      %dma_start3A_360 = arith.constant 0 : i32
      %dma_start3A_361 = tpu.memref_slice %arg8[%dma_start3A_358, %dma_start3A_359, %dma_start3A_360] : memref<3x80x128xf32, #tpu.memory_space<vmem>> -> memref<1x80x128xf32, #tpu.memory_space<vmem>>
      %dma_start3A_362 = tpu.memref_squeeze %dma_start3A_361 : memref<1x80x128xf32, #tpu.memory_space<vmem>> -> memref<80x128xf32, #tpu.memory_space<vmem>>
      %dma_start3A_363 = arith.constant 0 : i32
      %dma_start3A_364 = tpu.memref_slice %arg6[%dma_start3A_357, %dma_start3A_363] : memref<25x80xi32, #tpu.memory_space<vmem>> -> memref<1x80xi32, #tpu.memory_space<vmem>>
      %dma_start3A_365 = tpu.memref_squeeze %dma_start3A_364 : memref<1x80xi32, #tpu.memory_space<vmem>> -> memref<80xi32, #tpu.memory_space<vmem>>
      %dma_start3A_366 = arith.constant 0 : i32
      %dma_start3A_367 = arith.constant 0 : i32
      %dma_start3A_368 = tpu.memref_slice %arg2[%dma_start3A_366, %dma_start3A_367] : memref<10000x128xf32, #tpu.memory_space<hbm>> -> memref<10000x128xf32, #tpu.memory_space<hbm>>
      tpu.enqueue_indirect_dma source(%dma_start3A_368 : memref<10000x128xf32, #tpu.memory_space<hbm>>) target(%dma_start3A_362 : memref<80x128xf32, #tpu.memory_space<vmem>>) offsets(%dma_start3A_365 : memref<80xi32, #tpu.memory_space<vmem>>) semaphore(%arg12 : memref<!tpu.dma_semaphore, #tpu.memory_space<semaphore_mem>>)
      %dma_wait3A_369 = arith.constant 4 : i32
      %dma_wait3A_370 = arith.constant 1 : i32
      %dma_wait3A_371 = arith.constant 0 : i32
      %dma_wait3A_372 = arith.constant 0 : i32
      %dma_wait3A_373 = tpu.memref_slice %arg8[%dma_wait3A_370, %dma_wait3A_371, %dma_wait3A_372] : memref<3x80x128xf32, #tpu.memory_space<vmem>> -> memref<1x80x128xf32, #tpu.memory_space<vmem>>
      %dma_wait3A_374 = tpu.memref_squeeze %dma_wait3A_373 : memref<1x80x128xf32, #tpu.memory_space<vmem>> -> memref<80x128xf32, #tpu.memory_space<vmem>>
      %dma_wait3A_375 = arith.constant 0 : i32
      %dma_wait3A_376 = tpu.memref_slice %arg6[%dma_wait3A_369, %dma_wait3A_375] : memref<25x80xi32, #tpu.memory_space<vmem>> -> memref<1x80xi32, #tpu.memory_space<vmem>>
      %dma_wait3A_377 = tpu.memref_squeeze %dma_wait3A_376 : memref<1x80xi32, #tpu.memory_space<vmem>> -> memref<80xi32, #tpu.memory_space<vmem>>
      %dma_wait3A_378 = arith.constant 0 : i32
      %dma_wait3A_379 = arith.constant 0 : i32
      %dma_wait3A_380 = tpu.memref_slice %arg2[%dma_wait3A_378, %dma_wait3A_379] : memref<10000x128xf32, #tpu.memory_space<hbm>> -> memref<10000x128xf32, #tpu.memory_space<hbm>>
      tpu.wait_indirect_dma semaphore(%arg11 : memref<!tpu.dma_semaphore, #tpu.memory_space<semaphore_mem>>) src(%dma_wait3A_380 : memref<10000x128xf32, #tpu.memory_space<hbm>>) dst(%dma_wait3A_374 : memref<80x128xf32, #tpu.memory_space<vmem>>)
      %dma_start3A_381 = arith.constant 1 : i32
      %dma_start3A_382 = arith.constant 4 : i32
      %dma_start3A_383 = arith.constant 0 : i32
      %dma_start3A_384 = arith.constant 0 : i32
      %dma_start3A_385 = tpu.memref_slice %arg8[%dma_start3A_381, %dma_start3A_383, %dma_start3A_384] : memref<3x80x128xf32, #tpu.memory_space<vmem>> -> memref<1x80x128xf32, #tpu.memory_space<vmem>>
      %dma_start3A_386 = tpu.memref_squeeze %dma_start3A_385 : memref<1x80x128xf32, #tpu.memory_space<vmem>> -> memref<80x128xf32, #tpu.memory_space<vmem>>
      %dma_start3A_387 = arith.constant 0 : i32
      %dma_start3A_388 = tpu.memref_slice %arg7[%dma_start3A_382, %dma_start3A_387] : memref<25x80xi32, #tpu.memory_space<vmem>> -> memref<1x80xi32, #tpu.memory_space<vmem>>
      %dma_start3A_389 = tpu.memref_squeeze %dma_start3A_388 : memref<1x80xi32, #tpu.memory_space<vmem>> -> memref<80xi32, #tpu.memory_space<vmem>>
      %dma_start3A_390 = arith.constant 0 : i32
      %dma_start3A_391 = arith.constant 0 : i32
      %dma_start3A_392 = tpu.memref_slice %arg9[%dma_start3A_390, %dma_start3A_391] : memref<10000x128xf32, #tpu.memory_space<vmem_shared>> -> memref<10000x128xf32, #tpu.memory_space<vmem_shared>>
      tpu.enqueue_indirect_dma source(%dma_start3A_386 : memref<80x128xf32, #tpu.memory_space<vmem>>) target(%dma_start3A_392 : memref<10000x128xf32, #tpu.memory_space<vmem_shared>>) offsets(%dma_start3A_389 : memref<80xi32, #tpu.memory_space<vmem>>) semaphore(%arg14 : memref<!tpu.dma_semaphore, #tpu.memory_space<semaphore_mem>>) {add = true}
      %dma_wait3A_393 = arith.constant 0 : i32
      %dma_wait3A_394 = arith.constant 0 : i32
      %dma_wait3A_395 = arith.constant 0 : i32
      %dma_wait3A_396 = arith.constant 0 : i32
      %dma_wait3A_397 = tpu.memref_slice %arg8[%dma_wait3A_393, %dma_wait3A_395, %dma_wait3A_396] : memref<3x80x128xf32, #tpu.memory_space<vmem>> -> memref<1x80x128xf32, #tpu.memory_space<vmem>>
      %dma_wait3A_398 = tpu.memref_squeeze %dma_wait3A_397 : memref<1x80x128xf32, #tpu.memory_space<vmem>> -> memref<80x128xf32, #tpu.memory_space<vmem>>
      %dma_wait3A_399 = arith.constant 0 : i32
      %dma_wait3A_400 = tpu.memref_slice %arg7[%dma_wait3A_394, %dma_wait3A_399] : memref<25x80xi32, #tpu.memory_space<vmem>> -> memref<1x80xi32, #tpu.memory_space<vmem>>
      %dma_wait3A_401 = tpu.memref_squeeze %dma_wait3A_400 : memref<1x80xi32, #tpu.memory_space<vmem>> -> memref<80xi32, #tpu.memory_space<vmem>>
      %dma_wait3A_402 = arith.constant 0 : i32
      %dma_wait3A_403 = arith.constant 0 : i32
      %dma_wait3A_404 = tpu.memref_slice %arg9[%dma_wait3A_402, %dma_wait3A_403] : memref<10000x128xf32, #tpu.memory_space<vmem_shared>> -> memref<10000x128xf32, #tpu.memory_space<vmem_shared>>
      tpu.wait_indirect_dma semaphore(%arg13 : memref<!tpu.dma_semaphore, #tpu.memory_space<semaphore_mem>>) src(%dma_wait3A_398 : memref<80x128xf32, #tpu.memory_space<vmem>>) dst(%dma_wait3A_404 : memref<10000x128xf32, #tpu.memory_space<vmem_shared>>)
      %dma_start3A_405 = arith.constant 6 : i32
      %dma_start3A_406 = arith.constant 0 : i32
      %dma_start3A_407 = arith.constant 0 : i32
      %dma_start3A_408 = arith.constant 0 : i32
      %dma_start3A_409 = tpu.memref_slice %arg8[%dma_start3A_406, %dma_start3A_407, %dma_start3A_408] : memref<3x80x128xf32, #tpu.memory_space<vmem>> -> memref<1x80x128xf32, #tpu.memory_space<vmem>>
      %dma_start3A_410 = tpu.memref_squeeze %dma_start3A_409 : memref<1x80x128xf32, #tpu.memory_space<vmem>> -> memref<80x128xf32, #tpu.memory_space<vmem>>
      %dma_start3A_411 = arith.constant 0 : i32
      %dma_start3A_412 = tpu.memref_slice %arg6[%dma_start3A_405, %dma_start3A_411] : memref<25x80xi32, #tpu.memory_space<vmem>> -> memref<1x80xi32, #tpu.memory_space<vmem>>
      %dma_start3A_413 = tpu.memref_squeeze %dma_start3A_412 : memref<1x80xi32, #tpu.memory_space<vmem>> -> memref<80xi32, #tpu.memory_space<vmem>>
      %dma_start3A_414 = arith.constant 0 : i32
      %dma_start3A_415 = arith.constant 0 : i32
      %dma_start3A_416 = tpu.memref_slice %arg2[%dma_start3A_414, %dma_start3A_415] : memref<10000x128xf32, #tpu.memory_space<hbm>> -> memref<10000x128xf32, #tpu.memory_space<hbm>>
      tpu.enqueue_indirect_dma source(%dma_start3A_416 : memref<10000x128xf32, #tpu.memory_space<hbm>>) target(%dma_start3A_410 : memref<80x128xf32, #tpu.memory_space<vmem>>) offsets(%dma_start3A_413 : memref<80xi32, #tpu.memory_space<vmem>>) semaphore(%arg10 : memref<!tpu.dma_semaphore, #tpu.memory_space<semaphore_mem>>)
      %dma_wait3A_417 = arith.constant 5 : i32
      %dma_wait3A_418 = arith.constant 2 : i32
      %dma_wait3A_419 = arith.constant 0 : i32
      %dma_wait3A_420 = arith.constant 0 : i32
      %dma_wait3A_421 = tpu.memref_slice %arg8[%dma_wait3A_418, %dma_wait3A_419, %dma_wait3A_420] : memref<3x80x128xf32, #tpu.memory_space<vmem>> -> memref<1x80x128xf32, #tpu.memory_space<vmem>>
      %dma_wait3A_422 = tpu.memref_squeeze %dma_wait3A_421 : memref<1x80x128xf32, #tpu.memory_space<vmem>> -> memref<80x128xf32, #tpu.memory_space<vmem>>
      %dma_wait3A_423 = arith.constant 0 : i32
      %dma_wait3A_424 = tpu.memref_slice %arg6[%dma_wait3A_417, %dma_wait3A_423] : memref<25x80xi32, #tpu.memory_space<vmem>> -> memref<1x80xi32, #tpu.memory_space<vmem>>
      %dma_wait3A_425 = tpu.memref_squeeze %dma_wait3A_424 : memref<1x80xi32, #tpu.memory_space<vmem>> -> memref<80xi32, #tpu.memory_space<vmem>>
      %dma_wait3A_426 = arith.constant 0 : i32
      %dma_wait3A_427 = arith.constant 0 : i32
      %dma_wait3A_428 = tpu.memref_slice %arg2[%dma_wait3A_426, %dma_wait3A_427] : memref<10000x128xf32, #tpu.memory_space<hbm>> -> memref<10000x128xf32, #tpu.memory_space<hbm>>
      tpu.wait_indirect_dma semaphore(%arg12 : memref<!tpu.dma_semaphore, #tpu.memory_space<semaphore_mem>>) src(%dma_wait3A_428 : memref<10000x128xf32, #tpu.memory_space<hbm>>) dst(%dma_wait3A_422 : memref<80x128xf32, #tpu.memory_space<vmem>>)
      %dma_start3A_429 = arith.constant 2 : i32
      %dma_start3A_430 = arith.constant 5 : i32
      %dma_start3A_431 = arith.constant 0 : i32
      %dma_start3A_432 = arith.constant 0 : i32
      %dma_start3A_433 = tpu.memref_slice %arg8[%dma_start3A_429, %dma_start3A_431, %dma_start3A_432] : memref<3x80x128xf32, #tpu.memory_space<vmem>> -> memref<1x80x128xf32, #tpu.memory_space<vmem>>
      %dma_start3A_434 = tpu.memref_squeeze %dma_start3A_433 : memref<1x80x128xf32, #tpu.memory_space<vmem>> -> memref<80x128xf32, #tpu.memory_space<vmem>>
      %dma_start3A_435 = arith.constant 0 : i32
      %dma_start3A_436 = tpu.memref_slice %arg7[%dma_start3A_430, %dma_start3A_435] : memref<25x80xi32, #tpu.memory_space<vmem>> -> memref<1x80xi32, #tpu.memory_space<vmem>>
      %dma_start3A_437 = tpu.memref_squeeze %dma_start3A_436 : memref<1x80xi32, #tpu.memory_space<vmem>> -> memref<80xi32, #tpu.memory_space<vmem>>
      %dma_start3A_438 = arith.constant 0 : i32
      %dma_start3A_439 = arith.constant 0 : i32
      %dma_start3A_440 = tpu.memref_slice %arg9[%dma_start3A_438, %dma_start3A_439] : memref<10000x128xf32, #tpu.memory_space<vmem_shared>> -> memref<10000x128xf32, #tpu.memory_space<vmem_shared>>
      tpu.enqueue_indirect_dma source(%dma_start3A_434 : memref<80x128xf32, #tpu.memory_space<vmem>>) target(%dma_start3A_440 : memref<10000x128xf32, #tpu.memory_space<vmem_shared>>) offsets(%dma_start3A_437 : memref<80xi32, #tpu.memory_space<vmem>>) semaphore(%arg15 : memref<!tpu.dma_semaphore, #tpu.memory_space<semaphore_mem>>) {add = true}
      %dma_wait3A_441 = arith.constant 1 : i32
      %dma_wait3A_442 = arith.constant 0 : i32
      %dma_wait3A_443 = arith.constant 0 : i32
      %dma_wait3A_444 = arith.constant 0 : i32
      %dma_wait3A_445 = tpu.memref_slice %arg8[%dma_wait3A_441, %dma_wait3A_443, %dma_wait3A_444] : memref<3x80x128xf32, #tpu.memory_space<vmem>> -> memref<1x80x128xf32, #tpu.memory_space<vmem>>
      %dma_wait3A_446 = tpu.memref_squeeze %dma_wait3A_445 : memref<1x80x128xf32, #tpu.memory_space<vmem>> -> memref<80x128xf32, #tpu.memory_space<vmem>>
      %dma_wait3A_447 = arith.constant 0 : i32
      %dma_wait3A_448 = tpu.memref_slice %arg7[%dma_wait3A_442, %dma_wait3A_447] : memref<25x80xi32, #tpu.memory_space<vmem>> -> memref<1x80xi32, #tpu.memory_space<vmem>>
      %dma_wait3A_449 = tpu.memref_squeeze %dma_wait3A_448 : memref<1x80xi32, #tpu.memory_space<vmem>> -> memref<80xi32, #tpu.memory_space<vmem>>
      %dma_wait3A_450 = arith.constant 0 : i32
      %dma_wait3A_451 = arith.constant 0 : i32
      %dma_wait3A_452 = tpu.memref_slice %arg9[%dma_wait3A_450, %dma_wait3A_451] : memref<10000x128xf32, #tpu.memory_space<vmem_shared>> -> memref<10000x128xf32, #tpu.memory_space<vmem_shared>>
      tpu.wait_indirect_dma semaphore(%arg14 : memref<!tpu.dma_semaphore, #tpu.memory_space<semaphore_mem>>) src(%dma_wait3A_446 : memref<80x128xf32, #tpu.memory_space<vmem>>) dst(%dma_wait3A_452 : memref<10000x128xf32, #tpu.memory_space<vmem_shared>>)
      %dma_start3A_453 = arith.constant 7 : i32
      %dma_start3A_454 = arith.constant 1 : i32
      %dma_start3A_455 = arith.constant 0 : i32
      %dma_start3A_456 = arith.constant 0 : i32
      %dma_start3A_457 = tpu.memref_slice %arg8[%dma_start3A_454, %dma_start3A_455, %dma_start3A_456] : memref<3x80x128xf32, #tpu.memory_space<vmem>> -> memref<1x80x128xf32, #tpu.memory_space<vmem>>
      %dma_start3A_458 = tpu.memref_squeeze %dma_start3A_457 : memref<1x80x128xf32, #tpu.memory_space<vmem>> -> memref<80x128xf32, #tpu.memory_space<vmem>>
      %dma_start3A_459 = arith.constant 0 : i32
      %dma_start3A_460 = tpu.memref_slice %arg6[%dma_start3A_453, %dma_start3A_459] : memref<25x80xi32, #tpu.memory_space<vmem>> -> memref<1x80xi32, #tpu.memory_space<vmem>>
      %dma_start3A_461 = tpu.memref_squeeze %dma_start3A_460 : memref<1x80xi32, #tpu.memory_space<vmem>> -> memref<80xi32, #tpu.memory_space<vmem>>
      %dma_start3A_462 = arith.constant 0 : i32
      %dma_start3A_463 = arith.constant 0 : i32
      %dma_start3A_464 = tpu.memref_slice %arg2[%dma_start3A_462, %dma_start3A_463] : memref<10000x128xf32, #tpu.memory_space<hbm>> -> memref<10000x128xf32, #tpu.memory_space<hbm>>
      tpu.enqueue_indirect_dma source(%dma_start3A_464 : memref<10000x128xf32, #tpu.memory_space<hbm>>) target(%dma_start3A_458 : memref<80x128xf32, #tpu.memory_space<vmem>>) offsets(%dma_start3A_461 : memref<80xi32, #tpu.memory_space<vmem>>) semaphore(%arg11 : memref<!tpu.dma_semaphore, #tpu.memory_space<semaphore_mem>>)
      %dma_wait3A_465 = arith.constant 6 : i32
      %dma_wait3A_466 = arith.constant 0 : i32
      %dma_wait3A_467 = arith.constant 0 : i32
      %dma_wait3A_468 = arith.constant 0 : i32
      %dma_wait3A_469 = tpu.memref_slice %arg8[%dma_wait3A_466, %dma_wait3A_467, %dma_wait3A_468] : memref<3x80x128xf32, #tpu.memory_space<vmem>> -> memref<1x80x128xf32, #tpu.memory_space<vmem>>
      %dma_wait3A_470 = tpu.memref_squeeze %dma_wait3A_469 : memref<1x80x128xf32, #tpu.memory_space<vmem>> -> memref<80x128xf32, #tpu.memory_space<vmem>>
      %dma_wait3A_471 = arith.constant 0 : i32
      %dma_wait3A_472 = tpu.memref_slice %arg6[%dma_wait3A_465, %dma_wait3A_471] : memref<25x80xi32, #tpu.memory_space<vmem>> -> memref<1x80xi32, #tpu.memory_space<vmem>>
      %dma_wait3A_473 = tpu.memref_squeeze %dma_wait3A_472 : memref<1x80xi32, #tpu.memory_space<vmem>> -> memref<80xi32, #tpu.memory_space<vmem>>
      %dma_wait3A_474 = arith.constant 0 : i32
      %dma_wait3A_475 = arith.constant 0 : i32
      %dma_wait3A_476 = tpu.memref_slice %arg2[%dma_wait3A_474, %dma_wait3A_475] : memref<10000x128xf32, #tpu.memory_space<hbm>> -> memref<10000x128xf32, #tpu.memory_space<hbm>>
      tpu.wait_indirect_dma semaphore(%arg10 : memref<!tpu.dma_semaphore, #tpu.memory_space<semaphore_mem>>) src(%dma_wait3A_476 : memref<10000x128xf32, #tpu.memory_space<hbm>>) dst(%dma_wait3A_470 : memref<80x128xf32, #tpu.memory_space<vmem>>)
      %dma_start3A_477 = arith.constant 0 : i32
      %dma_start3A_478 = arith.constant 6 : i32
      %dma_start3A_479 = arith.constant 0 : i32
      %dma_start3A_480 = arith.constant 0 : i32
      %dma_start3A_481 = tpu.memref_slice %arg8[%dma_start3A_477, %dma_start3A_479, %dma_start3A_480] : memref<3x80x128xf32, #tpu.memory_space<vmem>> -> memref<1x80x128xf32, #tpu.memory_space<vmem>>
      %dma_start3A_482 = tpu.memref_squeeze %dma_start3A_481 : memref<1x80x128xf32, #tpu.memory_space<vmem>> -> memref<80x128xf32, #tpu.memory_space<vmem>>
      %dma_start3A_483 = arith.constant 0 : i32
      %dma_start3A_484 = tpu.memref_slice %arg7[%dma_start3A_478, %dma_start3A_483] : memref<25x80xi32, #tpu.memory_space<vmem>> -> memref<1x80xi32, #tpu.memory_space<vmem>>
      %dma_start3A_485 = tpu.memref_squeeze %dma_start3A_484 : memref<1x80xi32, #tpu.memory_space<vmem>> -> memref<80xi32, #tpu.memory_space<vmem>>
      %dma_start3A_486 = arith.constant 0 : i32
      %dma_start3A_487 = arith.constant 0 : i32
      %dma_start3A_488 = tpu.memref_slice %arg9[%dma_start3A_486, %dma_start3A_487] : memref<10000x128xf32, #tpu.memory_space<vmem_shared>> -> memref<10000x128xf32, #tpu.memory_space<vmem_shared>>
      tpu.enqueue_indirect_dma source(%dma_start3A_482 : memref<80x128xf32, #tpu.memory_space<vmem>>) target(%dma_start3A_488 : memref<10000x128xf32, #tpu.memory_space<vmem_shared>>) offsets(%dma_start3A_485 : memref<80xi32, #tpu.memory_space<vmem>>) semaphore(%arg13 : memref<!tpu.dma_semaphore, #tpu.memory_space<semaphore_mem>>) {add = true}
      %dma_wait3A_489 = arith.constant 2 : i32
      %dma_wait3A_490 = arith.constant 0 : i32
      %dma_wait3A_491 = arith.constant 0 : i32
      %dma_wait3A_492 = arith.constant 0 : i32
      %dma_wait3A_493 = tpu.memref_slice %arg8[%dma_wait3A_489, %dma_wait3A_491, %dma_wait3A_492] : memref<3x80x128xf32, #tpu.memory_space<vmem>> -> memref<1x80x128xf32, #tpu.memory_space<vmem>>
      %dma_wait3A_494 = tpu.memref_squeeze %dma_wait3A_493 : memref<1x80x128xf32, #tpu.memory_space<vmem>> -> memref<80x128xf32, #tpu.memory_space<vmem>>
      %dma_wait3A_495 = arith.constant 0 : i32
      %dma_wait3A_496 = tpu.memref_slice %arg7[%dma_wait3A_490, %dma_wait3A_495] : memref<25x80xi32, #tpu.memory_space<vmem>> -> memref<1x80xi32, #tpu.memory_space<vmem>>
      %dma_wait3A_497 = tpu.memref_squeeze %dma_wait3A_496 : memref<1x80xi32, #tpu.memory_space<vmem>> -> memref<80xi32, #tpu.memory_space<vmem>>
      %dma_wait3A_498 = arith.constant 0 : i32
      %dma_wait3A_499 = arith.constant 0 : i32
      %dma_wait3A_500 = tpu.memref_slice %arg9[%dma_wait3A_498, %dma_wait3A_499] : memref<10000x128xf32, #tpu.memory_space<vmem_shared>> -> memref<10000x128xf32, #tpu.memory_space<vmem_shared>>
      tpu.wait_indirect_dma semaphore(%arg15 : memref<!tpu.dma_semaphore, #tpu.memory_space<semaphore_mem>>) src(%dma_wait3A_494 : memref<80x128xf32, #tpu.memory_space<vmem>>) dst(%dma_wait3A_500 : memref<10000x128xf32, #tpu.memory_space<vmem_shared>>)
      %dma_start3A_501 = arith.constant 8 : i32
      %dma_start3A_502 = arith.constant 2 : i32
      %dma_start3A_503 = arith.constant 0 : i32
      %dma_start3A_504 = arith.constant 0 : i32
      %dma_start3A_505 = tpu.memref_slice %arg8[%dma_start3A_502, %dma_start3A_503, %dma_start3A_504] : memref<3x80x128xf32, #tpu.memory_space<vmem>> -> memref<1x80x128xf32, #tpu.memory_space<vmem>>
      %dma_start3A_506 = tpu.memref_squeeze %dma_start3A_505 : memref<1x80x128xf32, #tpu.memory_space<vmem>> -> memref<80x128xf32, #tpu.memory_space<vmem>>
      %dma_start3A_507 = arith.constant 0 : i32
      %dma_start3A_508 = tpu.memref_slice %arg6[%dma_start3A_501, %dma_start3A_507] : memref<25x80xi32, #tpu.memory_space<vmem>> -> memref<1x80xi32, #tpu.memory_space<vmem>>
      %dma_start3A_509 = tpu.memref_squeeze %dma_start3A_508 : memref<1x80xi32, #tpu.memory_space<vmem>> -> memref<80xi32, #tpu.memory_space<vmem>>
      %dma_start3A_510 = arith.constant 0 : i32
      %dma_start3A_511 = arith.constant 0 : i32
      %dma_start3A_512 = tpu.memref_slice %arg2[%dma_start3A_510, %dma_start3A_511] : memref<10000x128xf32, #tpu.memory_space<hbm>> -> memref<10000x128xf32, #tpu.memory_space<hbm>>
      tpu.enqueue_indirect_dma source(%dma_start3A_512 : memref<10000x128xf32, #tpu.memory_space<hbm>>) target(%dma_start3A_506 : memref<80x128xf32, #tpu.memory_space<vmem>>) offsets(%dma_start3A_509 : memref<80xi32, #tpu.memory_space<vmem>>) semaphore(%arg12 : memref<!tpu.dma_semaphore, #tpu.memory_space<semaphore_mem>>)
      %dma_wait3A_513 = arith.constant 7 : i32
      %dma_wait3A_514 = arith.constant 1 : i32
      %dma_wait3A_515 = arith.constant 0 : i32
      %dma_wait3A_516 = arith.constant 0 : i32
      %dma_wait3A_517 = tpu.memref_slice %arg8[%dma_wait3A_514, %dma_wait3A_515, %dma_wait3A_516] : memref<3x80x128xf32, #tpu.memory_space<vmem>> -> memref<1x80x128xf32, #tpu.memory_space<vmem>>
      %dma_wait3A_518 = tpu.memref_squeeze %dma_wait3A_517 : memref<1x80x128xf32, #tpu.memory_space<vmem>> -> memref<80x128xf32, #tpu.memory_space<vmem>>
      %dma_wait3A_519 = arith.constant 0 : i32
      %dma_wait3A_520 = tpu.memref_slice %arg6[%dma_wait3A_513, %dma_wait3A_519] : memref<25x80xi32, #tpu.memory_space<vmem>> -> memref<1x80xi32, #tpu.memory_space<vmem>>
      %dma_wait3A_521 = tpu.memref_squeeze %dma_wait3A_520 : memref<1x80xi32, #tpu.memory_space<vmem>> -> memref<80xi32, #tpu.memory_space<vmem>>
      %dma_wait3A_522 = arith.constant 0 : i32
      %dma_wait3A_523 = arith.constant 0 : i32
      %dma_wait3A_524 = tpu.memref_slice %arg2[%dma_wait3A_522, %dma_wait3A_523] : memref<10000x128xf32, #tpu.memory_space<hbm>> -> memref<10000x128xf32, #tpu.memory_space<hbm>>
      tpu.wait_indirect_dma semaphore(%arg11 : memref<!tpu.dma_semaphore, #tpu.memory_space<semaphore_mem>>) src(%dma_wait3A_524 : memref<10000x128xf32, #tpu.memory_space<hbm>>) dst(%dma_wait3A_518 : memref<80x128xf32, #tpu.memory_space<vmem>>)
      %dma_start3A_525 = arith.constant 1 : i32
      %dma_start3A_526 = arith.constant 7 : i32
      %dma_start3A_527 = arith.constant 0 : i32
      %dma_start3A_528 = arith.constant 0 : i32
      %dma_start3A_529 = tpu.memref_slice %arg8[%dma_start3A_525, %dma_start3A_527, %dma_start3A_528] : memref<3x80x128xf32, #tpu.memory_space<vmem>> -> memref<1x80x128xf32, #tpu.memory_space<vmem>>
      %dma_start3A_530 = tpu.memref_squeeze %dma_start3A_529 : memref<1x80x128xf32, #tpu.memory_space<vmem>> -> memref<80x128xf32, #tpu.memory_space<vmem>>
      %dma_start3A_531 = arith.constant 0 : i32
      %dma_start3A_532 = tpu.memref_slice %arg7[%dma_start3A_526, %dma_start3A_531] : memref<25x80xi32, #tpu.memory_space<vmem>> -> memref<1x80xi32, #tpu.memory_space<vmem>>
      %dma_start3A_533 = tpu.memref_squeeze %dma_start3A_532 : memref<1x80xi32, #tpu.memory_space<vmem>> -> memref<80xi32, #tpu.memory_space<vmem>>
      %dma_start3A_534 = arith.constant 0 : i32
      %dma_start3A_535 = arith.constant 0 : i32
      %dma_start3A_536 = tpu.memref_slice %arg9[%dma_start3A_534, %dma_start3A_535] : memref<10000x128xf32, #tpu.memory_space<vmem_shared>> -> memref<10000x128xf32, #tpu.memory_space<vmem_shared>>
      tpu.enqueue_indirect_dma source(%dma_start3A_530 : memref<80x128xf32, #tpu.memory_space<vmem>>) target(%dma_start3A_536 : memref<10000x128xf32, #tpu.memory_space<vmem_shared>>) offsets(%dma_start3A_533 : memref<80xi32, #tpu.memory_space<vmem>>) semaphore(%arg14 : memref<!tpu.dma_semaphore, #tpu.memory_space<semaphore_mem>>) {add = true}
      %dma_wait3A_537 = arith.constant 0 : i32
      %dma_wait3A_538 = arith.constant 0 : i32
      %dma_wait3A_539 = arith.constant 0 : i32
      %dma_wait3A_540 = arith.constant 0 : i32
      %dma_wait3A_541 = tpu.memref_slice %arg8[%dma_wait3A_537, %dma_wait3A_539, %dma_wait3A_540] : memref<3x80x128xf32, #tpu.memory_space<vmem>> -> memref<1x80x128xf32, #tpu.memory_space<vmem>>
      %dma_wait3A_542 = tpu.memref_squeeze %dma_wait3A_541 : memref<1x80x128xf32, #tpu.memory_space<vmem>> -> memref<80x128xf32, #tpu.memory_space<vmem>>
      %dma_wait3A_543 = arith.constant 0 : i32
      %dma_wait3A_544 = tpu.memref_slice %arg7[%dma_wait3A_538, %dma_wait3A_543] : memref<25x80xi32, #tpu.memory_space<vmem>> -> memref<1x80xi32, #tpu.memory_space<vmem>>
      %dma_wait3A_545 = tpu.memref_squeeze %dma_wait3A_544 : memref<1x80xi32, #tpu.memory_space<vmem>> -> memref<80xi32, #tpu.memory_space<vmem>>
      %dma_wait3A_546 = arith.constant 0 : i32
      %dma_wait3A_547 = arith.constant 0 : i32
      %dma_wait3A_548 = tpu.memref_slice %arg9[%dma_wait3A_546, %dma_wait3A_547] : memref<10000x128xf32, #tpu.memory_space<vmem_shared>> -> memref<10000x128xf32, #tpu.memory_space<vmem_shared>>
      tpu.wait_indirect_dma semaphore(%arg13 : memref<!tpu.dma_semaphore, #tpu.memory_space<semaphore_mem>>) src(%dma_wait3A_542 : memref<80x128xf32, #tpu.memory_space<vmem>>) dst(%dma_wait3A_548 : memref<10000x128xf32, #tpu.memory_space<vmem_shared>>)
      %dma_start3A_549 = arith.constant 9 : i32
      %dma_start3A_550 = arith.constant 0 : i32
      %dma_start3A_551 = arith.constant 0 : i32
      %dma_start3A_552 = arith.constant 0 : i32
      %dma_start3A_553 = tpu.memref_slice %arg8[%dma_start3A_550, %dma_start3A_551, %dma_start3A_552] : memref<3x80x128xf32, #tpu.memory_space<vmem>> -> memref<1x80x128xf32, #tpu.memory_space<vmem>>
      %dma_start3A_554 = tpu.memref_squeeze %dma_start3A_553 : memref<1x80x128xf32, #tpu.memory_space<vmem>> -> memref<80x128xf32, #tpu.memory_space<vmem>>
      %dma_start3A_555 = arith.constant 0 : i32
      %dma_start3A_556 = tpu.memref_slice %arg6[%dma_start3A_549, %dma_start3A_555] : memref<25x80xi32, #tpu.memory_space<vmem>> -> memref<1x80xi32, #tpu.memory_space<vmem>>
      %dma_start3A_557 = tpu.memref_squeeze %dma_start3A_556 : memref<1x80xi32, #tpu.memory_space<vmem>> -> memref<80xi32, #tpu.memory_space<vmem>>
      %dma_start3A_558 = arith.constant 0 : i32
      %dma_start3A_559 = arith.constant 0 : i32
      %dma_start3A_560 = tpu.memref_slice %arg2[%dma_start3A_558, %dma_start3A_559] : memref<10000x128xf32, #tpu.memory_space<hbm>> -> memref<10000x128xf32, #tpu.memory_space<hbm>>
      tpu.enqueue_indirect_dma source(%dma_start3A_560 : memref<10000x128xf32, #tpu.memory_space<hbm>>) target(%dma_start3A_554 : memref<80x128xf32, #tpu.memory_space<vmem>>) offsets(%dma_start3A_557 : memref<80xi32, #tpu.memory_space<vmem>>) semaphore(%arg10 : memref<!tpu.dma_semaphore, #tpu.memory_space<semaphore_mem>>)
      %dma_wait3A_561 = arith.constant 8 : i32
      %dma_wait3A_562 = arith.constant 2 : i32
      %dma_wait3A_563 = arith.constant 0 : i32
      %dma_wait3A_564 = arith.constant 0 : i32
      %dma_wait3A_565 = tpu.memref_slice %arg8[%dma_wait3A_562, %dma_wait3A_563, %dma_wait3A_564] : memref<3x80x128xf32, #tpu.memory_space<vmem>> -> memref<1x80x128xf32, #tpu.memory_space<vmem>>
      %dma_wait3A_566 = tpu.memref_squeeze %dma_wait3A_565 : memref<1x80x128xf32, #tpu.memory_space<vmem>> -> memref<80x128xf32, #tpu.memory_space<vmem>>
      %dma_wait3A_567 = arith.constant 0 : i32
      %dma_wait3A_568 = tpu.memref_slice %arg6[%dma_wait3A_561, %dma_wait3A_567] : memref<25x80xi32, #tpu.memory_space<vmem>> -> memref<1x80xi32, #tpu.memory_space<vmem>>
      %dma_wait3A_569 = tpu.memref_squeeze %dma_wait3A_568 : memref<1x80xi32, #tpu.memory_space<vmem>> -> memref<80xi32, #tpu.memory_space<vmem>>
      %dma_wait3A_570 = arith.constant 0 : i32
      %dma_wait3A_571 = arith.constant 0 : i32
      %dma_wait3A_572 = tpu.memref_slice %arg2[%dma_wait3A_570, %dma_wait3A_571] : memref<10000x128xf32, #tpu.memory_space<hbm>> -> memref<10000x128xf32, #tpu.memory_space<hbm>>
      tpu.wait_indirect_dma semaphore(%arg12 : memref<!tpu.dma_semaphore, #tpu.memory_space<semaphore_mem>>) src(%dma_wait3A_572 : memref<10000x128xf32, #tpu.memory_space<hbm>>) dst(%dma_wait3A_566 : memref<80x128xf32, #tpu.memory_space<vmem>>)
      %dma_start3A_573 = arith.constant 2 : i32
      %dma_start3A_574 = arith.constant 8 : i32
      %dma_start3A_575 = arith.constant 0 : i32
      %dma_start3A_576 = arith.constant 0 : i32
      %dma_start3A_577 = tpu.memref_slice %arg8[%dma_start3A_573, %dma_start3A_575, %dma_start3A_576] : memref<3x80x128xf32, #tpu.memory_space<vmem>> -> memref<1x80x128xf32, #tpu.memory_space<vmem>>
      %dma_start3A_578 = tpu.memref_squeeze %dma_start3A_577 : memref<1x80x128xf32, #tpu.memory_space<vmem>> -> memref<80x128xf32, #tpu.memory_space<vmem>>
      %dma_start3A_579 = arith.constant 0 : i32
      %dma_start3A_580 = tpu.memref_slice %arg7[%dma_start3A_574, %dma_start3A_579] : memref<25x80xi32, #tpu.memory_space<vmem>> -> memref<1x80xi32, #tpu.memory_space<vmem>>
      %dma_start3A_581 = tpu.memref_squeeze %dma_start3A_580 : memref<1x80xi32, #tpu.memory_space<vmem>> -> memref<80xi32, #tpu.memory_space<vmem>>
      %dma_start3A_582 = arith.constant 0 : i32
      %dma_start3A_583 = arith.constant 0 : i32
      %dma_start3A_584 = tpu.memref_slice %arg9[%dma_start3A_582, %dma_start3A_583] : memref<10000x128xf32, #tpu.memory_space<vmem_shared>> -> memref<10000x128xf32, #tpu.memory_space<vmem_shared>>
      tpu.enqueue_indirect_dma source(%dma_start3A_578 : memref<80x128xf32, #tpu.memory_space<vmem>>) target(%dma_start3A_584 : memref<10000x128xf32, #tpu.memory_space<vmem_shared>>) offsets(%dma_start3A_581 : memref<80xi32, #tpu.memory_space<vmem>>) semaphore(%arg15 : memref<!tpu.dma_semaphore, #tpu.memory_space<semaphore_mem>>) {add = true}
      %dma_wait3A_585 = arith.constant 1 : i32
      %dma_wait3A_586 = arith.constant 0 : i32
      %dma_wait3A_587 = arith.constant 0 : i32
      %dma_wait3A_588 = arith.constant 0 : i32
      %dma_wait3A_589 = tpu.memref_slice %arg8[%dma_wait3A_585, %dma_wait3A_587, %dma_wait3A_588] : memref<3x80x128xf32, #tpu.memory_space<vmem>> -> memref<1x80x128xf32, #tpu.memory_space<vmem>>
      %dma_wait3A_590 = tpu.memref_squeeze %dma_wait3A_589 : memref<1x80x128xf32, #tpu.memory_space<vmem>> -> memref<80x128xf32, #tpu.memory_space<vmem>>
      %dma_wait3A_591 = arith.constant 0 : i32
      %dma_wait3A_592 = tpu.memref_slice %arg7[%dma_wait3A_586, %dma_wait3A_591] : memref<25x80xi32, #tpu.memory_space<vmem>> -> memref<1x80xi32, #tpu.memory_space<vmem>>
      %dma_wait3A_593 = tpu.memref_squeeze %dma_wait3A_592 : memref<1x80xi32, #tpu.memory_space<vmem>> -> memref<80xi32, #tpu.memory_space<vmem>>
      %dma_wait3A_594 = arith.constant 0 : i32
      %dma_wait3A_595 = arith.constant 0 : i32
      %dma_wait3A_596 = tpu.memref_slice %arg9[%dma_wait3A_594, %dma_wait3A_595] : memref<10000x128xf32, #tpu.memory_space<vmem_shared>> -> memref<10000x128xf32, #tpu.memory_space<vmem_shared>>
      tpu.wait_indirect_dma semaphore(%arg14 : memref<!tpu.dma_semaphore, #tpu.memory_space<semaphore_mem>>) src(%dma_wait3A_590 : memref<80x128xf32, #tpu.memory_space<vmem>>) dst(%dma_wait3A_596 : memref<10000x128xf32, #tpu.memory_space<vmem_shared>>)
      %dma_start3A_597 = arith.constant 10 : i32
      %dma_start3A_598 = arith.constant 1 : i32
      %dma_start3A_599 = arith.constant 0 : i32
      %dma_start3A_600 = arith.constant 0 : i32
      %dma_start3A_601 = tpu.memref_slice %arg8[%dma_start3A_598, %dma_start3A_599, %dma_start3A_600] : memref<3x80x128xf32, #tpu.memory_space<vmem>> -> memref<1x80x128xf32, #tpu.memory_space<vmem>>
      %dma_start3A_602 = tpu.memref_squeeze %dma_start3A_601 : memref<1x80x128xf32, #tpu.memory_space<vmem>> -> memref<80x128xf32, #tpu.memory_space<vmem>>
      %dma_start3A_603 = arith.constant 0 : i32
      %dma_start3A_604 = tpu.memref_slice %arg6[%dma_start3A_597, %dma_start3A_603] : memref<25x80xi32, #tpu.memory_space<vmem>> -> memref<1x80xi32, #tpu.memory_space<vmem>>
      %dma_start3A_605 = tpu.memref_squeeze %dma_start3A_604 : memref<1x80xi32, #tpu.memory_space<vmem>> -> memref<80xi32, #tpu.memory_space<vmem>>
      %dma_start3A_606 = arith.constant 0 : i32
      %dma_start3A_607 = arith.constant 0 : i32
      %dma_start3A_608 = tpu.memref_slice %arg2[%dma_start3A_606, %dma_start3A_607] : memref<10000x128xf32, #tpu.memory_space<hbm>> -> memref<10000x128xf32, #tpu.memory_space<hbm>>
      tpu.enqueue_indirect_dma source(%dma_start3A_608 : memref<10000x128xf32, #tpu.memory_space<hbm>>) target(%dma_start3A_602 : memref<80x128xf32, #tpu.memory_space<vmem>>) offsets(%dma_start3A_605 : memref<80xi32, #tpu.memory_space<vmem>>) semaphore(%arg11 : memref<!tpu.dma_semaphore, #tpu.memory_space<semaphore_mem>>)
      %dma_wait3A_609 = arith.constant 9 : i32
      %dma_wait3A_610 = arith.constant 0 : i32
      %dma_wait3A_611 = arith.constant 0 : i32
      %dma_wait3A_612 = arith.constant 0 : i32
      %dma_wait3A_613 = tpu.memref_slice %arg8[%dma_wait3A_610, %dma_wait3A_611, %dma_wait3A_612] : memref<3x80x128xf32, #tpu.memory_space<vmem>> -> memref<1x80x128xf32, #tpu.memory_space<vmem>>
      %dma_wait3A_614 = tpu.memref_squeeze %dma_wait3A_613 : memref<1x80x128xf32, #tpu.memory_space<vmem>> -> memref<80x128xf32, #tpu.memory_space<vmem>>
      %dma_wait3A_615 = arith.constant 0 : i32
      %dma_wait3A_616 = tpu.memref_slice %arg6[%dma_wait3A_609, %dma_wait3A_615] : memref<25x80xi32, #tpu.memory_space<vmem>> -> memref<1x80xi32, #tpu.memory_space<vmem>>
      %dma_wait3A_617 = tpu.memref_squeeze %dma_wait3A_616 : memref<1x80xi32, #tpu.memory_space<vmem>> -> memref<80xi32, #tpu.memory_space<vmem>>
      %dma_wait3A_618 = arith.constant 0 : i32
      %dma_wait3A_619 = arith.constant 0 : i32
      %dma_wait3A_620 = tpu.memref_slice %arg2[%dma_wait3A_618, %dma_wait3A_619] : memref<10000x128xf32, #tpu.memory_space<hbm>> -> memref<10000x128xf32, #tpu.memory_space<hbm>>
      tpu.wait_indirect_dma semaphore(%arg10 : memref<!tpu.dma_semaphore, #tpu.memory_space<semaphore_mem>>) src(%dma_wait3A_620 : memref<10000x128xf32, #tpu.memory_space<hbm>>) dst(%dma_wait3A_614 : memref<80x128xf32, #tpu.memory_space<vmem>>)
      %dma_start3A_621 = arith.constant 0 : i32
      %dma_start3A_622 = arith.constant 9 : i32
      %dma_start3A_623 = arith.constant 0 : i32
      %dma_start3A_624 = arith.constant 0 : i32
      %dma_start3A_625 = tpu.memref_slice %arg8[%dma_start3A_621, %dma_start3A_623, %dma_start3A_624] : memref<3x80x128xf32, #tpu.memory_space<vmem>> -> memref<1x80x128xf32, #tpu.memory_space<vmem>>
      %dma_start3A_626 = tpu.memref_squeeze %dma_start3A_625 : memref<1x80x128xf32, #tpu.memory_space<vmem>> -> memref<80x128xf32, #tpu.memory_space<vmem>>
      %dma_start3A_627 = arith.constant 0 : i32
      %dma_start3A_628 = tpu.memref_slice %arg7[%dma_start3A_622, %dma_start3A_627] : memref<25x80xi32, #tpu.memory_space<vmem>> -> memref<1x80xi32, #tpu.memory_space<vmem>>
      %dma_start3A_629 = tpu.memref_squeeze %dma_start3A_628 : memref<1x80xi32, #tpu.memory_space<vmem>> -> memref<80xi32, #tpu.memory_space<vmem>>
      %dma_start3A_630 = arith.constant 0 : i32
      %dma_start3A_631 = arith.constant 0 : i32
      %dma_start3A_632 = tpu.memref_slice %arg9[%dma_start3A_630, %dma_start3A_631] : memref<10000x128xf32, #tpu.memory_space<vmem_shared>> -> memref<10000x128xf32, #tpu.memory_space<vmem_shared>>
      tpu.enqueue_indirect_dma source(%dma_start3A_626 : memref<80x128xf32, #tpu.memory_space<vmem>>) target(%dma_start3A_632 : memref<10000x128xf32, #tpu.memory_space<vmem_shared>>) offsets(%dma_start3A_629 : memref<80xi32, #tpu.memory_space<vmem>>) semaphore(%arg13 : memref<!tpu.dma_semaphore, #tpu.memory_space<semaphore_mem>>) {add = true}
      %dma_wait3A_633 = arith.constant 2 : i32
      %dma_wait3A_634 = arith.constant 0 : i32
      %dma_wait3A_635 = arith.constant 0 : i32
      %dma_wait3A_636 = arith.constant 0 : i32
      %dma_wait3A_637 = tpu.memref_slice %arg8[%dma_wait3A_633, %dma_wait3A_635, %dma_wait3A_636] : memref<3x80x128xf32, #tpu.memory_space<vmem>> -> memref<1x80x128xf32, #tpu.memory_space<vmem>>
      %dma_wait3A_638 = tpu.memref_squeeze %dma_wait3A_637 : memref<1x80x128xf32, #tpu.memory_space<vmem>> -> memref<80x128xf32, #tpu.memory_space<vmem>>
      %dma_wait3A_639 = arith.constant 0 : i32
      %dma_wait3A_640 = tpu.memref_slice %arg7[%dma_wait3A_634, %dma_wait3A_639] : memref<25x80xi32, #tpu.memory_space<vmem>> -> memref<1x80xi32, #tpu.memory_space<vmem>>
      %dma_wait3A_641 = tpu.memref_squeeze %dma_wait3A_640 : memref<1x80xi32, #tpu.memory_space<vmem>> -> memref<80xi32, #tpu.memory_space<vmem>>
      %dma_wait3A_642 = arith.constant 0 : i32
      %dma_wait3A_643 = arith.constant 0 : i32
      %dma_wait3A_644 = tpu.memref_slice %arg9[%dma_wait3A_642, %dma_wait3A_643] : memref<10000x128xf32, #tpu.memory_space<vmem_shared>> -> memref<10000x128xf32, #tpu.memory_space<vmem_shared>>
      tpu.wait_indirect_dma semaphore(%arg15 : memref<!tpu.dma_semaphore, #tpu.memory_space<semaphore_mem>>) src(%dma_wait3A_638 : memref<80x128xf32, #tpu.memory_space<vmem>>) dst(%dma_wait3A_644 : memref<10000x128xf32, #tpu.memory_space<vmem_shared>>)
      %dma_start3A_645 = arith.constant 11 : i32
      %dma_start3A_646 = arith.constant 2 : i32
      %dma_start3A_647 = arith.constant 0 : i32
      %dma_start3A_648 = arith.constant 0 : i32
      %dma_start3A_649 = tpu.memref_slice %arg8[%dma_start3A_646, %dma_start3A_647, %dma_start3A_648] : memref<3x80x128xf32, #tpu.memory_space<vmem>> -> memref<1x80x128xf32, #tpu.memory_space<vmem>>
      %dma_start3A_650 = tpu.memref_squeeze %dma_start3A_649 : memref<1x80x128xf32, #tpu.memory_space<vmem>> -> memref<80x128xf32, #tpu.memory_space<vmem>>
      %dma_start3A_651 = arith.constant 0 : i32
      %dma_start3A_652 = tpu.memref_slice %arg6[%dma_start3A_645, %dma_start3A_651] : memref<25x80xi32, #tpu.memory_space<vmem>> -> memref<1x80xi32, #tpu.memory_space<vmem>>
      %dma_start3A_653 = tpu.memref_squeeze %dma_start3A_652 : memref<1x80xi32, #tpu.memory_space<vmem>> -> memref<80xi32, #tpu.memory_space<vmem>>
      %dma_start3A_654 = arith.constant 0 : i32
      %dma_start3A_655 = arith.constant 0 : i32
      %dma_start3A_656 = tpu.memref_slice %arg2[%dma_start3A_654, %dma_start3A_655] : memref<10000x128xf32, #tpu.memory_space<hbm>> -> memref<10000x128xf32, #tpu.memory_space<hbm>>
      tpu.enqueue_indirect_dma source(%dma_start3A_656 : memref<10000x128xf32, #tpu.memory_space<hbm>>) target(%dma_start3A_650 : memref<80x128xf32, #tpu.memory_space<vmem>>) offsets(%dma_start3A_653 : memref<80xi32, #tpu.memory_space<vmem>>) semaphore(%arg12 : memref<!tpu.dma_semaphore, #tpu.memory_space<semaphore_mem>>)
      %dma_wait3A_657 = arith.constant 10 : i32
      %dma_wait3A_658 = arith.constant 1 : i32
      %dma_wait3A_659 = arith.constant 0 : i32
      %dma_wait3A_660 = arith.constant 0 : i32
      %dma_wait3A_661 = tpu.memref_slice %arg8[%dma_wait3A_658, %dma_wait3A_659, %dma_wait3A_660] : memref<3x80x128xf32, #tpu.memory_space<vmem>> -> memref<1x80x128xf32, #tpu.memory_space<vmem>>
      %dma_wait3A_662 = tpu.memref_squeeze %dma_wait3A_661 : memref<1x80x128xf32, #tpu.memory_space<vmem>> -> memref<80x128xf32, #tpu.memory_space<vmem>>
      %dma_wait3A_663 = arith.constant 0 : i32
      %dma_wait3A_664 = tpu.memref_slice %arg6[%dma_wait3A_657, %dma_wait3A_663] : memref<25x80xi32, #tpu.memory_space<vmem>> -> memref<1x80xi32, #tpu.memory_space<vmem>>
      %dma_wait3A_665 = tpu.memref_squeeze %dma_wait3A_664 : memref<1x80xi32, #tpu.memory_space<vmem>> -> memref<80xi32, #tpu.memory_space<vmem>>
      %dma_wait3A_666 = arith.constant 0 : i32
      %dma_wait3A_667 = arith.constant 0 : i32
      %dma_wait3A_668 = tpu.memref_slice %arg2[%dma_wait3A_666, %dma_wait3A_667] : memref<10000x128xf32, #tpu.memory_space<hbm>> -> memref<10000x128xf32, #tpu.memory_space<hbm>>
      tpu.wait_indirect_dma semaphore(%arg11 : memref<!tpu.dma_semaphore, #tpu.memory_space<semaphore_mem>>) src(%dma_wait3A_668 : memref<10000x128xf32, #tpu.memory_space<hbm>>) dst(%dma_wait3A_662 : memref<80x128xf32, #tpu.memory_space<vmem>>)
      %dma_start3A_669 = arith.constant 1 : i32
      %dma_start3A_670 = arith.constant 10 : i32
      %dma_start3A_671 = arith.constant 0 : i32
      %dma_start3A_672 = arith.constant 0 : i32
      %dma_start3A_673 = tpu.memref_slice %arg8[%dma_start3A_669, %dma_start3A_671, %dma_start3A_672] : memref<3x80x128xf32, #tpu.memory_space<vmem>> -> memref<1x80x128xf32, #tpu.memory_space<vmem>>
      %dma_start3A_674 = tpu.memref_squeeze %dma_start3A_673 : memref<1x80x128xf32, #tpu.memory_space<vmem>> -> memref<80x128xf32, #tpu.memory_space<vmem>>
      %dma_start3A_675 = arith.constant 0 : i32
      %dma_start3A_676 = tpu.memref_slice %arg7[%dma_start3A_670, %dma_start3A_675] : memref<25x80xi32, #tpu.memory_space<vmem>> -> memref<1x80xi32, #tpu.memory_space<vmem>>
      %dma_start3A_677 = tpu.memref_squeeze %dma_start3A_676 : memref<1x80xi32, #tpu.memory_space<vmem>> -> memref<80xi32, #tpu.memory_space<vmem>>
      %dma_start3A_678 = arith.constant 0 : i32
      %dma_start3A_679 = arith.constant 0 : i32
      %dma_start3A_680 = tpu.memref_slice %arg9[%dma_start3A_678, %dma_start3A_679] : memref<10000x128xf32, #tpu.memory_space<vmem_shared>> -> memref<10000x128xf32, #tpu.memory_space<vmem_shared>>
      tpu.enqueue_indirect_dma source(%dma_start3A_674 : memref<80x128xf32, #tpu.memory_space<vmem>>) target(%dma_start3A_680 : memref<10000x128xf32, #tpu.memory_space<vmem_shared>>) offsets(%dma_start3A_677 : memref<80xi32, #tpu.memory_space<vmem>>) semaphore(%arg14 : memref<!tpu.dma_semaphore, #tpu.memory_space<semaphore_mem>>) {add = true}
      %dma_wait3A_681 = arith.constant 0 : i32
      %dma_wait3A_682 = arith.constant 0 : i32
      %dma_wait3A_683 = arith.constant 0 : i32
      %dma_wait3A_684 = arith.constant 0 : i32
      %dma_wait3A_685 = tpu.memref_slice %arg8[%dma_wait3A_681, %dma_wait3A_683, %dma_wait3A_684] : memref<3x80x128xf32, #tpu.memory_space<vmem>> -> memref<1x80x128xf32, #tpu.memory_space<vmem>>
      %dma_wait3A_686 = tpu.memref_squeeze %dma_wait3A_685 : memref<1x80x128xf32, #tpu.memory_space<vmem>> -> memref<80x128xf32, #tpu.memory_space<vmem>>
      %dma_wait3A_687 = arith.constant 0 : i32
      %dma_wait3A_688 = tpu.memref_slice %arg7[%dma_wait3A_682, %dma_wait3A_687] : memref<25x80xi32, #tpu.memory_space<vmem>> -> memref<1x80xi32, #tpu.memory_space<vmem>>
      %dma_wait3A_689 = tpu.memref_squeeze %dma_wait3A_688 : memref<1x80xi32, #tpu.memory_space<vmem>> -> memref<80xi32, #tpu.memory_space<vmem>>
      %dma_wait3A_690 = arith.constant 0 : i32
      %dma_wait3A_691 = arith.constant 0 : i32
      %dma_wait3A_692 = tpu.memref_slice %arg9[%dma_wait3A_690, %dma_wait3A_691] : memref<10000x128xf32, #tpu.memory_space<vmem_shared>> -> memref<10000x128xf32, #tpu.memory_space<vmem_shared>>
      tpu.wait_indirect_dma semaphore(%arg13 : memref<!tpu.dma_semaphore, #tpu.memory_space<semaphore_mem>>) src(%dma_wait3A_686 : memref<80x128xf32, #tpu.memory_space<vmem>>) dst(%dma_wait3A_692 : memref<10000x128xf32, #tpu.memory_space<vmem_shared>>)
      %dma_start3A_693 = arith.constant 12 : i32
      %dma_start3A_694 = arith.constant 0 : i32
      %dma_start3A_695 = arith.constant 0 : i32
      %dma_start3A_696 = arith.constant 0 : i32
      %dma_start3A_697 = tpu.memref_slice %arg8[%dma_start3A_694, %dma_start3A_695, %dma_start3A_696] : memref<3x80x128xf32, #tpu.memory_space<vmem>> -> memref<1x80x128xf32, #tpu.memory_space<vmem>>
      %dma_start3A_698 = tpu.memref_squeeze %dma_start3A_697 : memref<1x80x128xf32, #tpu.memory_space<vmem>> -> memref<80x128xf32, #tpu.memory_space<vmem>>
      %dma_start3A_699 = arith.constant 0 : i32
      %dma_start3A_700 = tpu.memref_slice %arg6[%dma_start3A_693, %dma_start3A_699] : memref<25x80xi32, #tpu.memory_space<vmem>> -> memref<1x80xi32, #tpu.memory_space<vmem>>
      %dma_start3A_701 = tpu.memref_squeeze %dma_start3A_700 : memref<1x80xi32, #tpu.memory_space<vmem>> -> memref<80xi32, #tpu.memory_space<vmem>>
      %dma_start3A_702 = arith.constant 0 : i32
      %dma_start3A_703 = arith.constant 0 : i32
      %dma_start3A_704 = tpu.memref_slice %arg2[%dma_start3A_702, %dma_start3A_703] : memref<10000x128xf32, #tpu.memory_space<hbm>> -> memref<10000x128xf32, #tpu.memory_space<hbm>>
      tpu.enqueue_indirect_dma source(%dma_start3A_704 : memref<10000x128xf32, #tpu.memory_space<hbm>>) target(%dma_start3A_698 : memref<80x128xf32, #tpu.memory_space<vmem>>) offsets(%dma_start3A_701 : memref<80xi32, #tpu.memory_space<vmem>>) semaphore(%arg10 : memref<!tpu.dma_semaphore, #tpu.memory_space<semaphore_mem>>)
      %dma_wait3A_705 = arith.constant 11 : i32
      %dma_wait3A_706 = arith.constant 2 : i32
      %dma_wait3A_707 = arith.constant 0 : i32
      %dma_wait3A_708 = arith.constant 0 : i32
      %dma_wait3A_709 = tpu.memref_slice %arg8[%dma_wait3A_706, %dma_wait3A_707, %dma_wait3A_708] : memref<3x80x128xf32, #tpu.memory_space<vmem>> -> memref<1x80x128xf32, #tpu.memory_space<vmem>>
      %dma_wait3A_710 = tpu.memref_squeeze %dma_wait3A_709 : memref<1x80x128xf32, #tpu.memory_space<vmem>> -> memref<80x128xf32, #tpu.memory_space<vmem>>
      %dma_wait3A_711 = arith.constant 0 : i32
      %dma_wait3A_712 = tpu.memref_slice %arg6[%dma_wait3A_705, %dma_wait3A_711] : memref<25x80xi32, #tpu.memory_space<vmem>> -> memref<1x80xi32, #tpu.memory_space<vmem>>
      %dma_wait3A_713 = tpu.memref_squeeze %dma_wait3A_712 : memref<1x80xi32, #tpu.memory_space<vmem>> -> memref<80xi32, #tpu.memory_space<vmem>>
      %dma_wait3A_714 = arith.constant 0 : i32
      %dma_wait3A_715 = arith.constant 0 : i32
      %dma_wait3A_716 = tpu.memref_slice %arg2[%dma_wait3A_714, %dma_wait3A_715] : memref<10000x128xf32, #tpu.memory_space<hbm>> -> memref<10000x128xf32, #tpu.memory_space<hbm>>
      tpu.wait_indirect_dma semaphore(%arg12 : memref<!tpu.dma_semaphore, #tpu.memory_space<semaphore_mem>>) src(%dma_wait3A_716 : memref<10000x128xf32, #tpu.memory_space<hbm>>) dst(%dma_wait3A_710 : memref<80x128xf32, #tpu.memory_space<vmem>>)
      %dma_start3A_717 = arith.constant 2 : i32
      %dma_start3A_718 = arith.constant 11 : i32
      %dma_start3A_719 = arith.constant 0 : i32
      %dma_start3A_720 = arith.constant 0 : i32
      %dma_start3A_721 = tpu.memref_slice %arg8[%dma_start3A_717, %dma_start3A_719, %dma_start3A_720] : memref<3x80x128xf32, #tpu.memory_space<vmem>> -> memref<1x80x128xf32, #tpu.memory_space<vmem>>
      %dma_start3A_722 = tpu.memref_squeeze %dma_start3A_721 : memref<1x80x128xf32, #tpu.memory_space<vmem>> -> memref<80x128xf32, #tpu.memory_space<vmem>>
      %dma_start3A_723 = arith.constant 0 : i32
      %dma_start3A_724 = tpu.memref_slice %arg7[%dma_start3A_718, %dma_start3A_723] : memref<25x80xi32, #tpu.memory_space<vmem>> -> memref<1x80xi32, #tpu.memory_space<vmem>>
      %dma_start3A_725 = tpu.memref_squeeze %dma_start3A_724 : memref<1x80xi32, #tpu.memory_space<vmem>> -> memref<80xi32, #tpu.memory_space<vmem>>
      %dma_start3A_726 = arith.constant 0 : i32
      %dma_start3A_727 = arith.constant 0 : i32
      %dma_start3A_728 = tpu.memref_slice %arg9[%dma_start3A_726, %dma_start3A_727] : memref<10000x128xf32, #tpu.memory_space<vmem_shared>> -> memref<10000x128xf32, #tpu.memory_space<vmem_shared>>
      tpu.enqueue_indirect_dma source(%dma_start3A_722 : memref<80x128xf32, #tpu.memory_space<vmem>>) target(%dma_start3A_728 : memref<10000x128xf32, #tpu.memory_space<vmem_shared>>) offsets(%dma_start3A_725 : memref<80xi32, #tpu.memory_space<vmem>>) semaphore(%arg15 : memref<!tpu.dma_semaphore, #tpu.memory_space<semaphore_mem>>) {add = true}
      %dma_wait3A_729 = arith.constant 1 : i32
      %dma_wait3A_730 = arith.constant 0 : i32
      %dma_wait3A_731 = arith.constant 0 : i32
      %dma_wait3A_732 = arith.constant 0 : i32
      %dma_wait3A_733 = tpu.memref_slice %arg8[%dma_wait3A_729, %dma_wait3A_731, %dma_wait3A_732] : memref<3x80x128xf32, #tpu.memory_space<vmem>> -> memref<1x80x128xf32, #tpu.memory_space<vmem>>
      %dma_wait3A_734 = tpu.memref_squeeze %dma_wait3A_733 : memref<1x80x128xf32, #tpu.memory_space<vmem>> -> memref<80x128xf32, #tpu.memory_space<vmem>>
      %dma_wait3A_735 = arith.constant 0 : i32
      %dma_wait3A_736 = tpu.memref_slice %arg7[%dma_wait3A_730, %dma_wait3A_735] : memref<25x80xi32, #tpu.memory_space<vmem>> -> memref<1x80xi32, #tpu.memory_space<vmem>>
      %dma_wait3A_737 = tpu.memref_squeeze %dma_wait3A_736 : memref<1x80xi32, #tpu.memory_space<vmem>> -> memref<80xi32, #tpu.memory_space<vmem>>
      %dma_wait3A_738 = arith.constant 0 : i32
      %dma_wait3A_739 = arith.constant 0 : i32
      %dma_wait3A_740 = tpu.memref_slice %arg9[%dma_wait3A_738, %dma_wait3A_739] : memref<10000x128xf32, #tpu.memory_space<vmem_shared>> -> memref<10000x128xf32, #tpu.memory_space<vmem_shared>>
      tpu.wait_indirect_dma semaphore(%arg14 : memref<!tpu.dma_semaphore, #tpu.memory_space<semaphore_mem>>) src(%dma_wait3A_734 : memref<80x128xf32, #tpu.memory_space<vmem>>) dst(%dma_wait3A_740 : memref<10000x128xf32, #tpu.memory_space<vmem_shared>>)
      %dma_start3A_741 = arith.constant 13 : i32
      %dma_start3A_742 = arith.constant 1 : i32
      %dma_start3A_743 = arith.constant 0 : i32
      %dma_start3A_744 = arith.constant 0 : i32
      %dma_start3A_745 = tpu.memref_slice %arg8[%dma_start3A_742, %dma_start3A_743, %dma_start3A_744] : memref<3x80x128xf32, #tpu.memory_space<vmem>> -> memref<1x80x128xf32, #tpu.memory_space<vmem>>
      %dma_start3A_746 = tpu.memref_squeeze %dma_start3A_745 : memref<1x80x128xf32, #tpu.memory_space<vmem>> -> memref<80x128xf32, #tpu.memory_space<vmem>>
      %dma_start3A_747 = arith.constant 0 : i32
      %dma_start3A_748 = tpu.memref_slice %arg6[%dma_start3A_741, %dma_start3A_747] : memref<25x80xi32, #tpu.memory_space<vmem>> -> memref<1x80xi32, #tpu.memory_space<vmem>>
      %dma_start3A_749 = tpu.memref_squeeze %dma_start3A_748 : memref<1x80xi32, #tpu.memory_space<vmem>> -> memref<80xi32, #tpu.memory_space<vmem>>
      %dma_start3A_750 = arith.constant 0 : i32
      %dma_start3A_751 = arith.constant 0 : i32
      %dma_start3A_752 = tpu.memref_slice %arg2[%dma_start3A_750, %dma_start3A_751] : memref<10000x128xf32, #tpu.memory_space<hbm>> -> memref<10000x128xf32, #tpu.memory_space<hbm>>
      tpu.enqueue_indirect_dma source(%dma_start3A_752 : memref<10000x128xf32, #tpu.memory_space<hbm>>) target(%dma_start3A_746 : memref<80x128xf32, #tpu.memory_space<vmem>>) offsets(%dma_start3A_749 : memref<80xi32, #tpu.memory_space<vmem>>) semaphore(%arg11 : memref<!tpu.dma_semaphore, #tpu.memory_space<semaphore_mem>>)
      %dma_wait3A_753 = arith.constant 12 : i32
      %dma_wait3A_754 = arith.constant 0 : i32
      %dma_wait3A_755 = arith.constant 0 : i32
      %dma_wait3A_756 = arith.constant 0 : i32
      %dma_wait3A_757 = tpu.memref_slice %arg8[%dma_wait3A_754, %dma_wait3A_755, %dma_wait3A_756] : memref<3x80x128xf32, #tpu.memory_space<vmem>> -> memref<1x80x128xf32, #tpu.memory_space<vmem>>
      %dma_wait3A_758 = tpu.memref_squeeze %dma_wait3A_757 : memref<1x80x128xf32, #tpu.memory_space<vmem>> -> memref<80x128xf32, #tpu.memory_space<vmem>>
      %dma_wait3A_759 = arith.constant 0 : i32
      %dma_wait3A_760 = tpu.memref_slice %arg6[%dma_wait3A_753, %dma_wait3A_759] : memref<25x80xi32, #tpu.memory_space<vmem>> -> memref<1x80xi32, #tpu.memory_space<vmem>>
      %dma_wait3A_761 = tpu.memref_squeeze %dma_wait3A_760 : memref<1x80xi32, #tpu.memory_space<vmem>> -> memref<80xi32, #tpu.memory_space<vmem>>
      %dma_wait3A_762 = arith.constant 0 : i32
      %dma_wait3A_763 = arith.constant 0 : i32
      %dma_wait3A_764 = tpu.memref_slice %arg2[%dma_wait3A_762, %dma_wait3A_763] : memref<10000x128xf32, #tpu.memory_space<hbm>> -> memref<10000x128xf32, #tpu.memory_space<hbm>>
      tpu.wait_indirect_dma semaphore(%arg10 : memref<!tpu.dma_semaphore, #tpu.memory_space<semaphore_mem>>) src(%dma_wait3A_764 : memref<10000x128xf32, #tpu.memory_space<hbm>>) dst(%dma_wait3A_758 : memref<80x128xf32, #tpu.memory_space<vmem>>)
      %dma_start3A_765 = arith.constant 0 : i32
      %dma_start3A_766 = arith.constant 12 : i32
      %dma_start3A_767 = arith.constant 0 : i32
      %dma_start3A_768 = arith.constant 0 : i32
      %dma_start3A_769 = tpu.memref_slice %arg8[%dma_start3A_765, %dma_start3A_767, %dma_start3A_768] : memref<3x80x128xf32, #tpu.memory_space<vmem>> -> memref<1x80x128xf32, #tpu.memory_space<vmem>>
      %dma_start3A_770 = tpu.memref_squeeze %dma_start3A_769 : memref<1x80x128xf32, #tpu.memory_space<vmem>> -> memref<80x128xf32, #tpu.memory_space<vmem>>
      %dma_start3A_771 = arith.constant 0 : i32
      %dma_start3A_772 = tpu.memref_slice %arg7[%dma_start3A_766, %dma_start3A_771] : memref<25x80xi32, #tpu.memory_space<vmem>> -> memref<1x80xi32, #tpu.memory_space<vmem>>
      %dma_start3A_773 = tpu.memref_squeeze %dma_start3A_772 : memref<1x80xi32, #tpu.memory_space<vmem>> -> memref<80xi32, #tpu.memory_space<vmem>>
      %dma_start3A_774 = arith.constant 0 : i32
      %dma_start3A_775 = arith.constant 0 : i32
      %dma_start3A_776 = tpu.memref_slice %arg9[%dma_start3A_774, %dma_start3A_775] : memref<10000x128xf32, #tpu.memory_space<vmem_shared>> -> memref<10000x128xf32, #tpu.memory_space<vmem_shared>>
      tpu.enqueue_indirect_dma source(%dma_start3A_770 : memref<80x128xf32, #tpu.memory_space<vmem>>) target(%dma_start3A_776 : memref<10000x128xf32, #tpu.memory_space<vmem_shared>>) offsets(%dma_start3A_773 : memref<80xi32, #tpu.memory_space<vmem>>) semaphore(%arg13 : memref<!tpu.dma_semaphore, #tpu.memory_space<semaphore_mem>>) {add = true}
      %dma_wait3A_777 = arith.constant 2 : i32
      %dma_wait3A_778 = arith.constant 0 : i32
      %dma_wait3A_779 = arith.constant 0 : i32
      %dma_wait3A_780 = arith.constant 0 : i32
      %dma_wait3A_781 = tpu.memref_slice %arg8[%dma_wait3A_777, %dma_wait3A_779, %dma_wait3A_780] : memref<3x80x128xf32, #tpu.memory_space<vmem>> -> memref<1x80x128xf32, #tpu.memory_space<vmem>>
      %dma_wait3A_782 = tpu.memref_squeeze %dma_wait3A_781 : memref<1x80x128xf32, #tpu.memory_space<vmem>> -> memref<80x128xf32, #tpu.memory_space<vmem>>
      %dma_wait3A_783 = arith.constant 0 : i32
      %dma_wait3A_784 = tpu.memref_slice %arg7[%dma_wait3A_778, %dma_wait3A_783] : memref<25x80xi32, #tpu.memory_space<vmem>> -> memref<1x80xi32, #tpu.memory_space<vmem>>
      %dma_wait3A_785 = tpu.memref_squeeze %dma_wait3A_784 : memref<1x80xi32, #tpu.memory_space<vmem>> -> memref<80xi32, #tpu.memory_space<vmem>>
      %dma_wait3A_786 = arith.constant 0 : i32
      %dma_wait3A_787 = arith.constant 0 : i32
      %dma_wait3A_788 = tpu.memref_slice %arg9[%dma_wait3A_786, %dma_wait3A_787] : memref<10000x128xf32, #tpu.memory_space<vmem_shared>> -> memref<10000x128xf32, #tpu.memory_space<vmem_shared>>
      tpu.wait_indirect_dma semaphore(%arg15 : memref<!tpu.dma_semaphore, #tpu.memory_space<semaphore_mem>>) src(%dma_wait3A_782 : memref<80x128xf32, #tpu.memory_space<vmem>>) dst(%dma_wait3A_788 : memref<10000x128xf32, #tpu.memory_space<vmem_shared>>)
      %dma_start3A_789 = arith.constant 14 : i32
      %dma_start3A_790 = arith.constant 2 : i32
      %dma_start3A_791 = arith.constant 0 : i32
      %dma_start3A_792 = arith.constant 0 : i32
      %dma_start3A_793 = tpu.memref_slice %arg8[%dma_start3A_790, %dma_start3A_791, %dma_start3A_792] : memref<3x80x128xf32, #tpu.memory_space<vmem>> -> memref<1x80x128xf32, #tpu.memory_space<vmem>>
      %dma_start3A_794 = tpu.memref_squeeze %dma_start3A_793 : memref<1x80x128xf32, #tpu.memory_space<vmem>> -> memref<80x128xf32, #tpu.memory_space<vmem>>
      %dma_start3A_795 = arith.constant 0 : i32
      %dma_start3A_796 = tpu.memref_slice %arg6[%dma_start3A_789, %dma_start3A_795] : memref<25x80xi32, #tpu.memory_space<vmem>> -> memref<1x80xi32, #tpu.memory_space<vmem>>
      %dma_start3A_797 = tpu.memref_squeeze %dma_start3A_796 : memref<1x80xi32, #tpu.memory_space<vmem>> -> memref<80xi32, #tpu.memory_space<vmem>>
      %dma_start3A_798 = arith.constant 0 : i32
      %dma_start3A_799 = arith.constant 0 : i32
      %dma_start3A_800 = tpu.memref_slice %arg2[%dma_start3A_798, %dma_start3A_799] : memref<10000x128xf32, #tpu.memory_space<hbm>> -> memref<10000x128xf32, #tpu.memory_space<hbm>>
      tpu.enqueue_indirect_dma source(%dma_start3A_800 : memref<10000x128xf32, #tpu.memory_space<hbm>>) target(%dma_start3A_794 : memref<80x128xf32, #tpu.memory_space<vmem>>) offsets(%dma_start3A_797 : memref<80xi32, #tpu.memory_space<vmem>>) semaphore(%arg12 : memref<!tpu.dma_semaphore, #tpu.memory_space<semaphore_mem>>)
      %dma_wait3A_801 = arith.constant 13 : i32
      %dma_wait3A_802 = arith.constant 1 : i32
      %dma_wait3A_803 = arith.constant 0 : i32
      %dma_wait3A_804 = arith.constant 0 : i32
      %dma_wait3A_805 = tpu.memref_slice %arg8[%dma_wait3A_802, %dma_wait3A_803, %dma_wait3A_804] : memref<3x80x128xf32, #tpu.memory_space<vmem>> -> memref<1x80x128xf32, #tpu.memory_space<vmem>>
      %dma_wait3A_806 = tpu.memref_squeeze %dma_wait3A_805 : memref<1x80x128xf32, #tpu.memory_space<vmem>> -> memref<80x128xf32, #tpu.memory_space<vmem>>
      %dma_wait3A_807 = arith.constant 0 : i32
      %dma_wait3A_808 = tpu.memref_slice %arg6[%dma_wait3A_801, %dma_wait3A_807] : memref<25x80xi32, #tpu.memory_space<vmem>> -> memref<1x80xi32, #tpu.memory_space<vmem>>
      %dma_wait3A_809 = tpu.memref_squeeze %dma_wait3A_808 : memref<1x80xi32, #tpu.memory_space<vmem>> -> memref<80xi32, #tpu.memory_space<vmem>>
      %dma_wait3A_810 = arith.constant 0 : i32
      %dma_wait3A_811 = arith.constant 0 : i32
      %dma_wait3A_812 = tpu.memref_slice %arg2[%dma_wait3A_810, %dma_wait3A_811] : memref<10000x128xf32, #tpu.memory_space<hbm>> -> memref<10000x128xf32, #tpu.memory_space<hbm>>
      tpu.wait_indirect_dma semaphore(%arg11 : memref<!tpu.dma_semaphore, #tpu.memory_space<semaphore_mem>>) src(%dma_wait3A_812 : memref<10000x128xf32, #tpu.memory_space<hbm>>) dst(%dma_wait3A_806 : memref<80x128xf32, #tpu.memory_space<vmem>>)
      %dma_start3A_813 = arith.constant 1 : i32
      %dma_start3A_814 = arith.constant 13 : i32
      %dma_start3A_815 = arith.constant 0 : i32
      %dma_start3A_816 = arith.constant 0 : i32
      %dma_start3A_817 = tpu.memref_slice %arg8[%dma_start3A_813, %dma_start3A_815, %dma_start3A_816] : memref<3x80x128xf32, #tpu.memory_space<vmem>> -> memref<1x80x128xf32, #tpu.memory_space<vmem>>
      %dma_start3A_818 = tpu.memref_squeeze %dma_start3A_817 : memref<1x80x128xf32, #tpu.memory_space<vmem>> -> memref<80x128xf32, #tpu.memory_space<vmem>>
      %dma_start3A_819 = arith.constant 0 : i32
      %dma_start3A_820 = tpu.memref_slice %arg7[%dma_start3A_814, %dma_start3A_819] : memref<25x80xi32, #tpu.memory_space<vmem>> -> memref<1x80xi32, #tpu.memory_space<vmem>>
      %dma_start3A_821 = tpu.memref_squeeze %dma_start3A_820 : memref<1x80xi32, #tpu.memory_space<vmem>> -> memref<80xi32, #tpu.memory_space<vmem>>
      %dma_start3A_822 = arith.constant 0 : i32
      %dma_start3A_823 = arith.constant 0 : i32
      %dma_start3A_824 = tpu.memref_slice %arg9[%dma_start3A_822, %dma_start3A_823] : memref<10000x128xf32, #tpu.memory_space<vmem_shared>> -> memref<10000x128xf32, #tpu.memory_space<vmem_shared>>
      tpu.enqueue_indirect_dma source(%dma_start3A_818 : memref<80x128xf32, #tpu.memory_space<vmem>>) target(%dma_start3A_824 : memref<10000x128xf32, #tpu.memory_space<vmem_shared>>) offsets(%dma_start3A_821 : memref<80xi32, #tpu.memory_space<vmem>>) semaphore(%arg14 : memref<!tpu.dma_semaphore, #tpu.memory_space<semaphore_mem>>) {add = true}
      %dma_wait3A_825 = arith.constant 0 : i32
      %dma_wait3A_826 = arith.constant 0 : i32
      %dma_wait3A_827 = arith.constant 0 : i32
      %dma_wait3A_828 = arith.constant 0 : i32
      %dma_wait3A_829 = tpu.memref_slice %arg8[%dma_wait3A_825, %dma_wait3A_827, %dma_wait3A_828] : memref<3x80x128xf32, #tpu.memory_space<vmem>> -> memref<1x80x128xf32, #tpu.memory_space<vmem>>
      %dma_wait3A_830 = tpu.memref_squeeze %dma_wait3A_829 : memref<1x80x128xf32, #tpu.memory_space<vmem>> -> memref<80x128xf32, #tpu.memory_space<vmem>>
      %dma_wait3A_831 = arith.constant 0 : i32
      %dma_wait3A_832 = tpu.memref_slice %arg7[%dma_wait3A_826, %dma_wait3A_831] : memref<25x80xi32, #tpu.memory_space<vmem>> -> memref<1x80xi32, #tpu.memory_space<vmem>>
      %dma_wait3A_833 = tpu.memref_squeeze %dma_wait3A_832 : memref<1x80xi32, #tpu.memory_space<vmem>> -> memref<80xi32, #tpu.memory_space<vmem>>
      %dma_wait3A_834 = arith.constant 0 : i32
      %dma_wait3A_835 = arith.constant 0 : i32
      %dma_wait3A_836 = tpu.memref_slice %arg9[%dma_wait3A_834, %dma_wait3A_835] : memref<10000x128xf32, #tpu.memory_space<vmem_shared>> -> memref<10000x128xf32, #tpu.memory_space<vmem_shared>>
      tpu.wait_indirect_dma semaphore(%arg13 : memref<!tpu.dma_semaphore, #tpu.memory_space<semaphore_mem>>) src(%dma_wait3A_830 : memref<80x128xf32, #tpu.memory_space<vmem>>) dst(%dma_wait3A_836 : memref<10000x128xf32, #tpu.memory_space<vmem_shared>>)
      %dma_start3A_837 = arith.constant 15 : i32
      %dma_start3A_838 = arith.constant 0 : i32
      %dma_start3A_839 = arith.constant 0 : i32
      %dma_start3A_840 = arith.constant 0 : i32
      %dma_start3A_841 = tpu.memref_slice %arg8[%dma_start3A_838, %dma_start3A_839, %dma_start3A_840] : memref<3x80x128xf32, #tpu.memory_space<vmem>> -> memref<1x80x128xf32, #tpu.memory_space<vmem>>
      %dma_start3A_842 = tpu.memref_squeeze %dma_start3A_841 : memref<1x80x128xf32, #tpu.memory_space<vmem>> -> memref<80x128xf32, #tpu.memory_space<vmem>>
      %dma_start3A_843 = arith.constant 0 : i32
      %dma_start3A_844 = tpu.memref_slice %arg6[%dma_start3A_837, %dma_start3A_843] : memref<25x80xi32, #tpu.memory_space<vmem>> -> memref<1x80xi32, #tpu.memory_space<vmem>>
      %dma_start3A_845 = tpu.memref_squeeze %dma_start3A_844 : memref<1x80xi32, #tpu.memory_space<vmem>> -> memref<80xi32, #tpu.memory_space<vmem>>
      %dma_start3A_846 = arith.constant 0 : i32
      %dma_start3A_847 = arith.constant 0 : i32
      %dma_start3A_848 = tpu.memref_slice %arg2[%dma_start3A_846, %dma_start3A_847] : memref<10000x128xf32, #tpu.memory_space<hbm>> -> memref<10000x128xf32, #tpu.memory_space<hbm>>
      tpu.enqueue_indirect_dma source(%dma_start3A_848 : memref<10000x128xf32, #tpu.memory_space<hbm>>) target(%dma_start3A_842 : memref<80x128xf32, #tpu.memory_space<vmem>>) offsets(%dma_start3A_845 : memref<80xi32, #tpu.memory_space<vmem>>) semaphore(%arg10 : memref<!tpu.dma_semaphore, #tpu.memory_space<semaphore_mem>>)
      %dma_wait3A_849 = arith.constant 14 : i32
      %dma_wait3A_850 = arith.constant 2 : i32
      %dma_wait3A_851 = arith.constant 0 : i32
      %dma_wait3A_852 = arith.constant 0 : i32
      %dma_wait3A_853 = tpu.memref_slice %arg8[%dma_wait3A_850, %dma_wait3A_851, %dma_wait3A_852] : memref<3x80x128xf32, #tpu.memory_space<vmem>> -> memref<1x80x128xf32, #tpu.memory_space<vmem>>
      %dma_wait3A_854 = tpu.memref_squeeze %dma_wait3A_853 : memref<1x80x128xf32, #tpu.memory_space<vmem>> -> memref<80x128xf32, #tpu.memory_space<vmem>>
      %dma_wait3A_855 = arith.constant 0 : i32
      %dma_wait3A_856 = tpu.memref_slice %arg6[%dma_wait3A_849, %dma_wait3A_855] : memref<25x80xi32, #tpu.memory_space<vmem>> -> memref<1x80xi32, #tpu.memory_space<vmem>>
      %dma_wait3A_857 = tpu.memref_squeeze %dma_wait3A_856 : memref<1x80xi32, #tpu.memory_space<vmem>> -> memref<80xi32, #tpu.memory_space<vmem>>
      %dma_wait3A_858 = arith.constant 0 : i32
      %dma_wait3A_859 = arith.constant 0 : i32
      %dma_wait3A_860 = tpu.memref_slice %arg2[%dma_wait3A_858, %dma_wait3A_859] : memref<10000x128xf32, #tpu.memory_space<hbm>> -> memref<10000x128xf32, #tpu.memory_space<hbm>>
      tpu.wait_indirect_dma semaphore(%arg12 : memref<!tpu.dma_semaphore, #tpu.memory_space<semaphore_mem>>) src(%dma_wait3A_860 : memref<10000x128xf32, #tpu.memory_space<hbm>>) dst(%dma_wait3A_854 : memref<80x128xf32, #tpu.memory_space<vmem>>)
      %dma_start3A_861 = arith.constant 2 : i32
      %dma_start3A_862 = arith.constant 14 : i32
      %dma_start3A_863 = arith.constant 0 : i32
      %dma_start3A_864 = arith.constant 0 : i32
      %dma_start3A_865 = tpu.memref_slice %arg8[%dma_start3A_861, %dma_start3A_863, %dma_start3A_864] : memref<3x80x128xf32, #tpu.memory_space<vmem>> -> memref<1x80x128xf32, #tpu.memory_space<vmem>>
      %dma_start3A_866 = tpu.memref_squeeze %dma_start3A_865 : memref<1x80x128xf32, #tpu.memory_space<vmem>> -> memref<80x128xf32, #tpu.memory_space<vmem>>
      %dma_start3A_867 = arith.constant 0 : i32
      %dma_start3A_868 = tpu.memref_slice %arg7[%dma_start3A_862, %dma_start3A_867] : memref<25x80xi32, #tpu.memory_space<vmem>> -> memref<1x80xi32, #tpu.memory_space<vmem>>
      %dma_start3A_869 = tpu.memref_squeeze %dma_start3A_868 : memref<1x80xi32, #tpu.memory_space<vmem>> -> memref<80xi32, #tpu.memory_space<vmem>>
      %dma_start3A_870 = arith.constant 0 : i32
      %dma_start3A_871 = arith.constant 0 : i32
      %dma_start3A_872 = tpu.memref_slice %arg9[%dma_start3A_870, %dma_start3A_871] : memref<10000x128xf32, #tpu.memory_space<vmem_shared>> -> memref<10000x128xf32, #tpu.memory_space<vmem_shared>>
      tpu.enqueue_indirect_dma source(%dma_start3A_866 : memref<80x128xf32, #tpu.memory_space<vmem>>) target(%dma_start3A_872 : memref<10000x128xf32, #tpu.memory_space<vmem_shared>>) offsets(%dma_start3A_869 : memref<80xi32, #tpu.memory_space<vmem>>) semaphore(%arg15 : memref<!tpu.dma_semaphore, #tpu.memory_space<semaphore_mem>>) {add = true}
      %dma_wait3A_873 = arith.constant 1 : i32
      %dma_wait3A_874 = arith.constant 0 : i32
      %dma_wait3A_875 = arith.constant 0 : i32
      %dma_wait3A_876 = arith.constant 0 : i32
      %dma_wait3A_877 = tpu.memref_slice %arg8[%dma_wait3A_873, %dma_wait3A_875, %dma_wait3A_876] : memref<3x80x128xf32, #tpu.memory_space<vmem>> -> memref<1x80x128xf32, #tpu.memory_space<vmem>>
      %dma_wait3A_878 = tpu.memref_squeeze %dma_wait3A_877 : memref<1x80x128xf32, #tpu.memory_space<vmem>> -> memref<80x128xf32, #tpu.memory_space<vmem>>
      %dma_wait3A_879 = arith.constant 0 : i32
      %dma_wait3A_880 = tpu.memref_slice %arg7[%dma_wait3A_874, %dma_wait3A_879] : memref<25x80xi32, #tpu.memory_space<vmem>> -> memref<1x80xi32, #tpu.memory_space<vmem>>
      %dma_wait3A_881 = tpu.memref_squeeze %dma_wait3A_880 : memref<1x80xi32, #tpu.memory_space<vmem>> -> memref<80xi32, #tpu.memory_space<vmem>>
      %dma_wait3A_882 = arith.constant 0 : i32
      %dma_wait3A_883 = arith.constant 0 : i32
      %dma_wait3A_884 = tpu.memref_slice %arg9[%dma_wait3A_882, %dma_wait3A_883] : memref<10000x128xf32, #tpu.memory_space<vmem_shared>> -> memref<10000x128xf32, #tpu.memory_space<vmem_shared>>
      tpu.wait_indirect_dma semaphore(%arg14 : memref<!tpu.dma_semaphore, #tpu.memory_space<semaphore_mem>>) src(%dma_wait3A_878 : memref<80x128xf32, #tpu.memory_space<vmem>>) dst(%dma_wait3A_884 : memref<10000x128xf32, #tpu.memory_space<vmem_shared>>)
      %dma_start3A_885 = arith.constant 16 : i32
      %dma_start3A_886 = arith.constant 1 : i32
      %dma_start3A_887 = arith.constant 0 : i32
      %dma_start3A_888 = arith.constant 0 : i32
      %dma_start3A_889 = tpu.memref_slice %arg8[%dma_start3A_886, %dma_start3A_887, %dma_start3A_888] : memref<3x80x128xf32, #tpu.memory_space<vmem>> -> memref<1x80x128xf32, #tpu.memory_space<vmem>>
      %dma_start3A_890 = tpu.memref_squeeze %dma_start3A_889 : memref<1x80x128xf32, #tpu.memory_space<vmem>> -> memref<80x128xf32, #tpu.memory_space<vmem>>
      %dma_start3A_891 = arith.constant 0 : i32
      %dma_start3A_892 = tpu.memref_slice %arg6[%dma_start3A_885, %dma_start3A_891] : memref<25x80xi32, #tpu.memory_space<vmem>> -> memref<1x80xi32, #tpu.memory_space<vmem>>
      %dma_start3A_893 = tpu.memref_squeeze %dma_start3A_892 : memref<1x80xi32, #tpu.memory_space<vmem>> -> memref<80xi32, #tpu.memory_space<vmem>>
      %dma_start3A_894 = arith.constant 0 : i32
      %dma_start3A_895 = arith.constant 0 : i32
      %dma_start3A_896 = tpu.memref_slice %arg2[%dma_start3A_894, %dma_start3A_895] : memref<10000x128xf32, #tpu.memory_space<hbm>> -> memref<10000x128xf32, #tpu.memory_space<hbm>>
      tpu.enqueue_indirect_dma source(%dma_start3A_896 : memref<10000x128xf32, #tpu.memory_space<hbm>>) target(%dma_start3A_890 : memref<80x128xf32, #tpu.memory_space<vmem>>) offsets(%dma_start3A_893 : memref<80xi32, #tpu.memory_space<vmem>>) semaphore(%arg11 : memref<!tpu.dma_semaphore, #tpu.memory_space<semaphore_mem>>)
      %dma_wait3A_897 = arith.constant 15 : i32
      %dma_wait3A_898 = arith.constant 0 : i32
      %dma_wait3A_899 = arith.constant 0 : i32
      %dma_wait3A_900 = arith.constant 0 : i32
      %dma_wait3A_901 = tpu.memref_slice %arg8[%dma_wait3A_898, %dma_wait3A_899, %dma_wait3A_900] : memref<3x80x128xf32, #tpu.memory_space<vmem>> -> memref<1x80x128xf32, #tpu.memory_space<vmem>>
      %dma_wait3A_902 = tpu.memref_squeeze %dma_wait3A_901 : memref<1x80x128xf32, #tpu.memory_space<vmem>> -> memref<80x128xf32, #tpu.memory_space<vmem>>
      %dma_wait3A_903 = arith.constant 0 : i32
      %dma_wait3A_904 = tpu.memref_slice %arg6[%dma_wait3A_897, %dma_wait3A_903] : memref<25x80xi32, #tpu.memory_space<vmem>> -> memref<1x80xi32, #tpu.memory_space<vmem>>
      %dma_wait3A_905 = tpu.memref_squeeze %dma_wait3A_904 : memref<1x80xi32, #tpu.memory_space<vmem>> -> memref<80xi32, #tpu.memory_space<vmem>>
      %dma_wait3A_906 = arith.constant 0 : i32
      %dma_wait3A_907 = arith.constant 0 : i32
      %dma_wait3A_908 = tpu.memref_slice %arg2[%dma_wait3A_906, %dma_wait3A_907] : memref<10000x128xf32, #tpu.memory_space<hbm>> -> memref<10000x128xf32, #tpu.memory_space<hbm>>
      tpu.wait_indirect_dma semaphore(%arg10 : memref<!tpu.dma_semaphore, #tpu.memory_space<semaphore_mem>>) src(%dma_wait3A_908 : memref<10000x128xf32, #tpu.memory_space<hbm>>) dst(%dma_wait3A_902 : memref<80x128xf32, #tpu.memory_space<vmem>>)
      %dma_start3A_909 = arith.constant 0 : i32
      %dma_start3A_910 = arith.constant 15 : i32
      %dma_start3A_911 = arith.constant 0 : i32
      %dma_start3A_912 = arith.constant 0 : i32
      %dma_start3A_913 = tpu.memref_slice %arg8[%dma_start3A_909, %dma_start3A_911, %dma_start3A_912] : memref<3x80x128xf32, #tpu.memory_space<vmem>> -> memref<1x80x128xf32, #tpu.memory_space<vmem>>
      %dma_start3A_914 = tpu.memref_squeeze %dma_start3A_913 : memref<1x80x128xf32, #tpu.memory_space<vmem>> -> memref<80x128xf32, #tpu.memory_space<vmem>>
      %dma_start3A_915 = arith.constant 0 : i32
      %dma_start3A_916 = tpu.memref_slice %arg7[%dma_start3A_910, %dma_start3A_915] : memref<25x80xi32, #tpu.memory_space<vmem>> -> memref<1x80xi32, #tpu.memory_space<vmem>>
      %dma_start3A_917 = tpu.memref_squeeze %dma_start3A_916 : memref<1x80xi32, #tpu.memory_space<vmem>> -> memref<80xi32, #tpu.memory_space<vmem>>
      %dma_start3A_918 = arith.constant 0 : i32
      %dma_start3A_919 = arith.constant 0 : i32
      %dma_start3A_920 = tpu.memref_slice %arg9[%dma_start3A_918, %dma_start3A_919] : memref<10000x128xf32, #tpu.memory_space<vmem_shared>> -> memref<10000x128xf32, #tpu.memory_space<vmem_shared>>
      tpu.enqueue_indirect_dma source(%dma_start3A_914 : memref<80x128xf32, #tpu.memory_space<vmem>>) target(%dma_start3A_920 : memref<10000x128xf32, #tpu.memory_space<vmem_shared>>) offsets(%dma_start3A_917 : memref<80xi32, #tpu.memory_space<vmem>>) semaphore(%arg13 : memref<!tpu.dma_semaphore, #tpu.memory_space<semaphore_mem>>) {add = true}
      %dma_wait3A_921 = arith.constant 2 : i32
      %dma_wait3A_922 = arith.constant 0 : i32
      %dma_wait3A_923 = arith.constant 0 : i32
      %dma_wait3A_924 = arith.constant 0 : i32
      %dma_wait3A_925 = tpu.memref_slice %arg8[%dma_wait3A_921, %dma_wait3A_923, %dma_wait3A_924] : memref<3x80x128xf32, #tpu.memory_space<vmem>> -> memref<1x80x128xf32, #tpu.memory_space<vmem>>
      %dma_wait3A_926 = tpu.memref_squeeze %dma_wait3A_925 : memref<1x80x128xf32, #tpu.memory_space<vmem>> -> memref<80x128xf32, #tpu.memory_space<vmem>>
      %dma_wait3A_927 = arith.constant 0 : i32
      %dma_wait3A_928 = tpu.memref_slice %arg7[%dma_wait3A_922, %dma_wait3A_927] : memref<25x80xi32, #tpu.memory_space<vmem>> -> memref<1x80xi32, #tpu.memory_space<vmem>>
      %dma_wait3A_929 = tpu.memref_squeeze %dma_wait3A_928 : memref<1x80xi32, #tpu.memory_space<vmem>> -> memref<80xi32, #tpu.memory_space<vmem>>
      %dma_wait3A_930 = arith.constant 0 : i32
      %dma_wait3A_931 = arith.constant 0 : i32
      %dma_wait3A_932 = tpu.memref_slice %arg9[%dma_wait3A_930, %dma_wait3A_931] : memref<10000x128xf32, #tpu.memory_space<vmem_shared>> -> memref<10000x128xf32, #tpu.memory_space<vmem_shared>>
      tpu.wait_indirect_dma semaphore(%arg15 : memref<!tpu.dma_semaphore, #tpu.memory_space<semaphore_mem>>) src(%dma_wait3A_926 : memref<80x128xf32, #tpu.memory_space<vmem>>) dst(%dma_wait3A_932 : memref<10000x128xf32, #tpu.memory_space<vmem_shared>>)
      %dma_start3A_933 = arith.constant 17 : i32
      %dma_start3A_934 = arith.constant 2 : i32
      %dma_start3A_935 = arith.constant 0 : i32
      %dma_start3A_936 = arith.constant 0 : i32
      %dma_start3A_937 = tpu.memref_slice %arg8[%dma_start3A_934, %dma_start3A_935, %dma_start3A_936] : memref<3x80x128xf32, #tpu.memory_space<vmem>> -> memref<1x80x128xf32, #tpu.memory_space<vmem>>
      %dma_start3A_938 = tpu.memref_squeeze %dma_start3A_937 : memref<1x80x128xf32, #tpu.memory_space<vmem>> -> memref<80x128xf32, #tpu.memory_space<vmem>>
      %dma_start3A_939 = arith.constant 0 : i32
      %dma_start3A_940 = tpu.memref_slice %arg6[%dma_start3A_933, %dma_start3A_939] : memref<25x80xi32, #tpu.memory_space<vmem>> -> memref<1x80xi32, #tpu.memory_space<vmem>>
      %dma_start3A_941 = tpu.memref_squeeze %dma_start3A_940 : memref<1x80xi32, #tpu.memory_space<vmem>> -> memref<80xi32, #tpu.memory_space<vmem>>
      %dma_start3A_942 = arith.constant 0 : i32
      %dma_start3A_943 = arith.constant 0 : i32
      %dma_start3A_944 = tpu.memref_slice %arg2[%dma_start3A_942, %dma_start3A_943] : memref<10000x128xf32, #tpu.memory_space<hbm>> -> memref<10000x128xf32, #tpu.memory_space<hbm>>
      tpu.enqueue_indirect_dma source(%dma_start3A_944 : memref<10000x128xf32, #tpu.memory_space<hbm>>) target(%dma_start3A_938 : memref<80x128xf32, #tpu.memory_space<vmem>>) offsets(%dma_start3A_941 : memref<80xi32, #tpu.memory_space<vmem>>) semaphore(%arg12 : memref<!tpu.dma_semaphore, #tpu.memory_space<semaphore_mem>>)
      %dma_wait3A_945 = arith.constant 16 : i32
      %dma_wait3A_946 = arith.constant 1 : i32
      %dma_wait3A_947 = arith.constant 0 : i32
      %dma_wait3A_948 = arith.constant 0 : i32
      %dma_wait3A_949 = tpu.memref_slice %arg8[%dma_wait3A_946, %dma_wait3A_947, %dma_wait3A_948] : memref<3x80x128xf32, #tpu.memory_space<vmem>> -> memref<1x80x128xf32, #tpu.memory_space<vmem>>
      %dma_wait3A_950 = tpu.memref_squeeze %dma_wait3A_949 : memref<1x80x128xf32, #tpu.memory_space<vmem>> -> memref<80x128xf32, #tpu.memory_space<vmem>>
      %dma_wait3A_951 = arith.constant 0 : i32
      %dma_wait3A_952 = tpu.memref_slice %arg6[%dma_wait3A_945, %dma_wait3A_951] : memref<25x80xi32, #tpu.memory_space<vmem>> -> memref<1x80xi32, #tpu.memory_space<vmem>>
      %dma_wait3A_953 = tpu.memref_squeeze %dma_wait3A_952 : memref<1x80xi32, #tpu.memory_space<vmem>> -> memref<80xi32, #tpu.memory_space<vmem>>
      %dma_wait3A_954 = arith.constant 0 : i32
      %dma_wait3A_955 = arith.constant 0 : i32
      %dma_wait3A_956 = tpu.memref_slice %arg2[%dma_wait3A_954, %dma_wait3A_955] : memref<10000x128xf32, #tpu.memory_space<hbm>> -> memref<10000x128xf32, #tpu.memory_space<hbm>>
      tpu.wait_indirect_dma semaphore(%arg11 : memref<!tpu.dma_semaphore, #tpu.memory_space<semaphore_mem>>) src(%dma_wait3A_956 : memref<10000x128xf32, #tpu.memory_space<hbm>>) dst(%dma_wait3A_950 : memref<80x128xf32, #tpu.memory_space<vmem>>)
      %dma_start3A_957 = arith.constant 1 : i32
      %dma_start3A_958 = arith.constant 16 : i32
      %dma_start3A_959 = arith.constant 0 : i32
      %dma_start3A_960 = arith.constant 0 : i32
      %dma_start3A_961 = tpu.memref_slice %arg8[%dma_start3A_957, %dma_start3A_959, %dma_start3A_960] : memref<3x80x128xf32, #tpu.memory_space<vmem>> -> memref<1x80x128xf32, #tpu.memory_space<vmem>>
      %dma_start3A_962 = tpu.memref_squeeze %dma_start3A_961 : memref<1x80x128xf32, #tpu.memory_space<vmem>> -> memref<80x128xf32, #tpu.memory_space<vmem>>
      %dma_start3A_963 = arith.constant 0 : i32
      %dma_start3A_964 = tpu.memref_slice %arg7[%dma_start3A_958, %dma_start3A_963] : memref<25x80xi32, #tpu.memory_space<vmem>> -> memref<1x80xi32, #tpu.memory_space<vmem>>
      %dma_start3A_965 = tpu.memref_squeeze %dma_start3A_964 : memref<1x80xi32, #tpu.memory_space<vmem>> -> memref<80xi32, #tpu.memory_space<vmem>>
      %dma_start3A_966 = arith.constant 0 : i32
      %dma_start3A_967 = arith.constant 0 : i32
      %dma_start3A_968 = tpu.memref_slice %arg9[%dma_start3A_966, %dma_start3A_967] : memref<10000x128xf32, #tpu.memory_space<vmem_shared>> -> memref<10000x128xf32, #tpu.memory_space<vmem_shared>>
      tpu.enqueue_indirect_dma source(%dma_start3A_962 : memref<80x128xf32, #tpu.memory_space<vmem>>) target(%dma_start3A_968 : memref<10000x128xf32, #tpu.memory_space<vmem_shared>>) offsets(%dma_start3A_965 : memref<80xi32, #tpu.memory_space<vmem>>) semaphore(%arg14 : memref<!tpu.dma_semaphore, #tpu.memory_space<semaphore_mem>>) {add = true}
      %dma_wait3A_969 = arith.constant 0 : i32
      %dma_wait3A_970 = arith.constant 0 : i32
      %dma_wait3A_971 = arith.constant 0 : i32
      %dma_wait3A_972 = arith.constant 0 : i32
      %dma_wait3A_973 = tpu.memref_slice %arg8[%dma_wait3A_969, %dma_wait3A_971, %dma_wait3A_972] : memref<3x80x128xf32, #tpu.memory_space<vmem>> -> memref<1x80x128xf32, #tpu.memory_space<vmem>>
      %dma_wait3A_974 = tpu.memref_squeeze %dma_wait3A_973 : memref<1x80x128xf32, #tpu.memory_space<vmem>> -> memref<80x128xf32, #tpu.memory_space<vmem>>
      %dma_wait3A_975 = arith.constant 0 : i32
      %dma_wait3A_976 = tpu.memref_slice %arg7[%dma_wait3A_970, %dma_wait3A_975] : memref<25x80xi32, #tpu.memory_space<vmem>> -> memref<1x80xi32, #tpu.memory_space<vmem>>
      %dma_wait3A_977 = tpu.memref_squeeze %dma_wait3A_976 : memref<1x80xi32, #tpu.memory_space<vmem>> -> memref<80xi32, #tpu.memory_space<vmem>>
      %dma_wait3A_978 = arith.constant 0 : i32
      %dma_wait3A_979 = arith.constant 0 : i32
      %dma_wait3A_980 = tpu.memref_slice %arg9[%dma_wait3A_978, %dma_wait3A_979] : memref<10000x128xf32, #tpu.memory_space<vmem_shared>> -> memref<10000x128xf32, #tpu.memory_space<vmem_shared>>
      tpu.wait_indirect_dma semaphore(%arg13 : memref<!tpu.dma_semaphore, #tpu.memory_space<semaphore_mem>>) src(%dma_wait3A_974 : memref<80x128xf32, #tpu.memory_space<vmem>>) dst(%dma_wait3A_980 : memref<10000x128xf32, #tpu.memory_space<vmem_shared>>)
      %dma_start3A_981 = arith.constant 18 : i32
      %dma_start3A_982 = arith.constant 0 : i32
      %dma_start3A_983 = arith.constant 0 : i32
      %dma_start3A_984 = arith.constant 0 : i32
      %dma_start3A_985 = tpu.memref_slice %arg8[%dma_start3A_982, %dma_start3A_983, %dma_start3A_984] : memref<3x80x128xf32, #tpu.memory_space<vmem>> -> memref<1x80x128xf32, #tpu.memory_space<vmem>>
      %dma_start3A_986 = tpu.memref_squeeze %dma_start3A_985 : memref<1x80x128xf32, #tpu.memory_space<vmem>> -> memref<80x128xf32, #tpu.memory_space<vmem>>
      %dma_start3A_987 = arith.constant 0 : i32
      %dma_start3A_988 = tpu.memref_slice %arg6[%dma_start3A_981, %dma_start3A_987] : memref<25x80xi32, #tpu.memory_space<vmem>> -> memref<1x80xi32, #tpu.memory_space<vmem>>
      %dma_start3A_989 = tpu.memref_squeeze %dma_start3A_988 : memref<1x80xi32, #tpu.memory_space<vmem>> -> memref<80xi32, #tpu.memory_space<vmem>>
      %dma_start3A_990 = arith.constant 0 : i32
      %dma_start3A_991 = arith.constant 0 : i32
      %dma_start3A_992 = tpu.memref_slice %arg2[%dma_start3A_990, %dma_start3A_991] : memref<10000x128xf32, #tpu.memory_space<hbm>> -> memref<10000x128xf32, #tpu.memory_space<hbm>>
      tpu.enqueue_indirect_dma source(%dma_start3A_992 : memref<10000x128xf32, #tpu.memory_space<hbm>>) target(%dma_start3A_986 : memref<80x128xf32, #tpu.memory_space<vmem>>) offsets(%dma_start3A_989 : memref<80xi32, #tpu.memory_space<vmem>>) semaphore(%arg10 : memref<!tpu.dma_semaphore, #tpu.memory_space<semaphore_mem>>)
      %dma_wait3A_993 = arith.constant 17 : i32
      %dma_wait3A_994 = arith.constant 2 : i32
      %dma_wait3A_995 = arith.constant 0 : i32
      %dma_wait3A_996 = arith.constant 0 : i32
      %dma_wait3A_997 = tpu.memref_slice %arg8[%dma_wait3A_994, %dma_wait3A_995, %dma_wait3A_996] : memref<3x80x128xf32, #tpu.memory_space<vmem>> -> memref<1x80x128xf32, #tpu.memory_space<vmem>>
      %dma_wait3A_998 = tpu.memref_squeeze %dma_wait3A_997 : memref<1x80x128xf32, #tpu.memory_space<vmem>> -> memref<80x128xf32, #tpu.memory_space<vmem>>
      %dma_wait3A_999 = arith.constant 0 : i32
      %dma_wait3A_1000 = tpu.memref_slice %arg6[%dma_wait3A_993, %dma_wait3A_999] : memref<25x80xi32, #tpu.memory_space<vmem>> -> memref<1x80xi32, #tpu.memory_space<vmem>>
      %dma_wait3A_1001 = tpu.memref_squeeze %dma_wait3A_1000 : memref<1x80xi32, #tpu.memory_space<vmem>> -> memref<80xi32, #tpu.memory_space<vmem>>
      %dma_wait3A_1002 = arith.constant 0 : i32
      %dma_wait3A_1003 = arith.constant 0 : i32
      %dma_wait3A_1004 = tpu.memref_slice %arg2[%dma_wait3A_1002, %dma_wait3A_1003] : memref<10000x128xf32, #tpu.memory_space<hbm>> -> memref<10000x128xf32, #tpu.memory_space<hbm>>
      tpu.wait_indirect_dma semaphore(%arg12 : memref<!tpu.dma_semaphore, #tpu.memory_space<semaphore_mem>>) src(%dma_wait3A_1004 : memref<10000x128xf32, #tpu.memory_space<hbm>>) dst(%dma_wait3A_998 : memref<80x128xf32, #tpu.memory_space<vmem>>)
      %dma_start3A_1005 = arith.constant 2 : i32
      %dma_start3A_1006 = arith.constant 17 : i32
      %dma_start3A_1007 = arith.constant 0 : i32
      %dma_start3A_1008 = arith.constant 0 : i32
      %dma_start3A_1009 = tpu.memref_slice %arg8[%dma_start3A_1005, %dma_start3A_1007, %dma_start3A_1008] : memref<3x80x128xf32, #tpu.memory_space<vmem>> -> memref<1x80x128xf32, #tpu.memory_space<vmem>>
      %dma_start3A_1010 = tpu.memref_squeeze %dma_start3A_1009 : memref<1x80x128xf32, #tpu.memory_space<vmem>> -> memref<80x128xf32, #tpu.memory_space<vmem>>
      %dma_start3A_1011 = arith.constant 0 : i32
      %dma_start3A_1012 = tpu.memref_slice %arg7[%dma_start3A_1006, %dma_start3A_1011] : memref<25x80xi32, #tpu.memory_space<vmem>> -> memref<1x80xi32, #tpu.memory_space<vmem>>
      %dma_start3A_1013 = tpu.memref_squeeze %dma_start3A_1012 : memref<1x80xi32, #tpu.memory_space<vmem>> -> memref<80xi32, #tpu.memory_space<vmem>>
      %dma_start3A_1014 = arith.constant 0 : i32
      %dma_start3A_1015 = arith.constant 0 : i32
      %dma_start3A_1016 = tpu.memref_slice %arg9[%dma_start3A_1014, %dma_start3A_1015] : memref<10000x128xf32, #tpu.memory_space<vmem_shared>> -> memref<10000x128xf32, #tpu.memory_space<vmem_shared>>
      tpu.enqueue_indirect_dma source(%dma_start3A_1010 : memref<80x128xf32, #tpu.memory_space<vmem>>) target(%dma_start3A_1016 : memref<10000x128xf32, #tpu.memory_space<vmem_shared>>) offsets(%dma_start3A_1013 : memref<80xi32, #tpu.memory_space<vmem>>) semaphore(%arg15 : memref<!tpu.dma_semaphore, #tpu.memory_space<semaphore_mem>>) {add = true}
      %dma_wait3A_1017 = arith.constant 1 : i32
      %dma_wait3A_1018 = arith.constant 0 : i32
      %dma_wait3A_1019 = arith.constant 0 : i32
      %dma_wait3A_1020 = arith.constant 0 : i32
      %dma_wait3A_1021 = tpu.memref_slice %arg8[%dma_wait3A_1017, %dma_wait3A_1019, %dma_wait3A_1020] : memref<3x80x128xf32, #tpu.memory_space<vmem>> -> memref<1x80x128xf32, #tpu.memory_space<vmem>>
      %dma_wait3A_1022 = tpu.memref_squeeze %dma_wait3A_1021 : memref<1x80x128xf32, #tpu.memory_space<vmem>> -> memref<80x128xf32, #tpu.memory_space<vmem>>
      %dma_wait3A_1023 = arith.constant 0 : i32
      %dma_wait3A_1024 = tpu.memref_slice %arg7[%dma_wait3A_1018, %dma_wait3A_1023] : memref<25x80xi32, #tpu.memory_space<vmem>> -> memref<1x80xi32, #tpu.memory_space<vmem>>
      %dma_wait3A_1025 = tpu.memref_squeeze %dma_wait3A_1024 : memref<1x80xi32, #tpu.memory_space<vmem>> -> memref<80xi32, #tpu.memory_space<vmem>>
      %dma_wait3A_1026 = arith.constant 0 : i32
      %dma_wait3A_1027 = arith.constant 0 : i32
      %dma_wait3A_1028 = tpu.memref_slice %arg9[%dma_wait3A_1026, %dma_wait3A_1027] : memref<10000x128xf32, #tpu.memory_space<vmem_shared>> -> memref<10000x128xf32, #tpu.memory_space<vmem_shared>>
      tpu.wait_indirect_dma semaphore(%arg14 : memref<!tpu.dma_semaphore, #tpu.memory_space<semaphore_mem>>) src(%dma_wait3A_1022 : memref<80x128xf32, #tpu.memory_space<vmem>>) dst(%dma_wait3A_1028 : memref<10000x128xf32, #tpu.memory_space<vmem_shared>>)
      %dma_start3A_1029 = arith.constant 19 : i32
      %dma_start3A_1030 = arith.constant 1 : i32
      %dma_start3A_1031 = arith.constant 0 : i32
      %dma_start3A_1032 = arith.constant 0 : i32
      %dma_start3A_1033 = tpu.memref_slice %arg8[%dma_start3A_1030, %dma_start3A_1031, %dma_start3A_1032] : memref<3x80x128xf32, #tpu.memory_space<vmem>> -> memref<1x80x128xf32, #tpu.memory_space<vmem>>
      %dma_start3A_1034 = tpu.memref_squeeze %dma_start3A_1033 : memref<1x80x128xf32, #tpu.memory_space<vmem>> -> memref<80x128xf32, #tpu.memory_space<vmem>>
      %dma_start3A_1035 = arith.constant 0 : i32
      %dma_start3A_1036 = tpu.memref_slice %arg6[%dma_start3A_1029, %dma_start3A_1035] : memref<25x80xi32, #tpu.memory_space<vmem>> -> memref<1x80xi32, #tpu.memory_space<vmem>>
      %dma_start3A_1037 = tpu.memref_squeeze %dma_start3A_1036 : memref<1x80xi32, #tpu.memory_space<vmem>> -> memref<80xi32, #tpu.memory_space<vmem>>
      %dma_start3A_1038 = arith.constant 0 : i32
      %dma_start3A_1039 = arith.constant 0 : i32
      %dma_start3A_1040 = tpu.memref_slice %arg2[%dma_start3A_1038, %dma_start3A_1039] : memref<10000x128xf32, #tpu.memory_space<hbm>> -> memref<10000x128xf32, #tpu.memory_space<hbm>>
      tpu.enqueue_indirect_dma source(%dma_start3A_1040 : memref<10000x128xf32, #tpu.memory_space<hbm>>) target(%dma_start3A_1034 : memref<80x128xf32, #tpu.memory_space<vmem>>) offsets(%dma_start3A_1037 : memref<80xi32, #tpu.memory_space<vmem>>) semaphore(%arg11 : memref<!tpu.dma_semaphore, #tpu.memory_space<semaphore_mem>>)
      %dma_wait3A_1041 = arith.constant 18 : i32
      %dma_wait3A_1042 = arith.constant 0 : i32
      %dma_wait3A_1043 = arith.constant 0 : i32
      %dma_wait3A_1044 = arith.constant 0 : i32
      %dma_wait3A_1045 = tpu.memref_slice %arg8[%dma_wait3A_1042, %dma_wait3A_1043, %dma_wait3A_1044] : memref<3x80x128xf32, #tpu.memory_space<vmem>> -> memref<1x80x128xf32, #tpu.memory_space<vmem>>
      %dma_wait3A_1046 = tpu.memref_squeeze %dma_wait3A_1045 : memref<1x80x128xf32, #tpu.memory_space<vmem>> -> memref<80x128xf32, #tpu.memory_space<vmem>>
      %dma_wait3A_1047 = arith.constant 0 : i32
      %dma_wait3A_1048 = tpu.memref_slice %arg6[%dma_wait3A_1041, %dma_wait3A_1047] : memref<25x80xi32, #tpu.memory_space<vmem>> -> memref<1x80xi32, #tpu.memory_space<vmem>>
      %dma_wait3A_1049 = tpu.memref_squeeze %dma_wait3A_1048 : memref<1x80xi32, #tpu.memory_space<vmem>> -> memref<80xi32, #tpu.memory_space<vmem>>
      %dma_wait3A_1050 = arith.constant 0 : i32
      %dma_wait3A_1051 = arith.constant 0 : i32
      %dma_wait3A_1052 = tpu.memref_slice %arg2[%dma_wait3A_1050, %dma_wait3A_1051] : memref<10000x128xf32, #tpu.memory_space<hbm>> -> memref<10000x128xf32, #tpu.memory_space<hbm>>
      tpu.wait_indirect_dma semaphore(%arg10 : memref<!tpu.dma_semaphore, #tpu.memory_space<semaphore_mem>>) src(%dma_wait3A_1052 : memref<10000x128xf32, #tpu.memory_space<hbm>>) dst(%dma_wait3A_1046 : memref<80x128xf32, #tpu.memory_space<vmem>>)
      %dma_start3A_1053 = arith.constant 0 : i32
      %dma_start3A_1054 = arith.constant 18 : i32
      %dma_start3A_1055 = arith.constant 0 : i32
      %dma_start3A_1056 = arith.constant 0 : i32
      %dma_start3A_1057 = tpu.memref_slice %arg8[%dma_start3A_1053, %dma_start3A_1055, %dma_start3A_1056] : memref<3x80x128xf32, #tpu.memory_space<vmem>> -> memref<1x80x128xf32, #tpu.memory_space<vmem>>
      %dma_start3A_1058 = tpu.memref_squeeze %dma_start3A_1057 : memref<1x80x128xf32, #tpu.memory_space<vmem>> -> memref<80x128xf32, #tpu.memory_space<vmem>>
      %dma_start3A_1059 = arith.constant 0 : i32
      %dma_start3A_1060 = tpu.memref_slice %arg7[%dma_start3A_1054, %dma_start3A_1059] : memref<25x80xi32, #tpu.memory_space<vmem>> -> memref<1x80xi32, #tpu.memory_space<vmem>>
      %dma_start3A_1061 = tpu.memref_squeeze %dma_start3A_1060 : memref<1x80xi32, #tpu.memory_space<vmem>> -> memref<80xi32, #tpu.memory_space<vmem>>
      %dma_start3A_1062 = arith.constant 0 : i32
      %dma_start3A_1063 = arith.constant 0 : i32
      %dma_start3A_1064 = tpu.memref_slice %arg9[%dma_start3A_1062, %dma_start3A_1063] : memref<10000x128xf32, #tpu.memory_space<vmem_shared>> -> memref<10000x128xf32, #tpu.memory_space<vmem_shared>>
      tpu.enqueue_indirect_dma source(%dma_start3A_1058 : memref<80x128xf32, #tpu.memory_space<vmem>>) target(%dma_start3A_1064 : memref<10000x128xf32, #tpu.memory_space<vmem_shared>>) offsets(%dma_start3A_1061 : memref<80xi32, #tpu.memory_space<vmem>>) semaphore(%arg13 : memref<!tpu.dma_semaphore, #tpu.memory_space<semaphore_mem>>) {add = true}
      %dma_wait3A_1065 = arith.constant 2 : i32
      %dma_wait3A_1066 = arith.constant 0 : i32
      %dma_wait3A_1067 = arith.constant 0 : i32
      %dma_wait3A_1068 = arith.constant 0 : i32
      %dma_wait3A_1069 = tpu.memref_slice %arg8[%dma_wait3A_1065, %dma_wait3A_1067, %dma_wait3A_1068] : memref<3x80x128xf32, #tpu.memory_space<vmem>> -> memref<1x80x128xf32, #tpu.memory_space<vmem>>
      %dma_wait3A_1070 = tpu.memref_squeeze %dma_wait3A_1069 : memref<1x80x128xf32, #tpu.memory_space<vmem>> -> memref<80x128xf32, #tpu.memory_space<vmem>>
      %dma_wait3A_1071 = arith.constant 0 : i32
      %dma_wait3A_1072 = tpu.memref_slice %arg7[%dma_wait3A_1066, %dma_wait3A_1071] : memref<25x80xi32, #tpu.memory_space<vmem>> -> memref<1x80xi32, #tpu.memory_space<vmem>>
      %dma_wait3A_1073 = tpu.memref_squeeze %dma_wait3A_1072 : memref<1x80xi32, #tpu.memory_space<vmem>> -> memref<80xi32, #tpu.memory_space<vmem>>
      %dma_wait3A_1074 = arith.constant 0 : i32
      %dma_wait3A_1075 = arith.constant 0 : i32
      %dma_wait3A_1076 = tpu.memref_slice %arg9[%dma_wait3A_1074, %dma_wait3A_1075] : memref<10000x128xf32, #tpu.memory_space<vmem_shared>> -> memref<10000x128xf32, #tpu.memory_space<vmem_shared>>
      tpu.wait_indirect_dma semaphore(%arg15 : memref<!tpu.dma_semaphore, #tpu.memory_space<semaphore_mem>>) src(%dma_wait3A_1070 : memref<80x128xf32, #tpu.memory_space<vmem>>) dst(%dma_wait3A_1076 : memref<10000x128xf32, #tpu.memory_space<vmem_shared>>)
      %dma_start3A_1077 = arith.constant 20 : i32
      %dma_start3A_1078 = arith.constant 2 : i32
      %dma_start3A_1079 = arith.constant 0 : i32
      %dma_start3A_1080 = arith.constant 0 : i32
      %dma_start3A_1081 = tpu.memref_slice %arg8[%dma_start3A_1078, %dma_start3A_1079, %dma_start3A_1080] : memref<3x80x128xf32, #tpu.memory_space<vmem>> -> memref<1x80x128xf32, #tpu.memory_space<vmem>>
      %dma_start3A_1082 = tpu.memref_squeeze %dma_start3A_1081 : memref<1x80x128xf32, #tpu.memory_space<vmem>> -> memref<80x128xf32, #tpu.memory_space<vmem>>
      %dma_start3A_1083 = arith.constant 0 : i32
      %dma_start3A_1084 = tpu.memref_slice %arg6[%dma_start3A_1077, %dma_start3A_1083] : memref<25x80xi32, #tpu.memory_space<vmem>> -> memref<1x80xi32, #tpu.memory_space<vmem>>
      %dma_start3A_1085 = tpu.memref_squeeze %dma_start3A_1084 : memref<1x80xi32, #tpu.memory_space<vmem>> -> memref<80xi32, #tpu.memory_space<vmem>>
      %dma_start3A_1086 = arith.constant 0 : i32
      %dma_start3A_1087 = arith.constant 0 : i32
      %dma_start3A_1088 = tpu.memref_slice %arg2[%dma_start3A_1086, %dma_start3A_1087] : memref<10000x128xf32, #tpu.memory_space<hbm>> -> memref<10000x128xf32, #tpu.memory_space<hbm>>
      tpu.enqueue_indirect_dma source(%dma_start3A_1088 : memref<10000x128xf32, #tpu.memory_space<hbm>>) target(%dma_start3A_1082 : memref<80x128xf32, #tpu.memory_space<vmem>>) offsets(%dma_start3A_1085 : memref<80xi32, #tpu.memory_space<vmem>>) semaphore(%arg12 : memref<!tpu.dma_semaphore, #tpu.memory_space<semaphore_mem>>)
      %dma_wait3A_1089 = arith.constant 19 : i32
      %dma_wait3A_1090 = arith.constant 1 : i32
      %dma_wait3A_1091 = arith.constant 0 : i32
      %dma_wait3A_1092 = arith.constant 0 : i32
      %dma_wait3A_1093 = tpu.memref_slice %arg8[%dma_wait3A_1090, %dma_wait3A_1091, %dma_wait3A_1092] : memref<3x80x128xf32, #tpu.memory_space<vmem>> -> memref<1x80x128xf32, #tpu.memory_space<vmem>>
      %dma_wait3A_1094 = tpu.memref_squeeze %dma_wait3A_1093 : memref<1x80x128xf32, #tpu.memory_space<vmem>> -> memref<80x128xf32, #tpu.memory_space<vmem>>
      %dma_wait3A_1095 = arith.constant 0 : i32
      %dma_wait3A_1096 = tpu.memref_slice %arg6[%dma_wait3A_1089, %dma_wait3A_1095] : memref<25x80xi32, #tpu.memory_space<vmem>> -> memref<1x80xi32, #tpu.memory_space<vmem>>
      %dma_wait3A_1097 = tpu.memref_squeeze %dma_wait3A_1096 : memref<1x80xi32, #tpu.memory_space<vmem>> -> memref<80xi32, #tpu.memory_space<vmem>>
      %dma_wait3A_1098 = arith.constant 0 : i32
      %dma_wait3A_1099 = arith.constant 0 : i32
      %dma_wait3A_1100 = tpu.memref_slice %arg2[%dma_wait3A_1098, %dma_wait3A_1099] : memref<10000x128xf32, #tpu.memory_space<hbm>> -> memref<10000x128xf32, #tpu.memory_space<hbm>>
      tpu.wait_indirect_dma semaphore(%arg11 : memref<!tpu.dma_semaphore, #tpu.memory_space<semaphore_mem>>) src(%dma_wait3A_1100 : memref<10000x128xf32, #tpu.memory_space<hbm>>) dst(%dma_wait3A_1094 : memref<80x128xf32, #tpu.memory_space<vmem>>)
      %dma_start3A_1101 = arith.constant 1 : i32
      %dma_start3A_1102 = arith.constant 19 : i32
      %dma_start3A_1103 = arith.constant 0 : i32
      %dma_start3A_1104 = arith.constant 0 : i32
      %dma_start3A_1105 = tpu.memref_slice %arg8[%dma_start3A_1101, %dma_start3A_1103, %dma_start3A_1104] : memref<3x80x128xf32, #tpu.memory_space<vmem>> -> memref<1x80x128xf32, #tpu.memory_space<vmem>>
      %dma_start3A_1106 = tpu.memref_squeeze %dma_start3A_1105 : memref<1x80x128xf32, #tpu.memory_space<vmem>> -> memref<80x128xf32, #tpu.memory_space<vmem>>
      %dma_start3A_1107 = arith.constant 0 : i32
      %dma_start3A_1108 = tpu.memref_slice %arg7[%dma_start3A_1102, %dma_start3A_1107] : memref<25x80xi32, #tpu.memory_space<vmem>> -> memref<1x80xi32, #tpu.memory_space<vmem>>
      %dma_start3A_1109 = tpu.memref_squeeze %dma_start3A_1108 : memref<1x80xi32, #tpu.memory_space<vmem>> -> memref<80xi32, #tpu.memory_space<vmem>>
      %dma_start3A_1110 = arith.constant 0 : i32
      %dma_start3A_1111 = arith.constant 0 : i32
      %dma_start3A_1112 = tpu.memref_slice %arg9[%dma_start3A_1110, %dma_start3A_1111] : memref<10000x128xf32, #tpu.memory_space<vmem_shared>> -> memref<10000x128xf32, #tpu.memory_space<vmem_shared>>
      tpu.enqueue_indirect_dma source(%dma_start3A_1106 : memref<80x128xf32, #tpu.memory_space<vmem>>) target(%dma_start3A_1112 : memref<10000x128xf32, #tpu.memory_space<vmem_shared>>) offsets(%dma_start3A_1109 : memref<80xi32, #tpu.memory_space<vmem>>) semaphore(%arg14 : memref<!tpu.dma_semaphore, #tpu.memory_space<semaphore_mem>>) {add = true}
      %dma_wait3A_1113 = arith.constant 0 : i32
      %dma_wait3A_1114 = arith.constant 0 : i32
      %dma_wait3A_1115 = arith.constant 0 : i32
      %dma_wait3A_1116 = arith.constant 0 : i32
      %dma_wait3A_1117 = tpu.memref_slice %arg8[%dma_wait3A_1113, %dma_wait3A_1115, %dma_wait3A_1116] : memref<3x80x128xf32, #tpu.memory_space<vmem>> -> memref<1x80x128xf32, #tpu.memory_space<vmem>>
      %dma_wait3A_1118 = tpu.memref_squeeze %dma_wait3A_1117 : memref<1x80x128xf32, #tpu.memory_space<vmem>> -> memref<80x128xf32, #tpu.memory_space<vmem>>
      %dma_wait3A_1119 = arith.constant 0 : i32
      %dma_wait3A_1120 = tpu.memref_slice %arg7[%dma_wait3A_1114, %dma_wait3A_1119] : memref<25x80xi32, #tpu.memory_space<vmem>> -> memref<1x80xi32, #tpu.memory_space<vmem>>
      %dma_wait3A_1121 = tpu.memref_squeeze %dma_wait3A_1120 : memref<1x80xi32, #tpu.memory_space<vmem>> -> memref<80xi32, #tpu.memory_space<vmem>>
      %dma_wait3A_1122 = arith.constant 0 : i32
      %dma_wait3A_1123 = arith.constant 0 : i32
      %dma_wait3A_1124 = tpu.memref_slice %arg9[%dma_wait3A_1122, %dma_wait3A_1123] : memref<10000x128xf32, #tpu.memory_space<vmem_shared>> -> memref<10000x128xf32, #tpu.memory_space<vmem_shared>>
      tpu.wait_indirect_dma semaphore(%arg13 : memref<!tpu.dma_semaphore, #tpu.memory_space<semaphore_mem>>) src(%dma_wait3A_1118 : memref<80x128xf32, #tpu.memory_space<vmem>>) dst(%dma_wait3A_1124 : memref<10000x128xf32, #tpu.memory_space<vmem_shared>>)
      %dma_start3A_1125 = arith.constant 21 : i32
      %dma_start3A_1126 = arith.constant 0 : i32
      %dma_start3A_1127 = arith.constant 0 : i32
      %dma_start3A_1128 = arith.constant 0 : i32
      %dma_start3A_1129 = tpu.memref_slice %arg8[%dma_start3A_1126, %dma_start3A_1127, %dma_start3A_1128] : memref<3x80x128xf32, #tpu.memory_space<vmem>> -> memref<1x80x128xf32, #tpu.memory_space<vmem>>
      %dma_start3A_1130 = tpu.memref_squeeze %dma_start3A_1129 : memref<1x80x128xf32, #tpu.memory_space<vmem>> -> memref<80x128xf32, #tpu.memory_space<vmem>>
      %dma_start3A_1131 = arith.constant 0 : i32
      %dma_start3A_1132 = tpu.memref_slice %arg6[%dma_start3A_1125, %dma_start3A_1131] : memref<25x80xi32, #tpu.memory_space<vmem>> -> memref<1x80xi32, #tpu.memory_space<vmem>>
      %dma_start3A_1133 = tpu.memref_squeeze %dma_start3A_1132 : memref<1x80xi32, #tpu.memory_space<vmem>> -> memref<80xi32, #tpu.memory_space<vmem>>
      %dma_start3A_1134 = arith.constant 0 : i32
      %dma_start3A_1135 = arith.constant 0 : i32
      %dma_start3A_1136 = tpu.memref_slice %arg2[%dma_start3A_1134, %dma_start3A_1135] : memref<10000x128xf32, #tpu.memory_space<hbm>> -> memref<10000x128xf32, #tpu.memory_space<hbm>>
      tpu.enqueue_indirect_dma source(%dma_start3A_1136 : memref<10000x128xf32, #tpu.memory_space<hbm>>) target(%dma_start3A_1130 : memref<80x128xf32, #tpu.memory_space<vmem>>) offsets(%dma_start3A_1133 : memref<80xi32, #tpu.memory_space<vmem>>) semaphore(%arg10 : memref<!tpu.dma_semaphore, #tpu.memory_space<semaphore_mem>>)
      %dma_wait3A_1137 = arith.constant 20 : i32
      %dma_wait3A_1138 = arith.constant 2 : i32
      %dma_wait3A_1139 = arith.constant 0 : i32
      %dma_wait3A_1140 = arith.constant 0 : i32
      %dma_wait3A_1141 = tpu.memref_slice %arg8[%dma_wait3A_1138, %dma_wait3A_1139, %dma_wait3A_1140] : memref<3x80x128xf32, #tpu.memory_space<vmem>> -> memref<1x80x128xf32, #tpu.memory_space<vmem>>
      %dma_wait3A_1142 = tpu.memref_squeeze %dma_wait3A_1141 : memref<1x80x128xf32, #tpu.memory_space<vmem>> -> memref<80x128xf32, #tpu.memory_space<vmem>>
      %dma_wait3A_1143 = arith.constant 0 : i32
      %dma_wait3A_1144 = tpu.memref_slice %arg6[%dma_wait3A_1137, %dma_wait3A_1143] : memref<25x80xi32, #tpu.memory_space<vmem>> -> memref<1x80xi32, #tpu.memory_space<vmem>>
      %dma_wait3A_1145 = tpu.memref_squeeze %dma_wait3A_1144 : memref<1x80xi32, #tpu.memory_space<vmem>> -> memref<80xi32, #tpu.memory_space<vmem>>
      %dma_wait3A_1146 = arith.constant 0 : i32
      %dma_wait3A_1147 = arith.constant 0 : i32
      %dma_wait3A_1148 = tpu.memref_slice %arg2[%dma_wait3A_1146, %dma_wait3A_1147] : memref<10000x128xf32, #tpu.memory_space<hbm>> -> memref<10000x128xf32, #tpu.memory_space<hbm>>
      tpu.wait_indirect_dma semaphore(%arg12 : memref<!tpu.dma_semaphore, #tpu.memory_space<semaphore_mem>>) src(%dma_wait3A_1148 : memref<10000x128xf32, #tpu.memory_space<hbm>>) dst(%dma_wait3A_1142 : memref<80x128xf32, #tpu.memory_space<vmem>>)
      %dma_start3A_1149 = arith.constant 2 : i32
      %dma_start3A_1150 = arith.constant 20 : i32
      %dma_start3A_1151 = arith.constant 0 : i32
      %dma_start3A_1152 = arith.constant 0 : i32
      %dma_start3A_1153 = tpu.memref_slice %arg8[%dma_start3A_1149, %dma_start3A_1151, %dma_start3A_1152] : memref<3x80x128xf32, #tpu.memory_space<vmem>> -> memref<1x80x128xf32, #tpu.memory_space<vmem>>
      %dma_start3A_1154 = tpu.memref_squeeze %dma_start3A_1153 : memref<1x80x128xf32, #tpu.memory_space<vmem>> -> memref<80x128xf32, #tpu.memory_space<vmem>>
      %dma_start3A_1155 = arith.constant 0 : i32
      %dma_start3A_1156 = tpu.memref_slice %arg7[%dma_start3A_1150, %dma_start3A_1155] : memref<25x80xi32, #tpu.memory_space<vmem>> -> memref<1x80xi32, #tpu.memory_space<vmem>>
      %dma_start3A_1157 = tpu.memref_squeeze %dma_start3A_1156 : memref<1x80xi32, #tpu.memory_space<vmem>> -> memref<80xi32, #tpu.memory_space<vmem>>
      %dma_start3A_1158 = arith.constant 0 : i32
      %dma_start3A_1159 = arith.constant 0 : i32
      %dma_start3A_1160 = tpu.memref_slice %arg9[%dma_start3A_1158, %dma_start3A_1159] : memref<10000x128xf32, #tpu.memory_space<vmem_shared>> -> memref<10000x128xf32, #tpu.memory_space<vmem_shared>>
      tpu.enqueue_indirect_dma source(%dma_start3A_1154 : memref<80x128xf32, #tpu.memory_space<vmem>>) target(%dma_start3A_1160 : memref<10000x128xf32, #tpu.memory_space<vmem_shared>>) offsets(%dma_start3A_1157 : memref<80xi32, #tpu.memory_space<vmem>>) semaphore(%arg15 : memref<!tpu.dma_semaphore, #tpu.memory_space<semaphore_mem>>) {add = true}
      %dma_wait3A_1161 = arith.constant 1 : i32
      %dma_wait3A_1162 = arith.constant 0 : i32
      %dma_wait3A_1163 = arith.constant 0 : i32
      %dma_wait3A_1164 = arith.constant 0 : i32
      %dma_wait3A_1165 = tpu.memref_slice %arg8[%dma_wait3A_1161, %dma_wait3A_1163, %dma_wait3A_1164] : memref<3x80x128xf32, #tpu.memory_space<vmem>> -> memref<1x80x128xf32, #tpu.memory_space<vmem>>
      %dma_wait3A_1166 = tpu.memref_squeeze %dma_wait3A_1165 : memref<1x80x128xf32, #tpu.memory_space<vmem>> -> memref<80x128xf32, #tpu.memory_space<vmem>>
      %dma_wait3A_1167 = arith.constant 0 : i32
      %dma_wait3A_1168 = tpu.memref_slice %arg7[%dma_wait3A_1162, %dma_wait3A_1167] : memref<25x80xi32, #tpu.memory_space<vmem>> -> memref<1x80xi32, #tpu.memory_space<vmem>>
      %dma_wait3A_1169 = tpu.memref_squeeze %dma_wait3A_1168 : memref<1x80xi32, #tpu.memory_space<vmem>> -> memref<80xi32, #tpu.memory_space<vmem>>
      %dma_wait3A_1170 = arith.constant 0 : i32
      %dma_wait3A_1171 = arith.constant 0 : i32
      %dma_wait3A_1172 = tpu.memref_slice %arg9[%dma_wait3A_1170, %dma_wait3A_1171] : memref<10000x128xf32, #tpu.memory_space<vmem_shared>> -> memref<10000x128xf32, #tpu.memory_space<vmem_shared>>
      tpu.wait_indirect_dma semaphore(%arg14 : memref<!tpu.dma_semaphore, #tpu.memory_space<semaphore_mem>>) src(%dma_wait3A_1166 : memref<80x128xf32, #tpu.memory_space<vmem>>) dst(%dma_wait3A_1172 : memref<10000x128xf32, #tpu.memory_space<vmem_shared>>)
      %dma_start3A_1173 = arith.constant 22 : i32
      %dma_start3A_1174 = arith.constant 1 : i32
      %dma_start3A_1175 = arith.constant 0 : i32
      %dma_start3A_1176 = arith.constant 0 : i32
      %dma_start3A_1177 = tpu.memref_slice %arg8[%dma_start3A_1174, %dma_start3A_1175, %dma_start3A_1176] : memref<3x80x128xf32, #tpu.memory_space<vmem>> -> memref<1x80x128xf32, #tpu.memory_space<vmem>>
      %dma_start3A_1178 = tpu.memref_squeeze %dma_start3A_1177 : memref<1x80x128xf32, #tpu.memory_space<vmem>> -> memref<80x128xf32, #tpu.memory_space<vmem>>
      %dma_start3A_1179 = arith.constant 0 : i32
      %dma_start3A_1180 = tpu.memref_slice %arg6[%dma_start3A_1173, %dma_start3A_1179] : memref<25x80xi32, #tpu.memory_space<vmem>> -> memref<1x80xi32, #tpu.memory_space<vmem>>
      %dma_start3A_1181 = tpu.memref_squeeze %dma_start3A_1180 : memref<1x80xi32, #tpu.memory_space<vmem>> -> memref<80xi32, #tpu.memory_space<vmem>>
      %dma_start3A_1182 = arith.constant 0 : i32
      %dma_start3A_1183 = arith.constant 0 : i32
      %dma_start3A_1184 = tpu.memref_slice %arg2[%dma_start3A_1182, %dma_start3A_1183] : memref<10000x128xf32, #tpu.memory_space<hbm>> -> memref<10000x128xf32, #tpu.memory_space<hbm>>
      tpu.enqueue_indirect_dma source(%dma_start3A_1184 : memref<10000x128xf32, #tpu.memory_space<hbm>>) target(%dma_start3A_1178 : memref<80x128xf32, #tpu.memory_space<vmem>>) offsets(%dma_start3A_1181 : memref<80xi32, #tpu.memory_space<vmem>>) semaphore(%arg11 : memref<!tpu.dma_semaphore, #tpu.memory_space<semaphore_mem>>)
      %dma_wait3A_1185 = arith.constant 21 : i32
      %dma_wait3A_1186 = arith.constant 0 : i32
      %dma_wait3A_1187 = arith.constant 0 : i32
      %dma_wait3A_1188 = arith.constant 0 : i32
      %dma_wait3A_1189 = tpu.memref_slice %arg8[%dma_wait3A_1186, %dma_wait3A_1187, %dma_wait3A_1188] : memref<3x80x128xf32, #tpu.memory_space<vmem>> -> memref<1x80x128xf32, #tpu.memory_space<vmem>>
      %dma_wait3A_1190 = tpu.memref_squeeze %dma_wait3A_1189 : memref<1x80x128xf32, #tpu.memory_space<vmem>> -> memref<80x128xf32, #tpu.memory_space<vmem>>
      %dma_wait3A_1191 = arith.constant 0 : i32
      %dma_wait3A_1192 = tpu.memref_slice %arg6[%dma_wait3A_1185, %dma_wait3A_1191] : memref<25x80xi32, #tpu.memory_space<vmem>> -> memref<1x80xi32, #tpu.memory_space<vmem>>
      %dma_wait3A_1193 = tpu.memref_squeeze %dma_wait3A_1192 : memref<1x80xi32, #tpu.memory_space<vmem>> -> memref<80xi32, #tpu.memory_space<vmem>>
      %dma_wait3A_1194 = arith.constant 0 : i32
      %dma_wait3A_1195 = arith.constant 0 : i32
      %dma_wait3A_1196 = tpu.memref_slice %arg2[%dma_wait3A_1194, %dma_wait3A_1195] : memref<10000x128xf32, #tpu.memory_space<hbm>> -> memref<10000x128xf32, #tpu.memory_space<hbm>>
      tpu.wait_indirect_dma semaphore(%arg10 : memref<!tpu.dma_semaphore, #tpu.memory_space<semaphore_mem>>) src(%dma_wait3A_1196 : memref<10000x128xf32, #tpu.memory_space<hbm>>) dst(%dma_wait3A_1190 : memref<80x128xf32, #tpu.memory_space<vmem>>)
      %dma_start3A_1197 = arith.constant 0 : i32
      %dma_start3A_1198 = arith.constant 21 : i32
      %dma_start3A_1199 = arith.constant 0 : i32
      %dma_start3A_1200 = arith.constant 0 : i32
      %dma_start3A_1201 = tpu.memref_slice %arg8[%dma_start3A_1197, %dma_start3A_1199, %dma_start3A_1200] : memref<3x80x128xf32, #tpu.memory_space<vmem>> -> memref<1x80x128xf32, #tpu.memory_space<vmem>>
      %dma_start3A_1202 = tpu.memref_squeeze %dma_start3A_1201 : memref<1x80x128xf32, #tpu.memory_space<vmem>> -> memref<80x128xf32, #tpu.memory_space<vmem>>
      %dma_start3A_1203 = arith.constant 0 : i32
      %dma_start3A_1204 = tpu.memref_slice %arg7[%dma_start3A_1198, %dma_start3A_1203] : memref<25x80xi32, #tpu.memory_space<vmem>> -> memref<1x80xi32, #tpu.memory_space<vmem>>
      %dma_start3A_1205 = tpu.memref_squeeze %dma_start3A_1204 : memref<1x80xi32, #tpu.memory_space<vmem>> -> memref<80xi32, #tpu.memory_space<vmem>>
      %dma_start3A_1206 = arith.constant 0 : i32
      %dma_start3A_1207 = arith.constant 0 : i32
      %dma_start3A_1208 = tpu.memref_slice %arg9[%dma_start3A_1206, %dma_start3A_1207] : memref<10000x128xf32, #tpu.memory_space<vmem_shared>> -> memref<10000x128xf32, #tpu.memory_space<vmem_shared>>
      tpu.enqueue_indirect_dma source(%dma_start3A_1202 : memref<80x128xf32, #tpu.memory_space<vmem>>) target(%dma_start3A_1208 : memref<10000x128xf32, #tpu.memory_space<vmem_shared>>) offsets(%dma_start3A_1205 : memref<80xi32, #tpu.memory_space<vmem>>) semaphore(%arg13 : memref<!tpu.dma_semaphore, #tpu.memory_space<semaphore_mem>>) {add = true}
      %dma_wait3A_1209 = arith.constant 2 : i32
      %dma_wait3A_1210 = arith.constant 0 : i32
      %dma_wait3A_1211 = arith.constant 0 : i32
      %dma_wait3A_1212 = arith.constant 0 : i32
      %dma_wait3A_1213 = tpu.memref_slice %arg8[%dma_wait3A_1209, %dma_wait3A_1211, %dma_wait3A_1212] : memref<3x80x128xf32, #tpu.memory_space<vmem>> -> memref<1x80x128xf32, #tpu.memory_space<vmem>>
      %dma_wait3A_1214 = tpu.memref_squeeze %dma_wait3A_1213 : memref<1x80x128xf32, #tpu.memory_space<vmem>> -> memref<80x128xf32, #tpu.memory_space<vmem>>
      %dma_wait3A_1215 = arith.constant 0 : i32
      %dma_wait3A_1216 = tpu.memref_slice %arg7[%dma_wait3A_1210, %dma_wait3A_1215] : memref<25x80xi32, #tpu.memory_space<vmem>> -> memref<1x80xi32, #tpu.memory_space<vmem>>
      %dma_wait3A_1217 = tpu.memref_squeeze %dma_wait3A_1216 : memref<1x80xi32, #tpu.memory_space<vmem>> -> memref<80xi32, #tpu.memory_space<vmem>>
      %dma_wait3A_1218 = arith.constant 0 : i32
      %dma_wait3A_1219 = arith.constant 0 : i32
      %dma_wait3A_1220 = tpu.memref_slice %arg9[%dma_wait3A_1218, %dma_wait3A_1219] : memref<10000x128xf32, #tpu.memory_space<vmem_shared>> -> memref<10000x128xf32, #tpu.memory_space<vmem_shared>>
      tpu.wait_indirect_dma semaphore(%arg15 : memref<!tpu.dma_semaphore, #tpu.memory_space<semaphore_mem>>) src(%dma_wait3A_1214 : memref<80x128xf32, #tpu.memory_space<vmem>>) dst(%dma_wait3A_1220 : memref<10000x128xf32, #tpu.memory_space<vmem_shared>>)
      %dma_start3A_1221 = arith.constant 23 : i32
      %dma_start3A_1222 = arith.constant 2 : i32
      %dma_start3A_1223 = arith.constant 0 : i32
      %dma_start3A_1224 = arith.constant 0 : i32
      %dma_start3A_1225 = tpu.memref_slice %arg8[%dma_start3A_1222, %dma_start3A_1223, %dma_start3A_1224] : memref<3x80x128xf32, #tpu.memory_space<vmem>> -> memref<1x80x128xf32, #tpu.memory_space<vmem>>
      %dma_start3A_1226 = tpu.memref_squeeze %dma_start3A_1225 : memref<1x80x128xf32, #tpu.memory_space<vmem>> -> memref<80x128xf32, #tpu.memory_space<vmem>>
      %dma_start3A_1227 = arith.constant 0 : i32
      %dma_start3A_1228 = tpu.memref_slice %arg6[%dma_start3A_1221, %dma_start3A_1227] : memref<25x80xi32, #tpu.memory_space<vmem>> -> memref<1x80xi32, #tpu.memory_space<vmem>>
      %dma_start3A_1229 = tpu.memref_squeeze %dma_start3A_1228 : memref<1x80xi32, #tpu.memory_space<vmem>> -> memref<80xi32, #tpu.memory_space<vmem>>
      %dma_start3A_1230 = arith.constant 0 : i32
      %dma_start3A_1231 = arith.constant 0 : i32
      %dma_start3A_1232 = tpu.memref_slice %arg2[%dma_start3A_1230, %dma_start3A_1231] : memref<10000x128xf32, #tpu.memory_space<hbm>> -> memref<10000x128xf32, #tpu.memory_space<hbm>>
      tpu.enqueue_indirect_dma source(%dma_start3A_1232 : memref<10000x128xf32, #tpu.memory_space<hbm>>) target(%dma_start3A_1226 : memref<80x128xf32, #tpu.memory_space<vmem>>) offsets(%dma_start3A_1229 : memref<80xi32, #tpu.memory_space<vmem>>) semaphore(%arg12 : memref<!tpu.dma_semaphore, #tpu.memory_space<semaphore_mem>>)
      %dma_wait3A_1233 = arith.constant 22 : i32
      %dma_wait3A_1234 = arith.constant 1 : i32
      %dma_wait3A_1235 = arith.constant 0 : i32
      %dma_wait3A_1236 = arith.constant 0 : i32
      %dma_wait3A_1237 = tpu.memref_slice %arg8[%dma_wait3A_1234, %dma_wait3A_1235, %dma_wait3A_1236] : memref<3x80x128xf32, #tpu.memory_space<vmem>> -> memref<1x80x128xf32, #tpu.memory_space<vmem>>
      %dma_wait3A_1238 = tpu.memref_squeeze %dma_wait3A_1237 : memref<1x80x128xf32, #tpu.memory_space<vmem>> -> memref<80x128xf32, #tpu.memory_space<vmem>>
      %dma_wait3A_1239 = arith.constant 0 : i32
      %dma_wait3A_1240 = tpu.memref_slice %arg6[%dma_wait3A_1233, %dma_wait3A_1239] : memref<25x80xi32, #tpu.memory_space<vmem>> -> memref<1x80xi32, #tpu.memory_space<vmem>>
      %dma_wait3A_1241 = tpu.memref_squeeze %dma_wait3A_1240 : memref<1x80xi32, #tpu.memory_space<vmem>> -> memref<80xi32, #tpu.memory_space<vmem>>
      %dma_wait3A_1242 = arith.constant 0 : i32
      %dma_wait3A_1243 = arith.constant 0 : i32
      %dma_wait3A_1244 = tpu.memref_slice %arg2[%dma_wait3A_1242, %dma_wait3A_1243] : memref<10000x128xf32, #tpu.memory_space<hbm>> -> memref<10000x128xf32, #tpu.memory_space<hbm>>
      tpu.wait_indirect_dma semaphore(%arg11 : memref<!tpu.dma_semaphore, #tpu.memory_space<semaphore_mem>>) src(%dma_wait3A_1244 : memref<10000x128xf32, #tpu.memory_space<hbm>>) dst(%dma_wait3A_1238 : memref<80x128xf32, #tpu.memory_space<vmem>>)
      %dma_start3A_1245 = arith.constant 1 : i32
      %dma_start3A_1246 = arith.constant 22 : i32
      %dma_start3A_1247 = arith.constant 0 : i32
      %dma_start3A_1248 = arith.constant 0 : i32
      %dma_start3A_1249 = tpu.memref_slice %arg8[%dma_start3A_1245, %dma_start3A_1247, %dma_start3A_1248] : memref<3x80x128xf32, #tpu.memory_space<vmem>> -> memref<1x80x128xf32, #tpu.memory_space<vmem>>
      %dma_start3A_1250 = tpu.memref_squeeze %dma_start3A_1249 : memref<1x80x128xf32, #tpu.memory_space<vmem>> -> memref<80x128xf32, #tpu.memory_space<vmem>>
      %dma_start3A_1251 = arith.constant 0 : i32
      %dma_start3A_1252 = tpu.memref_slice %arg7[%dma_start3A_1246, %dma_start3A_1251] : memref<25x80xi32, #tpu.memory_space<vmem>> -> memref<1x80xi32, #tpu.memory_space<vmem>>
      %dma_start3A_1253 = tpu.memref_squeeze %dma_start3A_1252 : memref<1x80xi32, #tpu.memory_space<vmem>> -> memref<80xi32, #tpu.memory_space<vmem>>
      %dma_start3A_1254 = arith.constant 0 : i32
      %dma_start3A_1255 = arith.constant 0 : i32
      %dma_start3A_1256 = tpu.memref_slice %arg9[%dma_start3A_1254, %dma_start3A_1255] : memref<10000x128xf32, #tpu.memory_space<vmem_shared>> -> memref<10000x128xf32, #tpu.memory_space<vmem_shared>>
      tpu.enqueue_indirect_dma source(%dma_start3A_1250 : memref<80x128xf32, #tpu.memory_space<vmem>>) target(%dma_start3A_1256 : memref<10000x128xf32, #tpu.memory_space<vmem_shared>>) offsets(%dma_start3A_1253 : memref<80xi32, #tpu.memory_space<vmem>>) semaphore(%arg14 : memref<!tpu.dma_semaphore, #tpu.memory_space<semaphore_mem>>) {add = true}
      %dma_wait3A_1257 = arith.constant 0 : i32
      %dma_wait3A_1258 = arith.constant 0 : i32
      %dma_wait3A_1259 = arith.constant 0 : i32
      %dma_wait3A_1260 = arith.constant 0 : i32
      %dma_wait3A_1261 = tpu.memref_slice %arg8[%dma_wait3A_1257, %dma_wait3A_1259, %dma_wait3A_1260] : memref<3x80x128xf32, #tpu.memory_space<vmem>> -> memref<1x80x128xf32, #tpu.memory_space<vmem>>
      %dma_wait3A_1262 = tpu.memref_squeeze %dma_wait3A_1261 : memref<1x80x128xf32, #tpu.memory_space<vmem>> -> memref<80x128xf32, #tpu.memory_space<vmem>>
      %dma_wait3A_1263 = arith.constant 0 : i32
      %dma_wait3A_1264 = tpu.memref_slice %arg7[%dma_wait3A_1258, %dma_wait3A_1263] : memref<25x80xi32, #tpu.memory_space<vmem>> -> memref<1x80xi32, #tpu.memory_space<vmem>>
      %dma_wait3A_1265 = tpu.memref_squeeze %dma_wait3A_1264 : memref<1x80xi32, #tpu.memory_space<vmem>> -> memref<80xi32, #tpu.memory_space<vmem>>
      %dma_wait3A_1266 = arith.constant 0 : i32
      %dma_wait3A_1267 = arith.constant 0 : i32
      %dma_wait3A_1268 = tpu.memref_slice %arg9[%dma_wait3A_1266, %dma_wait3A_1267] : memref<10000x128xf32, #tpu.memory_space<vmem_shared>> -> memref<10000x128xf32, #tpu.memory_space<vmem_shared>>
      tpu.wait_indirect_dma semaphore(%arg13 : memref<!tpu.dma_semaphore, #tpu.memory_space<semaphore_mem>>) src(%dma_wait3A_1262 : memref<80x128xf32, #tpu.memory_space<vmem>>) dst(%dma_wait3A_1268 : memref<10000x128xf32, #tpu.memory_space<vmem_shared>>)
      %dma_start3A_1269 = arith.constant 24 : i32
      %dma_start3A_1270 = arith.constant 0 : i32
      %dma_start3A_1271 = arith.constant 0 : i32
      %dma_start3A_1272 = arith.constant 0 : i32
      %dma_start3A_1273 = tpu.memref_slice %arg8[%dma_start3A_1270, %dma_start3A_1271, %dma_start3A_1272] : memref<3x80x128xf32, #tpu.memory_space<vmem>> -> memref<1x80x128xf32, #tpu.memory_space<vmem>>
      %dma_start3A_1274 = tpu.memref_squeeze %dma_start3A_1273 : memref<1x80x128xf32, #tpu.memory_space<vmem>> -> memref<80x128xf32, #tpu.memory_space<vmem>>
      %dma_start3A_1275 = arith.constant 0 : i32
      %dma_start3A_1276 = tpu.memref_slice %arg6[%dma_start3A_1269, %dma_start3A_1275] : memref<25x80xi32, #tpu.memory_space<vmem>> -> memref<1x80xi32, #tpu.memory_space<vmem>>
      %dma_start3A_1277 = tpu.memref_squeeze %dma_start3A_1276 : memref<1x80xi32, #tpu.memory_space<vmem>> -> memref<80xi32, #tpu.memory_space<vmem>>
      %dma_start3A_1278 = arith.constant 0 : i32
      %dma_start3A_1279 = arith.constant 0 : i32
      %dma_start3A_1280 = tpu.memref_slice %arg2[%dma_start3A_1278, %dma_start3A_1279] : memref<10000x128xf32, #tpu.memory_space<hbm>> -> memref<10000x128xf32, #tpu.memory_space<hbm>>
      tpu.enqueue_indirect_dma source(%dma_start3A_1280 : memref<10000x128xf32, #tpu.memory_space<hbm>>) target(%dma_start3A_1274 : memref<80x128xf32, #tpu.memory_space<vmem>>) offsets(%dma_start3A_1277 : memref<80xi32, #tpu.memory_space<vmem>>) semaphore(%arg10 : memref<!tpu.dma_semaphore, #tpu.memory_space<semaphore_mem>>)
      %dma_wait3A_1281 = arith.constant 23 : i32
      %dma_wait3A_1282 = arith.constant 2 : i32
      %dma_wait3A_1283 = arith.constant 0 : i32
      %dma_wait3A_1284 = arith.constant 0 : i32
      %dma_wait3A_1285 = tpu.memref_slice %arg8[%dma_wait3A_1282, %dma_wait3A_1283, %dma_wait3A_1284] : memref<3x80x128xf32, #tpu.memory_space<vmem>> -> memref<1x80x128xf32, #tpu.memory_space<vmem>>
      %dma_wait3A_1286 = tpu.memref_squeeze %dma_wait3A_1285 : memref<1x80x128xf32, #tpu.memory_space<vmem>> -> memref<80x128xf32, #tpu.memory_space<vmem>>
      %dma_wait3A_1287 = arith.constant 0 : i32
      %dma_wait3A_1288 = tpu.memref_slice %arg6[%dma_wait3A_1281, %dma_wait3A_1287] : memref<25x80xi32, #tpu.memory_space<vmem>> -> memref<1x80xi32, #tpu.memory_space<vmem>>
      %dma_wait3A_1289 = tpu.memref_squeeze %dma_wait3A_1288 : memref<1x80xi32, #tpu.memory_space<vmem>> -> memref<80xi32, #tpu.memory_space<vmem>>
      %dma_wait3A_1290 = arith.constant 0 : i32
      %dma_wait3A_1291 = arith.constant 0 : i32
      %dma_wait3A_1292 = tpu.memref_slice %arg2[%dma_wait3A_1290, %dma_wait3A_1291] : memref<10000x128xf32, #tpu.memory_space<hbm>> -> memref<10000x128xf32, #tpu.memory_space<hbm>>
      tpu.wait_indirect_dma semaphore(%arg12 : memref<!tpu.dma_semaphore, #tpu.memory_space<semaphore_mem>>) src(%dma_wait3A_1292 : memref<10000x128xf32, #tpu.memory_space<hbm>>) dst(%dma_wait3A_1286 : memref<80x128xf32, #tpu.memory_space<vmem>>)
      %dma_start3A_1293 = arith.constant 2 : i32
      %dma_start3A_1294 = arith.constant 23 : i32
      %dma_start3A_1295 = arith.constant 0 : i32
      %dma_start3A_1296 = arith.constant 0 : i32
      %dma_start3A_1297 = tpu.memref_slice %arg8[%dma_start3A_1293, %dma_start3A_1295, %dma_start3A_1296] : memref<3x80x128xf32, #tpu.memory_space<vmem>> -> memref<1x80x128xf32, #tpu.memory_space<vmem>>
      %dma_start3A_1298 = tpu.memref_squeeze %dma_start3A_1297 : memref<1x80x128xf32, #tpu.memory_space<vmem>> -> memref<80x128xf32, #tpu.memory_space<vmem>>
      %dma_start3A_1299 = arith.constant 0 : i32
      %dma_start3A_1300 = tpu.memref_slice %arg7[%dma_start3A_1294, %dma_start3A_1299] : memref<25x80xi32, #tpu.memory_space<vmem>> -> memref<1x80xi32, #tpu.memory_space<vmem>>
      %dma_start3A_1301 = tpu.memref_squeeze %dma_start3A_1300 : memref<1x80xi32, #tpu.memory_space<vmem>> -> memref<80xi32, #tpu.memory_space<vmem>>
      %dma_start3A_1302 = arith.constant 0 : i32
      %dma_start3A_1303 = arith.constant 0 : i32
      %dma_start3A_1304 = tpu.memref_slice %arg9[%dma_start3A_1302, %dma_start3A_1303] : memref<10000x128xf32, #tpu.memory_space<vmem_shared>> -> memref<10000x128xf32, #tpu.memory_space<vmem_shared>>
      tpu.enqueue_indirect_dma source(%dma_start3A_1298 : memref<80x128xf32, #tpu.memory_space<vmem>>) target(%dma_start3A_1304 : memref<10000x128xf32, #tpu.memory_space<vmem_shared>>) offsets(%dma_start3A_1301 : memref<80xi32, #tpu.memory_space<vmem>>) semaphore(%arg15 : memref<!tpu.dma_semaphore, #tpu.memory_space<semaphore_mem>>) {add = true}
      %dma_wait3A_1305 = arith.constant 24 : i32
      %dma_wait3A_1306 = arith.constant 0 : i32
      %dma_wait3A_1307 = arith.constant 0 : i32
      %dma_wait3A_1308 = arith.constant 0 : i32
      %dma_wait3A_1309 = tpu.memref_slice %arg8[%dma_wait3A_1306, %dma_wait3A_1307, %dma_wait3A_1308] : memref<3x80x128xf32, #tpu.memory_space<vmem>> -> memref<1x80x128xf32, #tpu.memory_space<vmem>>
      %dma_wait3A_1310 = tpu.memref_squeeze %dma_wait3A_1309 : memref<1x80x128xf32, #tpu.memory_space<vmem>> -> memref<80x128xf32, #tpu.memory_space<vmem>>
      %dma_wait3A_1311 = arith.constant 0 : i32
      %dma_wait3A_1312 = tpu.memref_slice %arg6[%dma_wait3A_1305, %dma_wait3A_1311] : memref<25x80xi32, #tpu.memory_space<vmem>> -> memref<1x80xi32, #tpu.memory_space<vmem>>
      %dma_wait3A_1313 = tpu.memref_squeeze %dma_wait3A_1312 : memref<1x80xi32, #tpu.memory_space<vmem>> -> memref<80xi32, #tpu.memory_space<vmem>>
      %dma_wait3A_1314 = arith.constant 0 : i32
      %dma_wait3A_1315 = arith.constant 0 : i32
      %dma_wait3A_1316 = tpu.memref_slice %arg2[%dma_wait3A_1314, %dma_wait3A_1315] : memref<10000x128xf32, #tpu.memory_space<hbm>> -> memref<10000x128xf32, #tpu.memory_space<hbm>>
      tpu.wait_indirect_dma semaphore(%arg10 : memref<!tpu.dma_semaphore, #tpu.memory_space<semaphore_mem>>) src(%dma_wait3A_1316 : memref<10000x128xf32, #tpu.memory_space<hbm>>) dst(%dma_wait3A_1310 : memref<80x128xf32, #tpu.memory_space<vmem>>)
      %dma_start3A_1317 = arith.constant 0 : i32
      %dma_start3A_1318 = arith.constant 24 : i32
      %dma_start3A_1319 = arith.constant 0 : i32
      %dma_start3A_1320 = arith.constant 0 : i32
      %dma_start3A_1321 = tpu.memref_slice %arg8[%dma_start3A_1317, %dma_start3A_1319, %dma_start3A_1320] : memref<3x80x128xf32, #tpu.memory_space<vmem>> -> memref<1x80x128xf32, #tpu.memory_space<vmem>>
      %dma_start3A_1322 = tpu.memref_squeeze %dma_start3A_1321 : memref<1x80x128xf32, #tpu.memory_space<vmem>> -> memref<80x128xf32, #tpu.memory_space<vmem>>
      %dma_start3A_1323 = arith.constant 0 : i32
      %dma_start3A_1324 = tpu.memref_slice %arg7[%dma_start3A_1318, %dma_start3A_1323] : memref<25x80xi32, #tpu.memory_space<vmem>> -> memref<1x80xi32, #tpu.memory_space<vmem>>
      %dma_start3A_1325 = tpu.memref_squeeze %dma_start3A_1324 : memref<1x80xi32, #tpu.memory_space<vmem>> -> memref<80xi32, #tpu.memory_space<vmem>>
      %dma_start3A_1326 = arith.constant 0 : i32
      %dma_start3A_1327 = arith.constant 0 : i32
      %dma_start3A_1328 = tpu.memref_slice %arg9[%dma_start3A_1326, %dma_start3A_1327] : memref<10000x128xf32, #tpu.memory_space<vmem_shared>> -> memref<10000x128xf32, #tpu.memory_space<vmem_shared>>
      tpu.enqueue_indirect_dma source(%dma_start3A_1322 : memref<80x128xf32, #tpu.memory_space<vmem>>) target(%dma_start3A_1328 : memref<10000x128xf32, #tpu.memory_space<vmem_shared>>) offsets(%dma_start3A_1325 : memref<80xi32, #tpu.memory_space<vmem>>) semaphore(%arg13 : memref<!tpu.dma_semaphore, #tpu.memory_space<semaphore_mem>>) {add = true}
    }
    %scan3A_80 = arith.constant 5 : i32
    %dma_wait3A_81 = arith.constant 1 : i32
    %dma_wait3A_82 = arith.constant 0 : i32
    %dma_wait3A_83 = arith.constant 0 : i32
    %dma_wait3A_84 = arith.constant 0 : i32
    %dma_wait3A_85 = tpu.memref_slice %arg8[%dma_wait3A_81, %dma_wait3A_83, %dma_wait3A_84] : memref<3x80x128xf32, #tpu.memory_space<vmem>> -> memref<1x80x128xf32, #tpu.memory_space<vmem>>
    %dma_wait3A_86 = tpu.memref_squeeze %dma_wait3A_85 : memref<1x80x128xf32, #tpu.memory_space<vmem>> -> memref<80x128xf32, #tpu.memory_space<vmem>>
    %dma_wait3A_87 = arith.constant 0 : i32
    %dma_wait3A_88 = tpu.memref_slice %arg7[%dma_wait3A_82, %dma_wait3A_87] : memref<25x80xi32, #tpu.memory_space<vmem>> -> memref<1x80xi32, #tpu.memory_space<vmem>>
    %dma_wait3A_89 = tpu.memref_squeeze %dma_wait3A_88 : memref<1x80xi32, #tpu.memory_space<vmem>> -> memref<80xi32, #tpu.memory_space<vmem>>
    %dma_wait3A_90 = arith.constant 0 : i32
    %dma_wait3A_91 = arith.constant 0 : i32
    %dma_wait3A_92 = tpu.memref_slice %arg9[%dma_wait3A_90, %dma_wait3A_91] : memref<10000x128xf32, #tpu.memory_space<vmem_shared>> -> memref<10000x128xf32, #tpu.memory_space<vmem_shared>>
    tpu.wait_indirect_dma semaphore(%arg14 : memref<!tpu.dma_semaphore, #tpu.memory_space<semaphore_mem>>) src(%dma_wait3A_86 : memref<80x128xf32, #tpu.memory_space<vmem>>) dst(%dma_wait3A_92 : memref<10000x128xf32, #tpu.memory_space<vmem_shared>>)
    %dma_wait3A_93 = arith.constant 2 : i32
    %dma_wait3A_94 = arith.constant 0 : i32
    %dma_wait3A_95 = arith.constant 0 : i32
    %dma_wait3A_96 = arith.constant 0 : i32
    %dma_wait3A_97 = tpu.memref_slice %arg8[%dma_wait3A_93, %dma_wait3A_95, %dma_wait3A_96] : memref<3x80x128xf32, #tpu.memory_space<vmem>> -> memref<1x80x128xf32, #tpu.memory_space<vmem>>
    %dma_wait3A_98 = tpu.memref_squeeze %dma_wait3A_97 : memref<1x80x128xf32, #tpu.memory_space<vmem>> -> memref<80x128xf32, #tpu.memory_space<vmem>>
    %dma_wait3A_99 = arith.constant 0 : i32
    %dma_wait3A_100 = tpu.memref_slice %arg7[%dma_wait3A_94, %dma_wait3A_99] : memref<25x80xi32, #tpu.memory_space<vmem>> -> memref<1x80xi32, #tpu.memory_space<vmem>>
    %dma_wait3A_101 = tpu.memref_squeeze %dma_wait3A_100 : memref<1x80xi32, #tpu.memory_space<vmem>> -> memref<80xi32, #tpu.memory_space<vmem>>
    %dma_wait3A_102 = arith.constant 0 : i32
    %dma_wait3A_103 = arith.constant 0 : i32
    %dma_wait3A_104 = tpu.memref_slice %arg9[%dma_wait3A_102, %dma_wait3A_103] : memref<10000x128xf32, #tpu.memory_space<vmem_shared>> -> memref<10000x128xf32, #tpu.memory_space<vmem_shared>>
    tpu.wait_indirect_dma semaphore(%arg15 : memref<!tpu.dma_semaphore, #tpu.memory_space<semaphore_mem>>) src(%dma_wait3A_98 : memref<80x128xf32, #tpu.memory_space<vmem>>) dst(%dma_wait3A_104 : memref<10000x128xf32, #tpu.memory_space<vmem_shared>>)
    %dma_wait3A_105 = arith.constant 0 : i32
    %dma_wait3A_106 = arith.constant 0 : i32
    %dma_wait3A_107 = arith.constant 0 : i32
    %dma_wait3A_108 = arith.constant 0 : i32
    %dma_wait3A_109 = tpu.memref_slice %arg8[%dma_wait3A_105, %dma_wait3A_107, %dma_wait3A_108] : memref<3x80x128xf32, #tpu.memory_space<vmem>> -> memref<1x80x128xf32, #tpu.memory_space<vmem>>
    %dma_wait3A_110 = tpu.memref_squeeze %dma_wait3A_109 : memref<1x80x128xf32, #tpu.memory_space<vmem>> -> memref<80x128xf32, #tpu.memory_space<vmem>>
    %dma_wait3A_111 = arith.constant 0 : i32
    %dma_wait3A_112 = tpu.memref_slice %arg7[%dma_wait3A_106, %dma_wait3A_111] : memref<25x80xi32, #tpu.memory_space<vmem>> -> memref<1x80xi32, #tpu.memory_space<vmem>>
    %dma_wait3A_113 = tpu.memref_squeeze %dma_wait3A_112 : memref<1x80xi32, #tpu.memory_space<vmem>> -> memref<80xi32, #tpu.memory_space<vmem>>
    %dma_wait3A_114 = arith.constant 0 : i32
    %dma_wait3A_115 = arith.constant 0 : i32
    %dma_wait3A_116 = tpu.memref_slice %arg9[%dma_wait3A_114, %dma_wait3A_115] : memref<10000x128xf32, #tpu.memory_space<vmem_shared>> -> memref<10000x128xf32, #tpu.memory_space<vmem_shared>>
    tpu.wait_indirect_dma semaphore(%arg13 : memref<!tpu.dma_semaphore, #tpu.memory_space<semaphore_mem>>) src(%dma_wait3A_110 : memref<80x128xf32, #tpu.memory_space<vmem>>) dst(%dma_wait3A_116 : memref<10000x128xf32, #tpu.memory_space<vmem_shared>>)
    %barrier3A_117 = arith.constant 0 : index
    tpu.barrier barrier_id(%barrier3A_117)
    %mul3A_118 = arith.constant 80 : i32
    %mul3A_119 = arith.muli %mul3A_118, %arg1 : i32
    %sub3A_120 = arith.constant 10000 : i32
    %sub3A_121 = arith.subi %sub3A_120, %mul3A_119 : i32
    %sub3A_122 = arith.constant 1280 : i32
    %sub3A_123 = arith.constant 1 : i32
    %sub3A_124 = arith.subi %sub3A_122, %sub3A_123 : i32
    %add3A_125 = arith.addi %sub3A_121, %sub3A_124 : i32
    %div3A_126 = arith.constant 1280 : i32
    %div3A_127 = arith.divsi %add3A_125, %div3A_126 : i32
    %while3A_128 = arith.constant 1280 : i32
    %while3A_129 = arith.constant 0 : i32
    %while3A_130 = arith.subi %div3A_127, %while3A_129 : i32
    %while3A_131 = arith.addi %while3A_129, %while3A_130 : i32
    %while3A_132 = arith.constant 1 : i32
    %while3A_133 = arith.divsi %while3A_130, %while3A_132 : i32
    %while3A_134 = arith.muli %while3A_133, %while3A_132 : i32
    %while3A_135 = arith.addi %while3A_129, %while3A_134 : i32
    %while3A_136 = arith.constant 1 : i32
    scf.for %while3A_158 = %while3A_129 to %while3A_135 step %while3A_136  : i32 {
      %mul3A_159 = arith.muli %while3A_158, %while3A_128 : i32
      %add3A_160 = arith.addi %mul3A_119, %mul3A_159 : i32
      %dma_start3A_161 = arith.constant 0 : i32
      %dma_start3A_162 = arith.constant 0 : i32
      %dma_start3A_163 = tpu.memref_slice %arg5[%arg0, %dma_start3A_161, %dma_start3A_162] : memref<2x10000x128xf32, #tpu.memory_space<hbm>> -> memref<1x10000x128xf32, #tpu.memory_space<hbm>>
      %dma_start3A_164 = tpu.memref_squeeze %dma_start3A_163 : memref<1x10000x128xf32, #tpu.memory_space<hbm>> -> memref<10000x128xf32, #tpu.memory_space<hbm>>
      %dma_start3A_165 = arith.constant 0 : i32
      %dma_start3A_166 = tpu.memref_slice %dma_start3A_164[%add3A_160, %dma_start3A_165] : memref<10000x128xf32, #tpu.memory_space<hbm>> -> memref<80x128xf32, #tpu.memory_space<hbm>>
      %dma_start3A_167 = arith.constant 0 : i32
      %dma_start3A_168 = tpu.memref_slice %arg9[%add3A_160, %dma_start3A_167] : memref<10000x128xf32, #tpu.memory_space<vmem_shared>> -> memref<80x128xf32, #tpu.memory_space<vmem_shared>>
      tpu.enqueue_dma source(%dma_start3A_168 : memref<80x128xf32, #tpu.memory_space<vmem_shared>>) target(%dma_start3A_166 : memref<80x128xf32, #tpu.memory_space<hbm>>) target_semaphore(%arg17 : memref<!tpu.dma_semaphore, #tpu.memory_space<semaphore_mem>>)
    }
    %while3A_137 = arith.constant 1 : i32
    scf.for %while3A_158 = %while3A_135 to %while3A_131 step %while3A_137  : i32 {
      %mul3A_159 = arith.muli %while3A_158, %while3A_128 : i32
      %add3A_160 = arith.addi %mul3A_119, %mul3A_159 : i32
      %dma_start3A_161 = arith.constant 0 : i32
      %dma_start3A_162 = arith.constant 0 : i32
      %dma_start3A_163 = tpu.memref_slice %arg5[%arg0, %dma_start3A_161, %dma_start3A_162] : memref<2x10000x128xf32, #tpu.memory_space<hbm>> -> memref<1x10000x128xf32, #tpu.memory_space<hbm>>
      %dma_start3A_164 = tpu.memref_squeeze %dma_start3A_163 : memref<1x10000x128xf32, #tpu.memory_space<hbm>> -> memref<10000x128xf32, #tpu.memory_space<hbm>>
      %dma_start3A_165 = arith.constant 0 : i32
      %dma_start3A_166 = tpu.memref_slice %dma_start3A_164[%add3A_160, %dma_start3A_165] : memref<10000x128xf32, #tpu.memory_space<hbm>> -> memref<80x128xf32, #tpu.memory_space<hbm>>
      %dma_start3A_167 = arith.constant 0 : i32
      %dma_start3A_168 = tpu.memref_slice %arg9[%add3A_160, %dma_start3A_167] : memref<10000x128xf32, #tpu.memory_space<vmem_shared>> -> memref<80x128xf32, #tpu.memory_space<vmem_shared>>
      tpu.enqueue_dma source(%dma_start3A_168 : memref<80x128xf32, #tpu.memory_space<vmem_shared>>) target(%dma_start3A_166 : memref<80x128xf32, #tpu.memory_space<hbm>>) target_semaphore(%arg17 : memref<!tpu.dma_semaphore, #tpu.memory_space<semaphore_mem>>)
    }
    %mul3A_138 = arith.constant 80 : i32
    %mul3A_139 = arith.muli %mul3A_138, %arg1 : i32
    %sub3A_140 = arith.constant 10000 : i32
    %sub3A_141 = arith.subi %sub3A_140, %mul3A_139 : i32
    %sub3A_142 = arith.constant 1280 : i32
    %sub3A_143 = arith.constant 1 : i32
    %sub3A_144 = arith.subi %sub3A_142, %sub3A_143 : i32
    %add3A_145 = arith.addi %sub3A_141, %sub3A_144 : i32
    %div3A_146 = arith.constant 1280 : i32
    %div3A_147 = arith.divsi %add3A_145, %div3A_146 : i32
    %while3A_148 = arith.constant 1280 : i32
    %while3A_149 = arith.constant 0 : i32
    %while3A_150 = arith.subi %div3A_147, %while3A_149 : i32
    %while3A_151 = arith.addi %while3A_149, %while3A_150 : i32
    %while3A_152 = arith.constant 1 : i32
    %while3A_153 = arith.divsi %while3A_150, %while3A_152 : i32
    %while3A_154 = arith.muli %while3A_153, %while3A_152 : i32
    %while3A_155 = arith.addi %while3A_149, %while3A_154 : i32
    %while3A_156 = arith.constant 1 : i32
    scf.for %while3A_158 = %while3A_149 to %while3A_155 step %while3A_156  : i32 {
      %mul3A_159 = arith.muli %while3A_158, %while3A_148 : i32
      %add3A_160 = arith.addi %mul3A_139, %mul3A_159 : i32
      %dma_wait3A_161 = arith.constant 0 : i32
      %dma_wait3A_162 = arith.constant 0 : i32
      %dma_wait3A_163 = tpu.memref_slice %arg5[%arg0, %dma_wait3A_161, %dma_wait3A_162] : memref<2x10000x128xf32, #tpu.memory_space<hbm>> -> memref<1x10000x128xf32, #tpu.memory_space<hbm>>
      %dma_wait3A_164 = tpu.memref_squeeze %dma_wait3A_163 : memref<1x10000x128xf32, #tpu.memory_space<hbm>> -> memref<10000x128xf32, #tpu.memory_space<hbm>>
      %dma_wait3A_165 = arith.constant 0 : i32
      %dma_wait3A_166 = tpu.memref_slice %dma_wait3A_164[%add3A_160, %dma_wait3A_165] : memref<10000x128xf32, #tpu.memory_space<hbm>> -> memref<80x128xf32, #tpu.memory_space<hbm>>
      %dma_wait3A_167 = arith.constant 0 : i32
      %dma_wait3A_168 = tpu.memref_slice %arg9[%add3A_160, %dma_wait3A_167] : memref<10000x128xf32, #tpu.memory_space<vmem_shared>> -> memref<80x128xf32, #tpu.memory_space<vmem_shared>>
      tpu.wait_dma2 semaphore(%arg17 : memref<!tpu.dma_semaphore, #tpu.memory_space<semaphore_mem>>) src(%dma_wait3A_168 : memref<80x128xf32, #tpu.memory_space<vmem_shared>>) dst(%dma_wait3A_166 : memref<80x128xf32, #tpu.memory_space<hbm>>)
    }
    %while3A_157 = arith.constant 1 : i32
    scf.for %while3A_158 = %while3A_155 to %while3A_151 step %while3A_157  : i32 {
      %mul3A_159 = arith.muli %while3A_158, %while3A_148 : i32
      %add3A_160 = arith.addi %mul3A_139, %mul3A_159 : i32
      %dma_wait3A_161 = arith.constant 0 : i32
      %dma_wait3A_162 = arith.constant 0 : i32
      %dma_wait3A_163 = tpu.memref_slice %arg5[%arg0, %dma_wait3A_161, %dma_wait3A_162] : memref<2x10000x128xf32, #tpu.memory_space<hbm>> -> memref<1x10000x128xf32, #tpu.memory_space<hbm>>
      %dma_wait3A_164 = tpu.memref_squeeze %dma_wait3A_163 : memref<1x10000x128xf32, #tpu.memory_space<hbm>> -> memref<10000x128xf32, #tpu.memory_space<hbm>>
      %dma_wait3A_165 = arith.constant 0 : i32
      %dma_wait3A_166 = tpu.memref_slice %dma_wait3A_164[%add3A_160, %dma_wait3A_165] : memref<10000x128xf32, #tpu.memory_space<hbm>> -> memref<80x128xf32, #tpu.memory_space<hbm>>
      %dma_wait3A_167 = arith.constant 0 : i32
      %dma_wait3A_168 = tpu.memref_slice %arg9[%add3A_160, %dma_wait3A_167] : memref<10000x128xf32, #tpu.memory_space<vmem_shared>> -> memref<80x128xf32, #tpu.memory_space<vmem_shared>>
      tpu.wait_dma2 semaphore(%arg17 : memref<!tpu.dma_semaphore, #tpu.memory_space<semaphore_mem>>) src(%dma_wait3A_168 : memref<80x128xf32, #tpu.memory_space<vmem_shared>>) dst(%dma_wait3A_166 : memref<80x128xf32, #tpu.memory_space<hbm>>)
    }
    return
  }
}

</mosaic_0001>

<sc_bundles>
// kernel: _sc_agg.3.cloned.1.call-start
scs
__scs_entry_jumppad:
0x0: {  	(pc) =	sbr.rel $0x88, $3  }
0x1: {  	(tag) =	ssettag $0x0;
	lr =	simm.s32 $0x1  }
0x2: {  	[smem:$0x3F9E] =	sst lr;
	_ =	strace $0xD0000000  }
0x3: {  	_ = 	snop  }
0x4: {  	_ = 	snop  }
0x5: {  	_ = 	snop  }
0x6: {  	_ = 	snop  }
0x7: {  	_ = 	snop  }
__scs_overlays_trampoline_lowered:
0x8: {  	[smem:$0x3FAD] =	sst s0  }
0x9: {  	[smem:$0x3FAE] =	sst s1  }
0xa: {  	[smem:$0x3FAF] =	sst s2  }
0xb: {  	[smem:$0x3FB0] =	sst s3  }
0xc: {  	[smem:$0x3FB1] =	sst s4  }
0xd: {  	[smem:$0x3FB2] =	sst s5  }
0xe: {  	[smem:$0x3FB3] =	sst s6  }
0xf: {  	[smem:$0x3FB4] =	sst s7  }
0x10: {  	[smem:$0x3FB5] =	sst s8  }
0x11: {  	[smem:$0x3FB6] =	sst s9;
	s0 =	simm.s32 @!p0 $0x0  }
0x12: {  	s1 =	sld [smem:$0x3F9C];
	s0 =	simm.s32 @p0 $0x1  }
0x13: {  	[smem:$0x3FB7] =	sst s0;
	s0 =	simm.s32 @!p1 $0x0  }
0x14: {  	s2 =	sld [smem:$0x3F9B];
	s0 =	simm.s32 @p1 $0x1  }
0x15: {  	[smem:$0x3FB8] =	sst s0;
	s0 =	simm.s32 @!p2 $0x0  }
0x16: {  	s3 =	sld [smem:$0x3FDB];
	s0 =	simm.s32 @p2 $0x1  }
0x17: {  	s4 =	simm.s32 $0x1BF5;
	[smem:$0x3FBA] =	sst s0  }
0x18: {  	s0 =	sld [smem:$0x3F9D];
	_ =	swait.ge [sflag:s4], $0x0  }
0x19: {  	s7 =	sld [smem:$0x3F9E]  }
0x1a: {  	s8 =	sadd.s32 $0xFFFFE003, lr  }
0x1b: {  	s9 =	sadd.s32 $0xFFFFFEF7, lr;
	s5 =	simm.s32 $0xFFFFFFFF;
	p2 =	slt.u32 s8, $0xFFFFF086  }
0x1c: {  	p1 =	slt.u32 s9, $0xF7A;
	s5 =	simm.s32 @!p2 $0x0  }
0x1d: {  	s5 =	simm.s32 @p1 $0x1;
	p0 =	seq.s32 s7, s2  }
0x1e: {  	s7 =	smul.u32 @!p0 $0xF7A, s2;
	p2 =	seq.s32 @!p0 s5, $0x0  }
0x1f: {  	s9 =	smul.u32 $0xF7A, s1;
	s8 =	simm.s32 @!p0 $0x1BF5;
	p2 =	por !p2, p0  }
0x20: {  	[sflag:s8] =	ssyncset.s32 @!p0 $0xFFFFF086;
	s6 =	sadd.s32 @!p0 s3, s7;
	s7 =	simm.s32 @!p0 $0x108  }
0x21: {  	s3 =	sadd.s32 s3, s9;
	s6 =	sadd.s32 @!p0 $0x88, s6;
	s7 =	simm.s32 @p2 $0x1082  }
0x22: {  	[simem:s7], [sflag:s8] =	dma.local @!p0 [hbm:s6], $0xF7A  }
0x23: {  	s9 =	sor.u32 $0xD0000000, s2;
	s6 =	simm.s32 $0x108;
	_ =	swait.ge @!p0 [sflag:s8], $0x0  }
0x24: {  	s3 =	sadd.s32 $0x88, s3;
	s6 =	simm.s32 @!p1 $0x1082;
	[sflag:s4] =	ssyncset.s32 $0xFFFFF086  }
0x25: {  	[simem:s6], [sflag:s4] =	dma.local [hbm:s3], $0xF7A  }
0x26: {  	[smem:$0x3F9E] =	sst s1;
	(tag) =	ssettag s2;
	_ =	strace s9  }
0x27: {  	s1 =	sld [smem:$0x3FAE]  }
0x28: {  	s2 =	sld [smem:$0x3FAF]  }
0x29: {  	s4 =	sld [smem:$0x3FB1]  }
0x2a: {  	p0 =	seq.s32 s5, $0x0;
	s5 =	sld [smem:$0x3FB2]  }
0x2b: {  	s6 =	sld [smem:$0x3FB3]  }
0x2c: {  	s7 =	sld [smem:$0x3FB4]  }
0x2d: {  	s3 =	simm.s32 $0x108;
	s8 =	sld [smem:$0x3FB5]  }
0x2e: {  	s3 =	simm.s32 @!p0 $0x1082;
	s9 =	sld [smem:$0x3FB6]  }
0x2f: {  	lr =	sadd.s32 s0, s3;
	s0 =	sld [smem:$0x3FAD]  }
0x30: {  	s3 =	sld [smem:$0x3FB0]  }
0x31: {  	[smem:$0x3FB9] =	sst s10  }
0x32: {  	s10 =	sld [smem:$0x3FB7];
	_ =	sdelay $0x3  }
0x33: {  	p0 =	seq.s32 s10, $0x1;
	s10 =	sld [smem:$0x3FB9];
	_ =	sdelay $0x3  }
0x34: {  	[smem:$0x3FB9] =	sst s10  }
0x35: {  	s10 =	sld [smem:$0x3FB8];
	_ =	sdelay $0x3  }
0x36: {  	p1 =	seq.s32 s10, $0x1;
	s10 =	sld [smem:$0x3FB9];
	_ =	sdelay $0x3  }
0x37: {  	[smem:$0x3FB9] =	sst s10  }
0x38: {  	s10 =	sld [smem:$0x3FBA]  }
0x39: {  	_ = 	snop;
	(pc) =	sbr.ind lr, $3  }
0x3a: {  	_ = 	snop  }
0x3b: {  	_ = 	snop  }
0x3c: {  	p2 =	seq.s32 s10, $0x1;
	s10 =	sld [smem:$0x3FB9]  }
0x3d: {  	_ =	shalt  }
0x3e: {  	_ =	shalt  }
0x3f: {  	_ =	shalt  }
0x40: {  	_ =	shalt  }
0x41: {  	_ =	shalt  }
0x42: {  	_ =	shalt  }
0x43: {  	_ =	shalt  }
0x44: {  	_ =	shalt  }
0x45: {  	_ =	shalt  }
0x46: {  	_ =	shalt  }
0x47: {  	_ =	shalt  }
0x48: {  	_ =	shalt  }
0x49: {  	_ =	shalt  }
0x4a: {  	_ =	shalt  }
0x4b: {  	_ =	shalt  }
0x4c: {  	_ =	shalt  }
0x4d: {  	_ =	shalt  }
0x4e: {  	_ =	shalt  }
0x4f: {  	_ =	shalt  }
0x50: {  	_ =	shalt  }
0x51: {  	_ =	shalt  }
0x52: {  	_ =	shalt  }
0x53: {  	_ =	shalt  }
0x54: {  	_ =	shalt  }
0x55: {  	_ =	shalt  }
0x56: {  	_ =	shalt  }
0x57: {  	_ =	shalt  }
0x58: {  	_ =	shalt  }
0x59: {  	_ =	shalt  }
0x5a: {  	_ =	shalt  }
0x5b: {  	_ =	shalt  }
0x5c: {  	_ =	shalt  }
0x5d: {  	_ =	shalt  }
0x5e: {  	_ =	shalt  }
0x5f: {  	_ =	shalt  }
0x60: {  	_ =	shalt  }
0x61: {  	_ =	shalt  }
0x62: {  	_ =	shalt  }
0x63: {  	_ =	shalt  }
0x64: {  	_ =	shalt  }
0x65: {  	_ =	shalt  }
0x66: {  	_ =	shalt  }
0x67: {  	_ =	shalt  }
0x68: {  	_ =	shalt  }
0x69: {  	_ =	shalt  }
0x6a: {  	_ =	shalt  }
0x6b: {  	_ =	shalt  }
0x6c: {  	_ =	shalt  }
0x6d: {  	_ =	shalt  }
0x6e: {  	_ =	shalt  }
0x6f: {  	_ =	shalt  }
0x70: {  	_ =	shalt  }
0x71: {  	_ =	shalt  }
0x72: {  	_ =	shalt  }
0x73: {  	_ =	shalt  }
0x74: {  	_ =	shalt  }
0x75: {  	_ =	shalt  }
0x76: {  	_ =	shalt  }
0x77: {  	_ =	shalt  }
0x78: {  	_ =	shalt  }
0x79: {  	_ =	shalt  }
0x7a: {  	_ =	shalt  }
0x7b: {  	_ =	shalt  }
0x7c: {  	_ =	shalt  }
0x7d: {  	_ =	shalt  }
0x7e: {  	_ =	shalt  }
0x7f: {  	_ =	shalt  }
0x80: {  	_ =	shalt  }
0x81: {  	_ =	shalt  }
0x82: {  	_ =	shalt  }
0x83: {  	_ =	shalt  }
0x84: {  	_ =	shalt  }
0x85: {  	_ =	shalt  }
0x86: {  	_ =	shalt  }
0x87: {  	_ =	shalt  }
.Lfunc_end0:
.L_simem_size_0:
called_computation_lowered:
.L_overlay_start_0:
0x88: {  	s2 =	sld [smem:$0x3FD9]  }
0x89: {  	s3 =	sld [smem:$0x3FFE];
	_ =	sdelay $0x1  }
0x8a: {  	s1 =	srdreg.scid  }
0x8b: {  	s0 =	sand.u32 $0x1, s1  }
0x8c: {  	s17 =	sshll.u32 s0, $0xA;
	s2 =	sadd.s32 s3, s2  }
0x8d: {  	s2 =	sadd.s32 s2, s17  }
0x8e: {  	[smem:$0x3FC5] =	sst s2  }
0x8f: {  	_ = 	snop  }
0x90: {  	s2 =	sld [smem:$0x3FC9]  }
0x91: {  	s18 =	sld [smem:$0x3FD0];
	(tm) =	ssettm $0x1  }
0x92: {  	s4 =	sld [smem:$0x3FFB];
	_ =	sdelay $0x3  }
0x93: {  	_ =	strace s4  }
0x94: {  	s4 =	sld [smem:$0x3FFC];
	_ =	sdelay $0x3  }
0x95: {  	_ =	strace s4  }
0x96: {  	s4 =	sld [smem:$0x3FFD];
	_ =	sdelay $0x3  }
0x97: {  	_ =	strace s4  }
0x98: {  	_ =	strace $0x8FFFFFFF  }
0x99: {  	s19 =	sld [smem:$0x3FDB];
	_ =	sdelay $0x1  }
0x9a: {  	s5 =	simm.s32 $_scs_section_size  }
0x9b: {  	s6 =	simm.s32 $_size__tile_overlayer_lowered;
	s7 =	simm.s32 $_tile_overlayer_lowered  }
0x9c: {  	s22 =	simm.s32 $0x1BFF;
	s21 =	sshll.u32 s7, $0x1;
	s4 =	sadd.s32 s5, s19  }
0x9d: {  	s8 =	simm.s32 $0x0;
	s20 =	sshll.u32 s6, $0x1;
	s6 =	sadd.s32 s21, s4  }
0x9e: {  	[timem:s8], [sflag:s22] =	dma.local [hbm:s6], s20  }
0x9f: {  	_ =	swait.ge [sflag:s22], s20  }
0xa0: {  	s5 =	ssub.s32 $0x0, s20;
	[sflag:s22] =	ssyncset.done $0x0  }
0xa1: {  	[sflag:s22] =	ssyncadd.s32 s5;
	_ =	sdelay $0x1  }
0xa2: {  	s23 =	simm.s32 $0x1B8B  }
0xa3: {  	_ =	swait.ge [sflag:s23], $0x1  }
0xa4: {  	[sflag:s23] =	ssyncset.done $0x0  }
0xa5: {  	s25 =	simm.s32 $0x1B8E;
	s24 =	sld [smem:$0x3FFE];
	[sflag:s23] =	ssyncadd.s32 $0xFFFFFFFF  }
0xa6: {  	s26 =	simm.s32 $execute0_lowered;
	[smem:$0x3FD2] =	sst s25  }
0xa7: {  	s6 =	sshll.u32 s26, $0x1;
	_ =	strace $0x80000046;
	[dreg:$0x1] =	wrdreg $0xFFFFFFFF  }
0xa8: {  	s28 =	simm.s32 $_size_execute0_lowered;
	s4 =	sadd.s32 s4, s6;
	[dreg:$0x0] =	wrdreg $0x0  }
0xa9: {  	s6 =	sshll.u32 s28, $0x1;
	[dreg:$0x2] =	wrdreg s4  }
0xaa: {  	[dreg:$0x3] =	wrdreg s6  }
0xab: {  	[dreg:$0x4] =	wrdreg $0xC0  }
0xac: {  	_ =	task [dreg:s8], $0x5FFFF  }
0xad: {  	[dreg:$0x1] =	wrdreg $0xFFFFFFFF  }
0xae: {  	[dreg:$0x0] =	wrdreg $0x60  }
0xaf: {  	[dreg:$0x2] =	wrdreg s2  }
0xb0: {  	[dreg:$0x3] =	wrdreg s24  }
0xb1: {  	[dreg:$0x4] =	wrdreg s18  }
0xb2: {  	[dreg:$0x5] =	wrdreg $0x98000  }
0xb3: {  	[dreg:$0x6] =	wrdreg $0x9  }
0xb4: {  	_ =	task.clear_ibuf [dreg:s8], $0x7FFFF;
	_ =	strace $0x90000046  }
0xb5: {  	s29 =	simm.s32 $0x9;
	_ =	strace $0x80000048  }
0xb6: {  	_ =	swait.ge [sflag:s29], $0x1  }
0xb7: {  	[sflag:s29] =	ssyncadd.s32 $0xFFFFFFFF  }
0xb8: {  	_ =	strace $0x90000048  }
0xb9: {  	_ =	sfence  }
0xba: {  	s30 =	sld [smem:$0x0];
	_ =	sdelay $0x2  }
0xbb: {  	s31 =	sshll.u32 s1, $0xD;
	s1 =	sshrl.u32 s1, $0x2  }
0xbc: {  	s3 =	sand.u32 $0x4000, s31;
	s1 =	sadd.s32 s1, s30  }
0xbd: {  	s0 =	sor.u32 s3, s0;
	s1 =	sshll.u32 s1, $0x11  }
0xbe: {  	s0 =	sor.u32 s1, s0  }
0xbf: {  	s0 =	sadd.s32 $0x8F2B, s0  }
0xc0: {  	[sflag:s0] =	ssyncadd.remote.s32 $0x1  }
0xc1: {  	_ =	sfence.sel $0xFFFF  }
0xc2: {  	[dreg:$0x0] =	wrdreg $0xFFFFFFFF;
	(pc) =	sbr.abs _section_cstart, $3  }
0xc3: {  	[dreg:$0x1] =	wrdreg $0xFFFFFFFF  }
0xc4: {  	_ =	task.clear_ibuf [dreg:s8], $0x2FFFF;
	_ =	strace $0x9FFFFFFF  }
0xc5: {  	(tm) =	ssettm $0x7FFFFFFF  }
tec
execute0_lowered:
.L_overlay_start_1:
0x0: {  	(tag) =	ssettag $0x1  }
0x1: {  	s1 =	rddreg [dreg:$0x0]  }
0x2: {  	s5 =	rddreg [dreg:$0x1]  }
0x3: {  	s0 =	srdreg.scid;
	s3 =	rddreg [dreg:$0x3]  }
0x4: {  	s4 =	simm.s32 $0x0;
	s2 =	sand.u32 $0x1, s0;
	s0 =	rddreg [dreg:$0x2]  }
0x5: {  	s13 =	simm.s32 $0x80;
	[smem:$0x7FF] =	sst s4  }
0x6: {  	s14 =	simm.s32 $0x100;
	_ =	strace $0x80000047;
	[dreg:$0x7] =	wrdreg s13  }
0x7: {  	s15 =	simm.s32 $0x1080;
	[dreg:$0x8] =	wrdreg s14  }
0x8: {  	s16 =	simm.s32 $0x180;
	[dreg:$0x9] =	wrdreg s15  }
0x9: {  	s17 =	simm.s32 $0x1100;
	[dreg:$0xa] =	wrdreg s16  }
0xa: {  	s18 =	simm.s32 $0x200;
	[dreg:$0xb] =	wrdreg s17  }
0xb: {  	s19 =	simm.s32 $0x1180;
	[dreg:$0xc] =	wrdreg s18  }
0xc: {  	s20 =	simm.s32 $0x280;
	[dreg:$0xd] =	wrdreg s19  }
0xd: {  	s22 =	simm.s32 $0x1200;
	[dreg:$0xe] =	wrdreg s20  }
0xe: {  	s23 =	simm.s32 $0x300;
	[dreg:$0xf] =	wrdreg s22  }
0xf: {  	s11 =	stileid.u32;
	s24 =	simm.s32 $0x1280;
	[dreg:$0x10] =	wrdreg s23  }
0x10: {  	s25 =	simm.s32 $0x380;
	s26 =	simm.s32 $0x1300;
	[dreg:$0x11] =	wrdreg s24  }
0x11: {  	s28 =	simm.s32 $0xB80;
	s29 =	simm.s32 $0x1B00;
	[dreg:$0x12] =	wrdreg s25  }
0x12: {  	s30 =	simm.s32 $0xC00;
	[dreg:$0x13] =	wrdreg s26;
	s13 =	simm.s32 $0x1380  }
0x13: {  	s31 =	simm.s32 $0x1B80;
	s14 =	simm.s32 $0x480;
	[dreg:$0x15] =	wrdreg s13  }
0x14: {  	s7 =	smul.u32 $0x5000, s11;
	s16 =	simm.s32 $0x1400;
	[dreg:$0x16] =	wrdreg s14  }
0x15: {  	s6 =	smul.u32 $0x50000, s2;
	s17 =	simm.s32 $0x500;
	[dreg:$0x17] =	wrdreg s16  }
0x16: {  	s21 =	ssub.s32 $0x2, s2;
	s18 =	simm.s32 $0x1480;
	[dreg:$0x18] =	wrdreg s17  }
0x17: {  	s10 =	sshll.u32 s2, $0x4;
	s19 =	simm.s32 $0x580;
	[dreg:$0x19] =	wrdreg s18  }
0x18: {  	s15 =	smul.u32 $0x50, s11;
	s20 =	simm.s32 $0x1500;
	[dreg:$0x1a] =	wrdreg s19  }
0x19: {  	s2 =	smul.u32 $0x27100, s2;
	s22 =	simm.s32 $0x1580;
	[dreg:$0x1b] =	wrdreg s20  }
0x1a: {  	s23 =	smul.u32 $0xA000, s11;
	s24 =	simm.s32 $0x680;
	[dreg:$0x1d] =	wrdreg s22  }
0x1b: {  	s26 =	simm.s32 $0x1600;
	s9 =	sshrl.u32 s21, $0x1;
	[dreg:$0x1e] =	wrdreg s24  }
0x1c: {  	s10 =	sor.u32 s11, s10;
	[dreg:$0x1f] =	wrdreg s26;
	s14 =	simm.s32 $0x780  }
0x1d: {  	s16 =	simm.s32 $0x800;
	s17 =	simm.s32 $0x1780;
	s18 =	simm.s32 $0x880  }
0x1e: {  	s19 =	simm.s32 $0x1800;
	s20 =	simm.s32 $0x900;
	[smem:$0x7EE] =	sst s14  }
0x1f: {  	s22 =	simm.s32 $0x980;
	s24 =	simm.s32 $0xA00;
	[smem:$0x7F0] =	sst s16  }
0x20: {  	s26 =	simm.s32 $0xA80;
	s6 =	sadd.s32 s7, s6;
	[smem:$0x7F1] =	sst s17  }
0x21: {  	s7 =	sadd.s32 $0x14600, s5;
	s5 =	sadd.s32 $0x600, s5;
	[smem:$0x7F2] =	sst s18  }
0x22: {  	s10 =	smul.u32 $0x5000, s10;
	s0 =	sadd.s32 s0, s2;
	[smem:$0x7F3] =	sst s19  }
0x23: {  	s14 =	simm.s32 $0x50;
	s16 =	simm.s32 $0x1;
	[smem:$0x7F4] =	sst s20  }
0x24: {  	s17 =	simm.s32 $0x7000;
	s18 =	simm.s32 $0x2;
	[smem:$0x7F6] =	sst s22  }
0x25: {  	s19 =	simm.s32 $0x4;
	[smem:$0x7F8] =	sst s24;
	s6 =	sshrl.u32 s6, $0x3  }
0x26: {  	s20 =	simm.s32 $0x3;
	[smem:$0x7FA] =	sst s26;
	s8 =	sadd.s32 s6, s7  }
0x27: {  	s6 =	sadd.s32 s6, s5;
	s12 =	sshrl.u32 s10, $0x3;
	[dreg:$0x5] =	wrdreg s8  }
0x28: {  	[dreg:$0x6] =	wrdreg s6;
	s8 =	ssub.s32 s21, s9;
	s9 =	simm.s32 $0x400  }
0x29: {  	s22 =	simm.s32 $0x6;
	s5 =	sadd.s32 s5, s12;
	[dreg:$0x14] =	wrdreg s9  }
0x2a: {  	s26 =	simm.s32 $0x1A80;
	s7 =	sadd.s32 s7, s12;
	[smem:$0x7E9] =	sst s5  }
0x2b: {  	s2 =	simm.s32 $0x1C00;
	s21 =	simm.s32 $0x600;
	[smem:$0x7EA] =	sst s7  }
0x2c: {  	s6 =	ssub.s32 $0x2C00, s15;
	s15 =	simm.s32 $0x1700;
	[dreg:$0x1c] =	wrdreg s21  }
0x2d: {  	s10 =	simm.s32 $0x1000;
	s25 =	smax.u32 s8, $0x1;
	[smem:$0x7EF] =	sst s15  }
0x2e: {  	s12 =	simm.s32 $0x8;
	s7 =	simm.s32 $0x1680;
	[smem:$0x7EB] =	sst s25  }
0x2f: {  	s6 =	smul.u32 $0xCCD, s6;
	s21 =	simm.s32 $0x1880;
	[smem:$0x7ED] =	sst s7  }
0x30: {  	s5 =	sshrl.u32 s23, $0x2;
	s23 =	simm.s32 $0x1900;
	[smem:$0x7F5] =	sst s21  }
0x31: {  	s8 =	smul.u32 $0x500, s11;
	[smem:$0x7F7] =	sst s23;
	s25 =	simm.s32 $0x1980  }
0x32: {  	s11 =	simm.s32 $0x2000;
	s13 =	sadd.s32 s5, s3;
	[smem:$0x7F9] =	sst s25  }
0x33: {  	s9 =	sshrl.u32 s6, $0x16;
	s6 =	simm.s32 $0x700;
	[smem:$0x7FD] =	sst s13  }
0x34: {  	s15 =	simm.s32 $0x4800;
	s0 =	sadd.s32 s0, s8;
	[smem:$0x7EC] =	sst s6  }
0x35: {  	s21 =	simm.s32 $0x5;
	s23 =	simm.s32 $0x1A00;
	[smem:$0x7FB] =	sst s0  }
0x36: {  	v0 =	vimm.f32 $0.0e+00;
	s25 =	simm.s32 $0xB00;
	s0 =	simm.s32 $0x0;
	[smem:$0x7FC] =	sst s9  }
.LBB2_1:
0x37: {  	s5 =	sld [smem:$0x7E9];
	_ =	sdelay $0x1  }
0x38: {  	s24 =	sld [smem:$0x7EA]  }
0x39: {  	[tilespmem:s4], [sflag:$0x7] =	stream.linear.gather [hbm4b:s5+s4], $0xC80, $0x38;
	[tilespmem:$0x1D080] =	vst v63  }
0x3a: {  	s6 =	simm.s32 $0x3C0;
	s5 =	simm.s32 $0x70  }
0x3b: {  	[tilespmem:s10], [sflag:$0x7] =	stream.linear.gather [hbm4b:s24+s4], $0xC80, $0x38;
	[tilespmem:$0x1D080] =	vst v63  }
.LBB2_2:
0x3c: {  	p0 =	sne.s32 s6, $0x9FC0;
	[tilespmem:s5+$0x2000] =	vst v0  }
0x3d: {  	[tilespmem:s5+$0x1F90] =	vst v0  }
0x3e: {  	[tilespmem:s5+$0x1FA0] =	vst v0  }
.Ltmp0:
0x3f: {  	[tilespmem:s5+$0x1FB0] =	vst v0;
	(pc) =	sbr.rel @p0 .LBB2_2-.Ltmp0, $4  }
0x40: {  	[tilespmem:s5+$0x1FC0] =	vst v0  }
0x41: {  	[tilespmem:s5+$0x1FD0] =	vst v0  }
0x42: {  	[tilespmem:s5+$0x1FE0] =	vst v0  }
0x43: {  	[tilespmem:s5+$0x1FF0] =	vst v0;
	s5 =	sshra.s32 s6, $0x2;
	s6 =	sadd.s32 $0x200, s6  }
0x44: {  	[tilespmem:s5+$0x2000] =	vst v0  }
0x45: {  	[tilespmem:s5+$0x1F90] =	vst v0  }
0x46: {  	[tilespmem:s5+$0x1FA0] =	vst v0  }
0x47: {  	[tilespmem:s5+$0x1FB0] =	vst v0;
	p0 =	sne.s32 s9, $0x1  }
.Ltmp1:
0x48: {  	[tilespmem:s5+$0x1FC0] =	vst v0;
	(pc) =	sbr.rel @!p0 .LBB2_5-.Ltmp1, $4  }
0x49: {  	[tilespmem:s5+$0x1FD0] =	vst v0  }
0x4a: {  	[tilespmem:s5+$0x1FE0] =	vst v0  }
0x4b: {  	[tilespmem:s5+$0x1FF0] =	vst v0;
	s5 =	sadd.s32 $0xFFFFFFFF, s9;
	s6 =	smov.u32 s13  }
0x4c: {  	[spmem:s13] =	stream.linear.scatter [tilespmem:s11], [sflag:$0x8], $0x2800, $0x38;
	[tilespmem:$0x1D080] =	vst v63  }
.LBB2_4:
0x4d: {  	p1 =	sne.s32 s5, $0x1  }
.Ltmp2:
0x4e: {  	_ = 	snop;
	(pc) =	sbr.rel @p1 .LBB2_4-.Ltmp2, $3  }
0x4f: {  	_ = 	snop  }
0x50: {  	s5 =	sadd.s32 $0xFFFFFFFF, s5;
	s6 =	sadd.s32 $0x28000, s6;
	_ =	sdelay $0x1  }
0x51: {  	[spmem:s6] =	stream.linear.scatter [tilespmem:s11], [sflag:$0x8], $0x2800, $0x38;
	[tilespmem:$0x1D080] =	vst v63  }
.LBB2_5:
.Ltmp3:
0x52: {  	(pc) =	sbr.rel @!p0 .LBB2_7-.Ltmp3, $3  }
0x53: {  	_ =	sdelay $0x1  }
0x54: {  	_ =	swait.ge [sflag:s12], $0x2800  }
0x55: {  	s5 =	sadd.s32 $0xFFFFFFFF, s9;
	[sflag:s12] =	ssyncset.done $0x0  }
.LBB2_6:
0x56: {  	p1 =	sne.s32 s5, $0x1;
	s5 =	sadd.s32 $0xFFFFFFFF, s5;
	[sflag:s12] =	ssyncadd.s32 $0xFFFFD800  }
.Ltmp4:
0x57: {  	(pc) =	sbr.rel @p1 .LBB2_6-.Ltmp4, $3  }
0x58: {  	_ =	sdelay $0x1  }
0x59: {  	_ =	swait.ge [sflag:s12], $0x2800  }
0x5a: {  	[sflag:s12] =	ssyncset.done $0x0  }
.LBB2_7:
0x5b: {  	[sflag:s12] =	ssyncadd.s32 $0xFFFFD800;
	s5 =	simm.s32 $0x7  }
0x5c: {  	_ =	swait.ge [sflag:s5], $0xC80  }
0x5d: {  	[sflag:s5] =	ssyncset.done $0x0  }
0x5e: {  	[sflag:s5] =	ssyncadd.s32 $0xFFFFF380  }
0x5f: {  	_ =	swait.ge [sflag:s5], $0xC80  }
0x60: {  	[sflag:s5] =	ssyncset.done $0x0  }
0x61: {  	p1 =	por $0x1, $0x1;
	[sflag:s5] =	ssyncadd.s32 $0xFFFFF380  }
0x62: {  	s5 =	simm.s32 @!p1 $0x5;
	[bflag:$0x0] =	sbarrier.arrive $0xFFFF  }
0x63: {  	_ =	swait.ge @!p1 [sflag:s5], $0x2800  }
0x64: {  	[sflag:s5] =	ssyncset.done @!p1 $0x0  }
0x65: {  	[sflag:s5] =	ssyncadd.s32 @!p1 $0xFFFFD800;
	s5 =	simm.s32 @!p1 $0x6  }
0x66: {  	_ =	swait.ge @!p1 [sflag:s5], $0x2800  }
0x67: {  	[sflag:s5] =	ssyncset.done @!p1 $0x0  }
0x68: {  	[sflag:s5] =	ssyncadd.s32 @!p1 $0xFFFFD800;
	s5 =	simm.s32 @!p1 $0x4  }
0x69: {  	_ =	swait.ge @!p1 [sflag:s5], $0x2800  }
0x6a: {  	s8 =	simm.s32 @!p1 $0x9;
	s6 =	rddreg [dreg:$0x6];
	[sflag:s5] =	ssyncset.done @!p1 $0x0  }
0x6b: {  	[sflag:s5] =	ssyncadd.s32 @!p1 $0xFFFFD800;
	s5 =	sadd.s32 @!p1 $0x0, s6;
	s6 =	simm.s32 @!p1 $0x0  }
0x6c: {  	[tilespmem:s6], [sflag:$0x9] =	stream.linear.gather @!p1 [hbm4b:s5+s6], $0xC80, $0x38;
	[tilespmem:$0x1D080] =	vst v63  }
0x6d: {  	_ =	swait.ge @!p1 [sflag:s8], $0xC80  }
0x6e: {  	s5 =	rddreg [dreg:$0x5];
	[sflag:s8] =	ssyncset.done @!p1 $0x0  }
0x6f: {  	s24 =	simm.s32 @!p1 $0x1000;
	[sflag:s8] =	ssyncadd.s32 @!p1 $0xFFFFF380;
	s5 =	sadd.s32 @!p1 $0x0, s5  }
0x70: {  	[tilespmem:s24], [sflag:$0x9] =	stream.linear.gather @!p1 [hbm4b:s5+s6], $0xC80, $0x38;
	[tilespmem:$0x1D080] =	vst v63  }
0x71: {  	_ =	swait.ge @!p1 [sflag:s8], $0xC80  }
0x72: {  	[sflag:s8] =	ssyncset.done @!p1 $0x0  }
0x73: {  	[sflag:s8] =	ssyncadd.s32 @!p1 $0xFFFFF380  }
0x74: {  	[tilespmem:s11], [sflag:$0x1] =	stream.indirect.gather [hbm4b:s1+s14], $0x80, s4, s14, $0xb8;
	[tilespmem:$0x1D080] =	vst v63  }
0x75: {  	s8 =	rddreg [dreg:$0x7]  }
0x76: {  	[tilespmem:s15], [sflag:$0x2] =	stream.indirect.gather [hbm4b:s1+s14], $0x80, s8, s14, $0xb8;
	[tilespmem:$0x1D080] =	vst v63  }
0x77: {  	_ =	swait.ge [sflag:s16], $0x2800  }
0x78: {  	[sflag:s16] =	ssyncset.done $0x0  }
0x79: {  	[sflag:s16] =	ssyncadd.s32 $0xFFFFD800  }
0x7a: {  	[spmem:s3] =	stream.indirect.scatter.add.f32 [tilespmem:s11], [sflag:$0x4], $0x80, s10, s14, $0xb8;
	[tilespmem:$0x1D080] =	vst v63  }
0x7b: {  	s9 =	rddreg [dreg:$0x8]  }
0x7c: {  	[tilespmem:s17], [sflag:$0x3] =	stream.indirect.gather [hbm4b:s1+s14], $0x80, s9, s14, $0xb8;
	[tilespmem:$0x1D080] =	vst v63  }
0x7d: {  	_ =	swait.ge [sflag:s18], $0x2800  }
0x7e: {  	[sflag:s18] =	ssyncset.done $0x0  }
0x7f: {  	s13 =	rddreg [dreg:$0x9];
	[sflag:s18] =	ssyncadd.s32 $0xFFFFD800  }
0x80: {  	[spmem:s3] =	stream.indirect.scatter.add.f32 [tilespmem:s15], [sflag:$0x5], $0x80, s13, s14, $0xb8;
	[tilespmem:$0x1D080] =	vst v63  }
0x81: {  	_ =	swait.ge [sflag:s19], $0x2800  }
0x82: {  	[sflag:s19] =	ssyncset.done $0x0  }
0x83: {  	s24 =	rddreg [dreg:$0xa];
	[sflag:s19] =	ssyncadd.s32 $0xFFFFD800  }
0x84: {  	[tilespmem:s11], [sflag:$0x1] =	stream.indirect.gather [hbm4b:s1+s14], $0x80, s24, s14, $0xb8;
	[tilespmem:$0x1D080] =	vst v63  }
0x85: {  	_ =	swait.ge [sflag:s20], $0x2800  }
0x86: {  	[sflag:s20] =	ssyncset.done $0x0  }
0x87: {  	s6 =	rddreg [dreg:$0xb];
	[sflag:s20] =	ssyncadd.s32 $0xFFFFD800  }
0x88: {  	[spmem:s3] =	stream.indirect.scatter.add.f32 [tilespmem:s17], [sflag:$0x6], $0x80, s6, s14, $0xb8;
	[tilespmem:$0x1D080] =	vst v63  }
0x89: {  	_ =	swait.ge [sflag:s21], $0x2800  }
0x8a: {  	[sflag:s21] =	ssyncset.done $0x0  }
0x8b: {  	s7 =	rddreg [dreg:$0xc];
	[sflag:s21] =	ssyncadd.s32 $0xFFFFD800  }
0x8c: {  	[tilespmem:s15], [sflag:$0x2] =	stream.indirect.gather [hbm4b:s1+s14], $0x80, s7, s14, $0xb8;
	[tilespmem:$0x1D080] =	vst v63  }
0x8d: {  	_ =	swait.ge [sflag:s16], $0x2800  }
0x8e: {  	[sflag:s16] =	ssyncset.done $0x0  }
0x8f: {  	s8 =	rddreg [dreg:$0xd];
	[sflag:s16] =	ssyncadd.s32 $0xFFFFD800  }
0x90: {  	[spmem:s3] =	stream.indirect.scatter.add.f32 [tilespmem:s11], [sflag:$0x4], $0x80, s8, s14, $0xb8;
	[tilespmem:$0x1D080] =	vst v63  }
0x91: {  	_ =	swait.ge [sflag:s22], $0x2800  }
0x92: {  	[sflag:s22] =	ssyncset.done $0x0  }
0x93: {  	s9 =	rddreg [dreg:$0xe];
	[sflag:s22] =	ssyncadd.s32 $0xFFFFD800  }
0x94: {  	[tilespmem:s17], [sflag:$0x3] =	stream.indirect.gather [hbm4b:s1+s14], $0x80, s9, s14, $0xb8;
	[tilespmem:$0x1D080] =	vst v63  }
0x95: {  	_ =	swait.ge [sflag:s18], $0x2800  }
0x96: {  	[sflag:s18] =	ssyncset.done $0x0  }
0x97: {  	s13 =	rddreg [dreg:$0xf];
	[sflag:s18] =	ssyncadd.s32 $0xFFFFD800  }
0x98: {  	[spmem:s3] =	stream.indirect.scatter.add.f32 [tilespmem:s15], [sflag:$0x5], $0x80, s13, s14, $0xb8;
	[tilespmem:$0x1D080] =	vst v63  }
0x99: {  	_ =	swait.ge [sflag:s19], $0x2800  }
0x9a: {  	[sflag:s19] =	ssyncset.done $0x0  }
0x9b: {  	s24 =	rddreg [dreg:$0x10];
	[sflag:s19] =	ssyncadd.s32 $0xFFFFD800  }
0x9c: {  	[tilespmem:s11], [sflag:$0x1] =	stream.indirect.gather [hbm4b:s1+s14], $0x80, s24, s14, $0xb8;
	[tilespmem:$0x1D080] =	vst v63  }
0x9d: {  	_ =	swait.ge [sflag:s20], $0x2800  }
0x9e: {  	[sflag:s20] =	ssyncset.done $0x0  }
0x9f: {  	s6 =	rddreg [dreg:$0x11];
	[sflag:s20] =	ssyncadd.s32 $0xFFFFD800  }
0xa0: {  	[spmem:s3] =	stream.indirect.scatter.add.f32 [tilespmem:s17], [sflag:$0x6], $0x80, s6, s14, $0xb8;
	[tilespmem:$0x1D080] =	vst v63  }
0xa1: {  	_ =	swait.ge [sflag:s21], $0x2800  }
0xa2: {  	[sflag:s21] =	ssyncset.done $0x0  }
0xa3: {  	s7 =	rddreg [dreg:$0x12];
	[sflag:s21] =	ssyncadd.s32 $0xFFFFD800  }
0xa4: {  	[tilespmem:s15], [sflag:$0x2] =	stream.indirect.gather [hbm4b:s1+s14], $0x80, s7, s14, $0xb8;
	[tilespmem:$0x1D080] =	vst v63  }
0xa5: {  	_ =	swait.ge [sflag:s16], $0x2800  }
0xa6: {  	[sflag:s16] =	ssyncset.done $0x0  }
0xa7: {  	s8 =	rddreg [dreg:$0x13];
	[sflag:s16] =	ssyncadd.s32 $0xFFFFD800  }
0xa8: {  	[spmem:s3] =	stream.indirect.scatter.add.f32 [tilespmem:s11], [sflag:$0x4], $0x80, s8, s14, $0xb8;
	[tilespmem:$0x1D080] =	vst v63  }
0xa9: {  	_ =	swait.ge [sflag:s22], $0x2800  }
0xaa: {  	[sflag:s22] =	ssyncset.done $0x0  }
0xab: {  	s9 =	rddreg [dreg:$0x14];
	[sflag:s22] =	ssyncadd.s32 $0xFFFFD800  }
0xac: {  	[tilespmem:s17], [sflag:$0x3] =	stream.indirect.gather [hbm4b:s1+s14], $0x80, s9, s14, $0xb8;
	[tilespmem:$0x1D080] =	vst v63  }
0xad: {  	_ =	swait.ge [sflag:s18], $0x2800  }
0xae: {  	[sflag:s18] =	ssyncset.done $0x0  }
0xaf: {  	s13 =	rddreg [dreg:$0x15];
	[sflag:s18] =	ssyncadd.s32 $0xFFFFD800  }
0xb0: {  	[spmem:s3] =	stream.indirect.scatter.add.f32 [tilespmem:s15], [sflag:$0x5], $0x80, s13, s14, $0xb8;
	[tilespmem:$0x1D080] =	vst v63  }
0xb1: {  	_ =	swait.ge [sflag:s19], $0x2800  }
0xb2: {  	[sflag:s19] =	ssyncset.done $0x0  }
0xb3: {  	s24 =	rddreg [dreg:$0x16];
	[sflag:s19] =	ssyncadd.s32 $0xFFFFD800  }
0xb4: {  	[tilespmem:s11], [sflag:$0x1] =	stream.indirect.gather [hbm4b:s1+s14], $0x80, s24, s14, $0xb8;
	[tilespmem:$0x1D080] =	vst v63  }
0xb5: {  	_ =	swait.ge [sflag:s20], $0x2800  }
0xb6: {  	[sflag:s20] =	ssyncset.done $0x0  }
0xb7: {  	s6 =	rddreg [dreg:$0x17];
	[sflag:s20] =	ssyncadd.s32 $0xFFFFD800  }
0xb8: {  	[spmem:s3] =	stream.indirect.scatter.add.f32 [tilespmem:s17], [sflag:$0x6], $0x80, s6, s14, $0xb8;
	[tilespmem:$0x1D080] =	vst v63  }
0xb9: {  	_ =	swait.ge [sflag:s21], $0x2800  }
0xba: {  	[sflag:s21] =	ssyncset.done $0x0  }
0xbb: {  	s7 =	rddreg [dreg:$0x18];
	[sflag:s21] =	ssyncadd.s32 $0xFFFFD800  }
0xbc: {  	[tilespmem:s15], [sflag:$0x2] =	stream.indirect.gather [hbm4b:s1+s14], $0x80, s7, s14, $0xb8;
	[tilespmem:$0x1D080] =	vst v63  }
0xbd: {  	_ =	swait.ge [sflag:s16], $0x2800  }
0xbe: {  	[sflag:s16] =	ssyncset.done $0x0  }
0xbf: {  	s8 =	rddreg [dreg:$0x19];
	[sflag:s16] =	ssyncadd.s32 $0xFFFFD800  }
0xc0: {  	[spmem:s3] =	stream.indirect.scatter.add.f32 [tilespmem:s11], [sflag:$0x4], $0x80, s8, s14, $0xb8;
	[tilespmem:$0x1D080] =	vst v63  }
0xc1: {  	_ =	swait.ge [sflag:s22], $0x2800  }
0xc2: {  	[sflag:s22] =	ssyncset.done $0x0  }
0xc3: {  	s9 =	rddreg [dreg:$0x1a];
	[sflag:s22] =	ssyncadd.s32 $0xFFFFD800  }
0xc4: {  	[tilespmem:s17], [sflag:$0x3] =	stream.indirect.gather [hbm4b:s1+s14], $0x80, s9, s14, $0xb8;
	[tilespmem:$0x1D080] =	vst v63  }
0xc5: {  	_ =	swait.ge [sflag:s18], $0x2800  }
0xc6: {  	[sflag:s18] =	ssyncset.done $0x0  }
0xc7: {  	s13 =	rddreg [dreg:$0x1b];
	[sflag:s18] =	ssyncadd.s32 $0xFFFFD800  }
0xc8: {  	[spmem:s3] =	stream.indirect.scatter.add.f32 [tilespmem:s15], [sflag:$0x5], $0x80, s13, s14, $0xb8;
	[tilespmem:$0x1D080] =	vst v63  }
0xc9: {  	_ =	swait.ge [sflag:s19], $0x2800  }
0xca: {  	[sflag:s19] =	ssyncset.done $0x0  }
0xcb: {  	s24 =	rddreg [dreg:$0x1c];
	[sflag:s19] =	ssyncadd.s32 $0xFFFFD800  }
0xcc: {  	[tilespmem:s11], [sflag:$0x1] =	stream.indirect.gather [hbm4b:s1+s14], $0x80, s24, s14, $0xb8;
	[tilespmem:$0x1D080] =	vst v63  }
0xcd: {  	_ =	swait.ge [sflag:s20], $0x2800  }
0xce: {  	[sflag:s20] =	ssyncset.done $0x0  }
0xcf: {  	s6 =	rddreg [dreg:$0x1d];
	[sflag:s20] =	ssyncadd.s32 $0xFFFFD800  }
0xd0: {  	[spmem:s3] =	stream.indirect.scatter.add.f32 [tilespmem:s17], [sflag:$0x6], $0x80, s6, s14, $0xb8;
	[tilespmem:$0x1D080] =	vst v63  }
0xd1: {  	_ =	swait.ge [sflag:s21], $0x2800  }
0xd2: {  	[sflag:s21] =	ssyncset.done $0x0  }
0xd3: {  	s7 =	rddreg [dreg:$0x1e];
	[sflag:s21] =	ssyncadd.s32 $0xFFFFD800  }
0xd4: {  	[tilespmem:s15], [sflag:$0x2] =	stream.indirect.gather [hbm4b:s1+s14], $0x80, s7, s14, $0xb8;
	[tilespmem:$0x1D080] =	vst v63  }
0xd5: {  	_ =	swait.ge [sflag:s16], $0x2800  }
0xd6: {  	[sflag:s16] =	ssyncset.done $0x0  }
0xd7: {  	s8 =	rddreg [dreg:$0x1f];
	[sflag:s16] =	ssyncadd.s32 $0xFFFFD800  }
0xd8: {  	[spmem:s3] =	stream.indirect.scatter.add.f32 [tilespmem:s11], [sflag:$0x4], $0x80, s8, s14, $0xb8;
	[tilespmem:$0x1D080] =	vst v63  }
0xd9: {  	_ =	swait.ge [sflag:s22], $0x2800  }
0xda: {  	s9 =	sld [smem:$0x7EC]  }
0xdb: {  	[sflag:s22] =	ssyncset.done $0x0  }
0xdc: {  	[sflag:s22] =	ssyncadd.s32 $0xFFFFD800  }
0xdd: {  	[tilespmem:s17], [sflag:$0x3] =	stream.indirect.gather [hbm4b:s1+s14], $0x80, s9, s14, $0xb8;
	[tilespmem:$0x1D080] =	vst v63  }
0xde: {  	_ =	swait.ge [sflag:s18], $0x2800  }
0xdf: {  	s13 =	sld [smem:$0x7ED]  }
0xe0: {  	[sflag:s18] =	ssyncset.done $0x0  }
0xe1: {  	[sflag:s18] =	ssyncadd.s32 $0xFFFFD800  }
0xe2: {  	[spmem:s3] =	stream.indirect.scatter.add.f32 [tilespmem:s15], [sflag:$0x5], $0x80, s13, s14, $0xb8;
	[tilespmem:$0x1D080] =	vst v63  }
0xe3: {  	_ =	swait.ge [sflag:s19], $0x2800  }
0xe4: {  	s24 =	sld [smem:$0x7EE]  }
0xe5: {  	[sflag:s19] =	ssyncset.done $0x0  }
0xe6: {  	[sflag:s19] =	ssyncadd.s32 $0xFFFFD800  }
0xe7: {  	[tilespmem:s11], [sflag:$0x1] =	stream.indirect.gather [hbm4b:s1+s14], $0x80, s24, s14, $0xb8;
	[tilespmem:$0x1D080] =	vst v63  }
0xe8: {  	_ =	swait.ge [sflag:s20], $0x2800  }
0xe9: {  	s6 =	sld [smem:$0x7EF]  }
0xea: {  	[sflag:s20] =	ssyncset.done $0x0  }
0xeb: {  	[sflag:s20] =	ssyncadd.s32 $0xFFFFD800  }
0xec: {  	[spmem:s3] =	stream.indirect.scatter.add.f32 [tilespmem:s17], [sflag:$0x6], $0x80, s6, s14, $0xb8;
	[tilespmem:$0x1D080] =	vst v63  }
0xed: {  	_ =	swait.ge [sflag:s21], $0x2800  }
0xee: {  	s7 =	sld [smem:$0x7F0]  }
0xef: {  	[sflag:s21] =	ssyncset.done $0x0  }
0xf0: {  	[sflag:s21] =	ssyncadd.s32 $0xFFFFD800  }
0xf1: {  	[tilespmem:s15], [sflag:$0x2] =	stream.indirect.gather [hbm4b:s1+s14], $0x80, s7, s14, $0xb8;
	[tilespmem:$0x1D080] =	vst v63  }
0xf2: {  	_ =	swait.ge [sflag:s16], $0x2800  }
0xf3: {  	s8 =	sld [smem:$0x7F1]  }
0xf4: {  	[sflag:s16] =	ssyncset.done $0x0  }
0xf5: {  	[sflag:s16] =	ssyncadd.s32 $0xFFFFD800  }
0xf6: {  	[spmem:s3] =	stream.indirect.scatter.add.f32 [tilespmem:s11], [sflag:$0x4], $0x80, s8, s14, $0xb8;
	[tilespmem:$0x1D080] =	vst v63  }
0xf7: {  	_ =	swait.ge [sflag:s22], $0x2800  }
0xf8: {  	s9 =	sld [smem:$0x7F2]  }
0xf9: {  	[sflag:s22] =	ssyncset.done $0x0  }
0xfa: {  	[sflag:s22] =	ssyncadd.s32 $0xFFFFD800  }
0xfb: {  	[tilespmem:s17], [sflag:$0x3] =	stream.indirect.gather [hbm4b:s1+s14], $0x80, s9, s14, $0xb8;
	[tilespmem:$0x1D080] =	vst v63  }
0xfc: {  	_ =	swait.ge [sflag:s18], $0x2800  }
0xfd: {  	s13 =	sld [smem:$0x7F3]  }
0xfe: {  	[sflag:s18] =	ssyncset.done $0x0  }
0xff: {  	[sflag:s18] =	ssyncadd.s32 $0xFFFFD800  }
0x100: {  	[spmem:s3] =	stream.indirect.scatter.add.f32 [tilespmem:s15], [sflag:$0x5], $0x80, s13, s14, $0xb8;
	[tilespmem:$0x1D080] =	vst v63  }
0x101: {  	_ =	swait.ge [sflag:s19], $0x2800  }
0x102: {  	s24 =	sld [smem:$0x7F4]  }
0x103: {  	[sflag:s19] =	ssyncset.done $0x0  }
0x104: {  	[sflag:s19] =	ssyncadd.s32 $0xFFFFD800  }
0x105: {  	[tilespmem:s11], [sflag:$0x1] =	stream.indirect.gather [hbm4b:s1+s14], $0x80, s24, s14, $0xb8;
	[tilespmem:$0x1D080] =	vst v63  }
0x106: {  	_ =	swait.ge [sflag:s20], $0x2800  }
0x107: {  	s6 =	sld [smem:$0x7F5]  }
0x108: {  	[sflag:s20] =	ssyncset.done $0x0  }
0x109: {  	[sflag:s20] =	ssyncadd.s32 $0xFFFFD800  }
0x10a: {  	[spmem:s3] =	stream.indirect.scatter.add.f32 [tilespmem:s17], [sflag:$0x6], $0x80, s6, s14, $0xb8;
	[tilespmem:$0x1D080] =	vst v63  }
0x10b: {  	_ =	swait.ge [sflag:s21], $0x2800  }
0x10c: {  	s7 =	sld [smem:$0x7F6]  }
0x10d: {  	[sflag:s21] =	ssyncset.done $0x0  }
0x10e: {  	[sflag:s21] =	ssyncadd.s32 $0xFFFFD800  }
0x10f: {  	[tilespmem:s15], [sflag:$0x2] =	stream.indirect.gather [hbm4b:s1+s14], $0x80, s7, s14, $0xb8;
	[tilespmem:$0x1D080] =	vst v63  }
0x110: {  	_ =	swait.ge [sflag:s16], $0x2800  }
0x111: {  	s8 =	sld [smem:$0x7F7]  }
0x112: {  	[sflag:s16] =	ssyncset.done $0x0  }
0x113: {  	[sflag:s16] =	ssyncadd.s32 $0xFFFFD800  }
0x114: {  	[spmem:s3] =	stream.indirect.scatter.add.f32 [tilespmem:s11], [sflag:$0x4], $0x80, s8, s14, $0xb8;
	[tilespmem:$0x1D080] =	vst v63  }
0x115: {  	_ =	swait.ge [sflag:s22], $0x2800  }
0x116: {  	s9 =	sld [smem:$0x7F8]  }
0x117: {  	[sflag:s22] =	ssyncset.done $0x0  }
0x118: {  	[sflag:s22] =	ssyncadd.s32 $0xFFFFD800  }
0x119: {  	[tilespmem:s17], [sflag:$0x3] =	stream.indirect.gather [hbm4b:s1+s14], $0x80, s9, s14, $0xb8;
	[tilespmem:$0x1D080] =	vst v63  }
0x11a: {  	_ =	swait.ge [sflag:s18], $0x2800  }
0x11b: {  	s13 =	sld [smem:$0x7F9]  }
0x11c: {  	[sflag:s18] =	ssyncset.done $0x0  }
0x11d: {  	[sflag:s18] =	ssyncadd.s32 $0xFFFFD800  }
0x11e: {  	[spmem:s3] =	stream.indirect.scatter.add.f32 [tilespmem:s15], [sflag:$0x5], $0x80, s13, s14, $0xb8;
	[tilespmem:$0x1D080] =	vst v63  }
0x11f: {  	_ =	swait.ge [sflag:s19], $0x2800  }
0x120: {  	s24 =	sld [smem:$0x7FA]  }
0x121: {  	[sflag:s19] =	ssyncset.done $0x0  }
0x122: {  	[sflag:s19] =	ssyncadd.s32 $0xFFFFD800  }
0x123: {  	[tilespmem:s11], [sflag:$0x1] =	stream.indirect.gather [hbm4b:s1+s14], $0x80, s24, s14, $0xb8;
	[tilespmem:$0x1D080] =	vst v63  }
0x124: {  	_ =	swait.ge [sflag:s20], $0x2800  }
0x125: {  	[sflag:s20] =	ssyncset.done $0x0  }
0x126: {  	[sflag:s20] =	ssyncadd.s32 $0xFFFFD800  }
0x127: {  	[spmem:s3] =	stream.indirect.scatter.add.f32 [tilespmem:s17], [sflag:$0x6], $0x80, s23, s14, $0xb8;
	[tilespmem:$0x1D080] =	vst v63  }
0x128: {  	_ =	swait.ge [sflag:s21], $0x2800  }
0x129: {  	[sflag:s21] =	ssyncset.done $0x0  }
0x12a: {  	[sflag:s21] =	ssyncadd.s32 $0xFFFFD800  }
0x12b: {  	[tilespmem:s15], [sflag:$0x2] =	stream.indirect.gather [hbm4b:s1+s14], $0x80, s25, s14, $0xb8;
	[tilespmem:$0x1D080] =	vst v63  }
0x12c: {  	_ =	swait.ge [sflag:s16], $0x2800  }
0x12d: {  	[sflag:s16] =	ssyncset.done $0x0  }
0x12e: {  	[sflag:s16] =	ssyncadd.s32 $0xFFFFD800  }
0x12f: {  	[spmem:s3] =	stream.indirect.scatter.add.f32 [tilespmem:s11], [sflag:$0x4], $0x80, s26, s14, $0xb8;
	[tilespmem:$0x1D080] =	vst v63  }
0x130: {  	_ =	swait.ge [sflag:s22], $0x2800  }
0x131: {  	[sflag:s22] =	ssyncset.done $0x0  }
0x132: {  	[sflag:s22] =	ssyncadd.s32 $0xFFFFD800  }
0x133: {  	[tilespmem:s17], [sflag:$0x3] =	stream.indirect.gather [hbm4b:s1+s14], $0x80, s28, s14, $0xb8;
	[tilespmem:$0x1D080] =	vst v63  }
0x134: {  	_ =	swait.ge [sflag:s18], $0x2800  }
0x135: {  	[sflag:s18] =	ssyncset.done $0x0  }
0x136: {  	[sflag:s18] =	ssyncadd.s32 $0xFFFFD800  }
0x137: {  	[spmem:s3] =	stream.indirect.scatter.add.f32 [tilespmem:s15], [sflag:$0x5], $0x80, s29, s14, $0xb8;
	[tilespmem:$0x1D080] =	vst v63  }
0x138: {  	_ =	swait.ge [sflag:s19], $0x2800  }
0x139: {  	[sflag:s19] =	ssyncset.done $0x0  }
0x13a: {  	[sflag:s19] =	ssyncadd.s32 $0xFFFFD800  }
0x13b: {  	[tilespmem:s11], [sflag:$0x1] =	stream.indirect.gather [hbm4b:s1+s14], $0x80, s30, s14, $0xb8;
	[tilespmem:$0x1D080] =	vst v63  }
0x13c: {  	_ =	swait.ge [sflag:s20], $0x2800  }
0x13d: {  	[sflag:s20] =	ssyncset.done $0x0  }
0x13e: {  	[sflag:s20] =	ssyncadd.s32 $0xFFFFD800  }
0x13f: {  	[spmem:s3] =	stream.indirect.scatter.add.f32 [tilespmem:s17], [sflag:$0x6], $0x80, s31, s14, $0xb8;
	[tilespmem:$0x1D080] =	vst v63  }
0x140: {  	p2 =	por $0x0, $0x0;
	_ =	swait.ge [sflag:s16], $0x2800  }
0x141: {  	s5 =	simm.s32 $0x200;
	s6 =	simm.s32 $0x400;
	[sflag:s16] =	ssyncset.done $0x0  }
.LBB2_8:
0x142: {  	s8 =	simm.s32 @!p2 $0x5;
	[sflag:s16] =	ssyncadd.s32 $0xFFFFD800  }
0x143: {  	[spmem:s3] =	stream.indirect.scatter.add.f32 [tilespmem:s11], [sflag:$0x4], $0x80, s2, s14, $0xb8;
	[tilespmem:$0x1D080] =	vst v63  }
0x144: {  	_ =	swait.ge @!p2 [sflag:s8], $0x2800  }
0x145: {  	[sflag:s8] =	ssyncset.done @!p2 $0x0  }
0x146: {  	[sflag:s8] =	ssyncadd.s32 @!p2 $0xFFFFD800;
	s8 =	simm.s32 @!p2 $0x6  }
0x147: {  	_ =	swait.ge @!p2 [sflag:s8], $0x2800  }
0x148: {  	[sflag:s8] =	ssyncset.done @!p2 $0x0  }
0x149: {  	[sflag:s8] =	ssyncadd.s32 @!p2 $0xFFFFD800;
	s8 =	simm.s32 @!p2 $0x4  }
0x14a: {  	_ =	swait.ge @!p2 [sflag:s8], $0x2800  }
0x14b: {  	s9 =	simm.s32 @!p2 $0x9;
	[sflag:s8] =	ssyncset.done @!p2 $0x0;
	s13 =	rddreg [dreg:$0x6]  }
0x14c: {  	[sflag:s8] =	ssyncadd.s32 @!p2 $0xFFFFD800;
	s8 =	sadd.s32 @!p2 s5, s13;
	s13 =	simm.s32 @!p2 $0x0  }
0x14d: {  	[tilespmem:s13], [sflag:$0x9] =	stream.linear.gather @!p2 [hbm4b:s8+s13], $0xC80, $0x38;
	[tilespmem:$0x1D080] =	vst v63  }
0x14e: {  	_ =	swait.ge @!p2 [sflag:s9], $0xC80  }
0x14f: {  	[sflag:s9] =	ssyncset.done @!p2 $0x0;
	s8 =	rddreg [dreg:$0x5]  }
0x150: {  	s7 =	simm.s32 @!p2 $0x1000;
	[sflag:s9] =	ssyncadd.s32 @!p2 $0xFFFFF380;
	s8 =	sadd.s32 @!p2 s5, s8  }
0x151: {  	[tilespmem:s7], [sflag:$0x9] =	stream.linear.gather @!p2 [hbm4b:s8+s13], $0xC80, $0x38;
	[tilespmem:$0x1D080] =	vst v63  }
0x152: {  	_ =	swait.ge @!p2 [sflag:s9], $0xC80  }
0x153: {  	[sflag:s9] =	ssyncset.done @!p2 $0x0  }
0x154: {  	[sflag:s9] =	ssyncadd.s32 @!p2 $0xFFFFF380  }
0x155: {  	[tilespmem:s11], [sflag:$0x1] =	stream.indirect.gather [hbm4b:s1+s14], $0x80, s4, s14, $0xb8;
	[tilespmem:$0x1D080] =	vst v63  }
0x156: {  	s8 =	rddreg [dreg:$0x7]  }
0x157: {  	[tilespmem:s15], [sflag:$0x2] =	stream.indirect.gather [hbm4b:s1+s14], $0x80, s8, s14, $0xb8;
	[tilespmem:$0x1D080] =	vst v63  }
0x158: {  	_ =	swait.ge [sflag:s16], $0x2800  }
0x159: {  	[sflag:s16] =	ssyncset.done $0x0  }
0x15a: {  	[sflag:s16] =	ssyncadd.s32 $0xFFFFD800  }
0x15b: {  	[spmem:s3] =	stream.indirect.scatter.add.f32 [tilespmem:s11], [sflag:$0x4], $0x80, s10, s14, $0xb8;
	[tilespmem:$0x1D080] =	vst v63  }
0x15c: {  	s9 =	rddreg [dreg:$0x8]  }
0x15d: {  	[tilespmem:s17], [sflag:$0x3] =	stream.indirect.gather [hbm4b:s1+s14], $0x80, s9, s14, $0xb8;
	[tilespmem:$0x1D080] =	vst v63  }
0x15e: {  	_ =	swait.ge [sflag:s18], $0x2800  }
0x15f: {  	[sflag:s18] =	ssyncset.done $0x0  }
0x160: {  	s13 =	rddreg [dreg:$0x9];
	[sflag:s18] =	ssyncadd.s32 $0xFFFFD800  }
0x161: {  	[spmem:s3] =	stream.indirect.scatter.add.f32 [tilespmem:s15], [sflag:$0x5], $0x80, s13, s14, $0xb8;
	[tilespmem:$0x1D080] =	vst v63  }
0x162: {  	_ =	swait.ge [sflag:s19], $0x2800  }
0x163: {  	s24 =	smov.u32 s6;
	[sflag:s19] =	ssyncset.done $0x0  }
0x164: {  	s5 =	smov.u32 s24;
	s24 =	rddreg [dreg:$0xa];
	[sflag:s19] =	ssyncadd.s32 $0xFFFFD800  }
0x165: {  	[tilespmem:s11], [sflag:$0x1] =	stream.indirect.gather [hbm4b:s1+s14], $0x80, s24, s14, $0xb8;
	[tilespmem:$0x1D080] =	vst v63  }
0x166: {  	_ =	swait.ge [sflag:s20], $0x2800  }
0x167: {  	[sflag:s20] =	ssyncset.done $0x0  }
0x168: {  	s8 =	rddreg [dreg:$0xb];
	[sflag:s20] =	ssyncadd.s32 $0xFFFFD800  }
0x169: {  	[spmem:s3] =	stream.indirect.scatter.add.f32 [tilespmem:s17], [sflag:$0x6], $0x80, s8, s14, $0xb8;
	[tilespmem:$0x1D080] =	vst v63  }
0x16a: {  	_ =	swait.ge [sflag:s21], $0x2800  }
0x16b: {  	[sflag:s21] =	ssyncset.done $0x0  }
0x16c: {  	s9 =	rddreg [dreg:$0xc];
	[sflag:s21] =	ssyncadd.s32 $0xFFFFD800  }
0x16d: {  	[tilespmem:s15], [sflag:$0x2] =	stream.indirect.gather [hbm4b:s1+s14], $0x80, s9, s14, $0xb8;
	[tilespmem:$0x1D080] =	vst v63  }
0x16e: {  	_ =	swait.ge [sflag:s16], $0x2800  }
0x16f: {  	[sflag:s16] =	ssyncset.done $0x0  }
0x170: {  	s13 =	rddreg [dreg:$0xd];
	[sflag:s16] =	ssyncadd.s32 $0xFFFFD800  }
0x171: {  	[spmem:s3] =	stream.indirect.scatter.add.f32 [tilespmem:s11], [sflag:$0x4], $0x80, s13, s14, $0xb8;
	[tilespmem:$0x1D080] =	vst v63  }
0x172: {  	_ =	swait.ge [sflag:s22], $0x2800  }
0x173: {  	[sflag:s22] =	ssyncset.done $0x0  }
0x174: {  	s24 =	rddreg [dreg:$0xe];
	[sflag:s22] =	ssyncadd.s32 $0xFFFFD800  }
0x175: {  	[tilespmem:s17], [sflag:$0x3] =	stream.indirect.gather [hbm4b:s1+s14], $0x80, s24, s14, $0xb8;
	[tilespmem:$0x1D080] =	vst v63  }
0x176: {  	_ =	swait.ge [sflag:s18], $0x2800  }
0x177: {  	[sflag:s18] =	ssyncset.done $0x0  }
0x178: {  	s8 =	rddreg [dreg:$0xf];
	[sflag:s18] =	ssyncadd.s32 $0xFFFFD800  }
0x179: {  	[spmem:s3] =	stream.indirect.scatter.add.f32 [tilespmem:s15], [sflag:$0x5], $0x80, s8, s14, $0xb8;
	[tilespmem:$0x1D080] =	vst v63  }
0x17a: {  	_ =	swait.ge [sflag:s19], $0x2800  }
0x17b: {  	[sflag:s19] =	ssyncset.done $0x0  }
0x17c: {  	s9 =	rddreg [dreg:$0x10];
	[sflag:s19] =	ssyncadd.s32 $0xFFFFD800  }
0x17d: {  	[tilespmem:s11], [sflag:$0x1] =	stream.indirect.gather [hbm4b:s1+s14], $0x80, s9, s14, $0xb8;
	[tilespmem:$0x1D080] =	vst v63  }
0x17e: {  	_ =	swait.ge [sflag:s20], $0x2800  }
0x17f: {  	[sflag:s20] =	ssyncset.done $0x0  }
0x180: {  	s13 =	rddreg [dreg:$0x11];
	[sflag:s20] =	ssyncadd.s32 $0xFFFFD800  }
0x181: {  	[spmem:s3] =	stream.indirect.scatter.add.f32 [tilespmem:s17], [sflag:$0x6], $0x80, s13, s14, $0xb8;
	[tilespmem:$0x1D080] =	vst v63  }
0x182: {  	_ =	swait.ge [sflag:s21], $0x2800  }
0x183: {  	[sflag:s21] =	ssyncset.done $0x0  }
0x184: {  	s24 =	rddreg [dreg:$0x12];
	[sflag:s21] =	ssyncadd.s32 $0xFFFFD800  }
0x185: {  	[tilespmem:s15], [sflag:$0x2] =	stream.indirect.gather [hbm4b:s1+s14], $0x80, s24, s14, $0xb8;
	[tilespmem:$0x1D080] =	vst v63  }
0x186: {  	_ =	swait.ge [sflag:s16], $0x2800  }
0x187: {  	[sflag:s16] =	ssyncset.done $0x0  }
0x188: {  	s8 =	rddreg [dreg:$0x13];
	[sflag:s16] =	ssyncadd.s32 $0xFFFFD800  }
0x189: {  	[spmem:s3] =	stream.indirect.scatter.add.f32 [tilespmem:s11], [sflag:$0x4], $0x80, s8, s14, $0xb8;
	[tilespmem:$0x1D080] =	vst v63  }
0x18a: {  	_ =	swait.ge [sflag:s22], $0x2800  }
0x18b: {  	[sflag:s22] =	ssyncset.done $0x0  }
0x18c: {  	s9 =	rddreg [dreg:$0x14];
	[sflag:s22] =	ssyncadd.s32 $0xFFFFD800  }
0x18d: {  	[tilespmem:s17], [sflag:$0x3] =	stream.indirect.gather [hbm4b:s1+s14], $0x80, s9, s14, $0xb8;
	[tilespmem:$0x1D080] =	vst v63  }
0x18e: {  	_ =	swait.ge [sflag:s18], $0x2800  }
0x18f: {  	[sflag:s18] =	ssyncset.done $0x0  }
0x190: {  	s13 =	rddreg [dreg:$0x15];
	[sflag:s18] =	ssyncadd.s32 $0xFFFFD800  }
0x191: {  	[spmem:s3] =	stream.indirect.scatter.add.f32 [tilespmem:s15], [sflag:$0x5], $0x80, s13, s14, $0xb8;
	[tilespmem:$0x1D080] =	vst v63  }
0x192: {  	_ =	swait.ge [sflag:s19], $0x2800  }
0x193: {  	[sflag:s19] =	ssyncset.done $0x0  }
0x194: {  	s24 =	rddreg [dreg:$0x16];
	[sflag:s19] =	ssyncadd.s32 $0xFFFFD800  }
0x195: {  	[tilespmem:s11], [sflag:$0x1] =	stream.indirect.gather [hbm4b:s1+s14], $0x80, s24, s14, $0xb8;
	[tilespmem:$0x1D080] =	vst v63  }
0x196: {  	_ =	swait.ge [sflag:s20], $0x2800  }
0x197: {  	[sflag:s20] =	ssyncset.done $0x0  }
0x198: {  	s8 =	rddreg [dreg:$0x17];
	[sflag:s20] =	ssyncadd.s32 $0xFFFFD800  }
0x199: {  	[spmem:s3] =	stream.indirect.scatter.add.f32 [tilespmem:s17], [sflag:$0x6], $0x80, s8, s14, $0xb8;
	[tilespmem:$0x1D080] =	vst v63  }
0x19a: {  	_ =	swait.ge [sflag:s21], $0x2800  }
0x19b: {  	[sflag:s21] =	ssyncset.done $0x0  }
0x19c: {  	s9 =	rddreg [dreg:$0x18];
	[sflag:s21] =	ssyncadd.s32 $0xFFFFD800  }
0x19d: {  	[tilespmem:s15], [sflag:$0x2] =	stream.indirect.gather [hbm4b:s1+s14], $0x80, s9, s14, $0xb8;
	[tilespmem:$0x1D080] =	vst v63  }
0x19e: {  	_ =	swait.ge [sflag:s16], $0x2800  }
0x19f: {  	[sflag:s16] =	ssyncset.done $0x0  }
0x1a0: {  	s13 =	rddreg [dreg:$0x19];
	[sflag:s16] =	ssyncadd.s32 $0xFFFFD800  }
0x1a1: {  	[spmem:s3] =	stream.indirect.scatter.add.f32 [tilespmem:s11], [sflag:$0x4], $0x80, s13, s14, $0xb8;
	[tilespmem:$0x1D080] =	vst v63  }
0x1a2: {  	_ =	swait.ge [sflag:s22], $0x2800  }
0x1a3: {  	[sflag:s22] =	ssyncset.done $0x0  }
0x1a4: {  	s24 =	rddreg [dreg:$0x1a];
	[sflag:s22] =	ssyncadd.s32 $0xFFFFD800  }
0x1a5: {  	[tilespmem:s17], [sflag:$0x3] =	stream.indirect.gather [hbm4b:s1+s14], $0x80, s24, s14, $0xb8;
	[tilespmem:$0x1D080] =	vst v63  }
0x1a6: {  	_ =	swait.ge [sflag:s18], $0x2800  }
0x1a7: {  	[sflag:s18] =	ssyncset.done $0x0  }
0x1a8: {  	s8 =	rddreg [dreg:$0x1b];
	[sflag:s18] =	ssyncadd.s32 $0xFFFFD800  }
0x1a9: {  	[spmem:s3] =	stream.indirect.scatter.add.f32 [tilespmem:s15], [sflag:$0x5], $0x80, s8, s14, $0xb8;
	[tilespmem:$0x1D080] =	vst v63  }
0x1aa: {  	_ =	swait.ge [sflag:s19], $0x2800  }
0x1ab: {  	[sflag:s19] =	ssyncset.done $0x0  }
0x1ac: {  	s9 =	rddreg [dreg:$0x1c];
	[sflag:s19] =	ssyncadd.s32 $0xFFFFD800  }
0x1ad: {  	[tilespmem:s11], [sflag:$0x1] =	stream.indirect.gather [hbm4b:s1+s14], $0x80, s9, s14, $0xb8;
	[tilespmem:$0x1D080] =	vst v63  }
0x1ae: {  	_ =	swait.ge [sflag:s20], $0x2800  }
0x1af: {  	[sflag:s20] =	ssyncset.done $0x0  }
0x1b0: {  	s13 =	rddreg [dreg:$0x1d];
	[sflag:s20] =	ssyncadd.s32 $0xFFFFD800  }
0x1b1: {  	[spmem:s3] =	stream.indirect.scatter.add.f32 [tilespmem:s17], [sflag:$0x6], $0x80, s13, s14, $0xb8;
	[tilespmem:$0x1D080] =	vst v63  }
0x1b2: {  	_ =	swait.ge [sflag:s21], $0x2800  }
0x1b3: {  	[sflag:s21] =	ssyncset.done $0x0  }
0x1b4: {  	s24 =	rddreg [dreg:$0x1e];
	[sflag:s21] =	ssyncadd.s32 $0xFFFFD800  }
0x1b5: {  	[tilespmem:s15], [sflag:$0x2] =	stream.indirect.gather [hbm4b:s1+s14], $0x80, s24, s14, $0xb8;
	[tilespmem:$0x1D080] =	vst v63  }
0x1b6: {  	_ =	swait.ge [sflag:s16], $0x2800  }
0x1b7: {  	[sflag:s16] =	ssyncset.done $0x0  }
0x1b8: {  	s8 =	rddreg [dreg:$0x1f];
	[sflag:s16] =	ssyncadd.s32 $0xFFFFD800  }
0x1b9: {  	[spmem:s3] =	stream.indirect.scatter.add.f32 [tilespmem:s11], [sflag:$0x4], $0x80, s8, s14, $0xb8;
	[tilespmem:$0x1D080] =	vst v63  }
0x1ba: {  	_ =	swait.ge [sflag:s22], $0x2800  }
0x1bb: {  	s9 =	sld [smem:$0x7EC]  }
0x1bc: {  	[sflag:s22] =	ssyncset.done $0x0  }
0x1bd: {  	[sflag:s22] =	ssyncadd.s32 $0xFFFFD800  }
0x1be: {  	[tilespmem:s17], [sflag:$0x3] =	stream.indirect.gather [hbm4b:s1+s14], $0x80, s9, s14, $0xb8;
	[tilespmem:$0x1D080] =	vst v63  }
0x1bf: {  	_ =	swait.ge [sflag:s18], $0x2800  }
0x1c0: {  	s13 =	sld [smem:$0x7ED]  }
0x1c1: {  	[sflag:s18] =	ssyncset.done $0x0  }
0x1c2: {  	[sflag:s18] =	ssyncadd.s32 $0xFFFFD800  }
0x1c3: {  	[spmem:s3] =	stream.indirect.scatter.add.f32 [tilespmem:s15], [sflag:$0x5], $0x80, s13, s14, $0xb8;
	[tilespmem:$0x1D080] =	vst v63  }
0x1c4: {  	_ =	swait.ge [sflag:s19], $0x2800  }
0x1c5: {  	s24 =	sld [smem:$0x7EE]  }
0x1c6: {  	[sflag:s19] =	ssyncset.done $0x0  }
0x1c7: {  	[sflag:s19] =	ssyncadd.s32 $0xFFFFD800  }
0x1c8: {  	[tilespmem:s11], [sflag:$0x1] =	stream.indirect.gather [hbm4b:s1+s14], $0x80, s24, s14, $0xb8;
	[tilespmem:$0x1D080] =	vst v63  }
0x1c9: {  	_ =	swait.ge [sflag:s20], $0x2800  }
0x1ca: {  	s8 =	sld [smem:$0x7EF]  }
0x1cb: {  	[sflag:s20] =	ssyncset.done $0x0  }
0x1cc: {  	[sflag:s20] =	ssyncadd.s32 $0xFFFFD800  }
0x1cd: {  	[spmem:s3] =	stream.indirect.scatter.add.f32 [tilespmem:s17], [sflag:$0x6], $0x80, s8, s14, $0xb8;
	[tilespmem:$0x1D080] =	vst v63  }
0x1ce: {  	_ =	swait.ge [sflag:s21], $0x2800  }
0x1cf: {  	s9 =	sld [smem:$0x7F0]  }
0x1d0: {  	[sflag:s21] =	ssyncset.done $0x0  }
0x1d1: {  	[sflag:s21] =	ssyncadd.s32 $0xFFFFD800  }
0x1d2: {  	[tilespmem:s15], [sflag:$0x2] =	stream.indirect.gather [hbm4b:s1+s14], $0x80, s9, s14, $0xb8;
	[tilespmem:$0x1D080] =	vst v63  }
0x1d3: {  	_ =	swait.ge [sflag:s16], $0x2800  }
0x1d4: {  	s13 =	sld [smem:$0x7F1]  }
0x1d5: {  	[sflag:s16] =	ssyncset.done $0x0  }
0x1d6: {  	[sflag:s16] =	ssyncadd.s32 $0xFFFFD800  }
0x1d7: {  	[spmem:s3] =	stream.indirect.scatter.add.f32 [tilespmem:s11], [sflag:$0x4], $0x80, s13, s14, $0xb8;
	[tilespmem:$0x1D080] =	vst v63  }
0x1d8: {  	_ =	swait.ge [sflag:s22], $0x2800  }
0x1d9: {  	s24 =	sld [smem:$0x7F2]  }
0x1da: {  	[sflag:s22] =	ssyncset.done $0x0  }
0x1db: {  	[sflag:s22] =	ssyncadd.s32 $0xFFFFD800  }
0x1dc: {  	[tilespmem:s17], [sflag:$0x3] =	stream.indirect.gather [hbm4b:s1+s14], $0x80, s24, s14, $0xb8;
	[tilespmem:$0x1D080] =	vst v63  }
0x1dd: {  	_ =	swait.ge [sflag:s18], $0x2800  }
0x1de: {  	s8 =	sld [smem:$0x7F3]  }
0x1df: {  	[sflag:s18] =	ssyncset.done $0x0  }
0x1e0: {  	[sflag:s18] =	ssyncadd.s32 $0xFFFFD800  }
0x1e1: {  	[spmem:s3] =	stream.indirect.scatter.add.f32 [tilespmem:s15], [sflag:$0x5], $0x80, s8, s14, $0xb8;
	[tilespmem:$0x1D080] =	vst v63  }
0x1e2: {  	_ =	swait.ge [sflag:s19], $0x2800  }
0x1e3: {  	s9 =	sld [smem:$0x7F4]  }
0x1e4: {  	[sflag:s19] =	ssyncset.done $0x0  }
0x1e5: {  	[sflag:s19] =	ssyncadd.s32 $0xFFFFD800  }
0x1e6: {  	[tilespmem:s11], [sflag:$0x1] =	stream.indirect.gather [hbm4b:s1+s14], $0x80, s9, s14, $0xb8;
	[tilespmem:$0x1D080] =	vst v63  }
0x1e7: {  	_ =	swait.ge [sflag:s20], $0x2800  }
0x1e8: {  	s13 =	sld [smem:$0x7F5]  }
0x1e9: {  	[sflag:s20] =	ssyncset.done $0x0  }
0x1ea: {  	[sflag:s20] =	ssyncadd.s32 $0xFFFFD800  }
0x1eb: {  	[spmem:s3] =	stream.indirect.scatter.add.f32 [tilespmem:s17], [sflag:$0x6], $0x80, s13, s14, $0xb8;
	[tilespmem:$0x1D080] =	vst v63  }
0x1ec: {  	_ =	swait.ge [sflag:s21], $0x2800  }
0x1ed: {  	s24 =	sld [smem:$0x7F6]  }
0x1ee: {  	[sflag:s21] =	ssyncset.done $0x0  }
0x1ef: {  	[sflag:s21] =	ssyncadd.s32 $0xFFFFD800  }
0x1f0: {  	[tilespmem:s15], [sflag:$0x2] =	stream.indirect.gather [hbm4b:s1+s14], $0x80, s24, s14, $0xb8;
	[tilespmem:$0x1D080] =	vst v63  }
0x1f1: {  	_ =	swait.ge [sflag:s16], $0x2800  }
0x1f2: {  	s8 =	sld [smem:$0x7F7]  }
0x1f3: {  	[sflag:s16] =	ssyncset.done $0x0  }
0x1f4: {  	[sflag:s16] =	ssyncadd.s32 $0xFFFFD800  }
0x1f5: {  	[spmem:s3] =	stream.indirect.scatter.add.f32 [tilespmem:s11], [sflag:$0x4], $0x80, s8, s14, $0xb8;
	[tilespmem:$0x1D080] =	vst v63  }
0x1f6: {  	_ =	swait.ge [sflag:s22], $0x2800  }
0x1f7: {  	s9 =	sld [smem:$0x7F8]  }
0x1f8: {  	[sflag:s22] =	ssyncset.done $0x0  }
0x1f9: {  	[sflag:s22] =	ssyncadd.s32 $0xFFFFD800  }
0x1fa: {  	[tilespmem:s17], [sflag:$0x3] =	stream.indirect.gather [hbm4b:s1+s14], $0x80, s9, s14, $0xb8;
	[tilespmem:$0x1D080] =	vst v63  }
0x1fb: {  	_ =	swait.ge [sflag:s18], $0x2800  }
0x1fc: {  	s13 =	sld [smem:$0x7F9]  }
0x1fd: {  	[sflag:s18] =	ssyncset.done $0x0  }
0x1fe: {  	[sflag:s18] =	ssyncadd.s32 $0xFFFFD800  }
0x1ff: {  	[spmem:s3] =	stream.indirect.scatter.add.f32 [tilespmem:s15], [sflag:$0x5], $0x80, s13, s14, $0xb8;
	[tilespmem:$0x1D080] =	vst v63  }
0x200: {  	_ =	swait.ge [sflag:s19], $0x2800  }
0x201: {  	s24 =	sld [smem:$0x7FA]  }
0x202: {  	[sflag:s19] =	ssyncset.done $0x0  }
0x203: {  	[sflag:s19] =	ssyncadd.s32 $0xFFFFD800  }
0x204: {  	[tilespmem:s11], [sflag:$0x1] =	stream.indirect.gather [hbm4b:s1+s14], $0x80, s24, s14, $0xb8;
	[tilespmem:$0x1D080] =	vst v63  }
0x205: {  	_ =	swait.ge [sflag:s20], $0x2800  }
0x206: {  	[sflag:s20] =	ssyncset.done $0x0  }
0x207: {  	[sflag:s20] =	ssyncadd.s32 $0xFFFFD800  }
0x208: {  	[spmem:s3] =	stream.indirect.scatter.add.f32 [tilespmem:s17], [sflag:$0x6], $0x80, s23, s14, $0xb8;
	[tilespmem:$0x1D080] =	vst v63  }
0x209: {  	_ =	swait.ge [sflag:s21], $0x2800  }
0x20a: {  	[sflag:s21] =	ssyncset.done $0x0  }
0x20b: {  	[sflag:s21] =	ssyncadd.s32 $0xFFFFD800  }
0x20c: {  	[tilespmem:s15], [sflag:$0x2] =	stream.indirect.gather [hbm4b:s1+s14], $0x80, s25, s14, $0xb8;
	[tilespmem:$0x1D080] =	vst v63  }
0x20d: {  	_ =	swait.ge [sflag:s16], $0x2800  }
0x20e: {  	[sflag:s16] =	ssyncset.done $0x0  }
0x20f: {  	[sflag:s16] =	ssyncadd.s32 $0xFFFFD800  }
0x210: {  	[spmem:s3] =	stream.indirect.scatter.add.f32 [tilespmem:s11], [sflag:$0x4], $0x80, s26, s14, $0xb8;
	[tilespmem:$0x1D080] =	vst v63  }
0x211: {  	_ =	swait.ge [sflag:s22], $0x2800  }
0x212: {  	[sflag:s22] =	ssyncset.done $0x0  }
0x213: {  	[sflag:s22] =	ssyncadd.s32 $0xFFFFD800  }
0x214: {  	[tilespmem:s17], [sflag:$0x3] =	stream.indirect.gather [hbm4b:s1+s14], $0x80, s28, s14, $0xb8;
	[tilespmem:$0x1D080] =	vst v63  }
0x215: {  	_ =	swait.ge [sflag:s18], $0x2800  }
0x216: {  	[sflag:s18] =	ssyncset.done $0x0  }
0x217: {  	[sflag:s18] =	ssyncadd.s32 $0xFFFFD800  }
0x218: {  	[spmem:s3] =	stream.indirect.scatter.add.f32 [tilespmem:s15], [sflag:$0x5], $0x80, s29, s14, $0xb8;
	[tilespmem:$0x1D080] =	vst v63  }
0x219: {  	_ =	swait.ge [sflag:s19], $0x2800  }
0x21a: {  	[sflag:s19] =	ssyncset.done $0x0  }
0x21b: {  	s6 =	sadd.s32 $0x200, s6;
	[sflag:s19] =	ssyncadd.s32 $0xFFFFD800  }
0x21c: {  	[tilespmem:s11], [sflag:$0x1] =	stream.indirect.gather [hbm4b:s1+s14], $0x80, s30, s14, $0xb8;
	[tilespmem:$0x1D080] =	vst v63  }
0x21d: {  	p1 =	sne.s32 s6, $0xA00;
	_ =	swait.ge [sflag:s20], $0x2800  }
.Ltmp5:
0x21e: {  	[sflag:s20] =	ssyncset.done $0x0;
	(pc) =	sbr.rel @p1 .LBB2_8-.Ltmp5, $4  }
0x21f: {  	[sflag:s20] =	ssyncadd.s32 $0xFFFFD800  }
0x220: {  	[spmem:s3] =	stream.indirect.scatter.add.f32 [tilespmem:s17], [sflag:$0x6], $0x80, s31, s14, $0xb8;
	[tilespmem:$0x1D080] =	vst v63  }
0x221: {  	_ =	swait.ge [sflag:s16], $0x2800  }
0x222: {  	p2 =	seq.s32 s5, $0x0;
	[sflag:s16] =	ssyncset.done $0x0  }
0x223: {  	s6 =	simm.s32 @!p2 $0x5;
	[sflag:s16] =	ssyncadd.s32 $0xFFFFD800  }
0x224: {  	[spmem:s3] =	stream.indirect.scatter.add.f32 [tilespmem:s11], [sflag:$0x4], $0x80, s2, s14, $0xb8;
	[tilespmem:$0x1D080] =	vst v63  }
0x225: {  	_ =	swait.ge @!p2 [sflag:s6], $0x2800  }
0x226: {  	[sflag:s6] =	ssyncset.done @!p2 $0x0  }
0x227: {  	[sflag:s6] =	ssyncadd.s32 @!p2 $0xFFFFD800;
	s6 =	simm.s32 @!p2 $0x6  }
0x228: {  	_ =	swait.ge @!p2 [sflag:s6], $0x2800  }
0x229: {  	[sflag:s6] =	ssyncset.done @!p2 $0x0  }
0x22a: {  	[sflag:s6] =	ssyncadd.s32 @!p2 $0xFFFFD800;
	s6 =	simm.s32 @!p2 $0x4  }
0x22b: {  	_ =	swait.ge @!p2 [sflag:s6], $0x2800  }
0x22c: {  	s8 =	simm.s32 @!p2 $0x9;
	s7 =	rddreg [dreg:$0x6];
	[sflag:s6] =	ssyncset.done @!p2 $0x0  }
0x22d: {  	[sflag:s6] =	ssyncadd.s32 @!p2 $0xFFFFD800;
	s6 =	sadd.s32 @!p2 s5, s7;
	s7 =	simm.s32 @!p2 $0x0  }
0x22e: {  	[tilespmem:s7], [sflag:$0x9] =	stream.linear.gather @!p2 [hbm4b:s6+s7], $0xC80, $0x38;
	[tilespmem:$0x1D080] =	vst v63  }
0x22f: {  	_ =	swait.ge @!p2 [sflag:s8], $0xC80  }
0x230: {  	s6 =	rddreg [dreg:$0x5];
	[sflag:s8] =	ssyncset.done @!p2 $0x0  }
0x231: {  	[sflag:s8] =	ssyncadd.s32 @!p2 $0xFFFFF380;
	s5 =	sadd.s32 @!p2 s5, s6;
	s6 =	simm.s32 @!p2 $0x1000  }
0x232: {  	[tilespmem:s6], [sflag:$0x9] =	stream.linear.gather @!p2 [hbm4b:s5+s7], $0xC80, $0x38;
	[tilespmem:$0x1D080] =	vst v63  }
0x233: {  	_ =	swait.ge @!p2 [sflag:s8], $0xC80  }
0x234: {  	[sflag:s8] =	ssyncset.done @!p2 $0x0  }
0x235: {  	[sflag:s8] =	ssyncadd.s32 @!p2 $0xFFFFF380  }
0x236: {  	[tilespmem:s11], [sflag:$0x1] =	stream.indirect.gather [hbm4b:s1+s14], $0x80, s4, s14, $0xb8;
	[tilespmem:$0x1D080] =	vst v63  }
0x237: {  	s13 =	rddreg [dreg:$0x7]  }
0x238: {  	[tilespmem:s15], [sflag:$0x2] =	stream.indirect.gather [hbm4b:s1+s14], $0x80, s13, s14, $0xb8;
	[tilespmem:$0x1D080] =	vst v63  }
0x239: {  	_ =	swait.ge [sflag:s16], $0x2800  }
0x23a: {  	[sflag:s16] =	ssyncset.done $0x0  }
0x23b: {  	[sflag:s16] =	ssyncadd.s32 $0xFFFFD800  }
0x23c: {  	[spmem:s3] =	stream.indirect.scatter.add.f32 [tilespmem:s11], [sflag:$0x4], $0x80, s10, s14, $0xb8;
	[tilespmem:$0x1D080] =	vst v63  }
0x23d: {  	s24 =	rddreg [dreg:$0x8]  }
0x23e: {  	[tilespmem:s17], [sflag:$0x3] =	stream.indirect.gather [hbm4b:s1+s14], $0x80, s24, s14, $0xb8;
	[tilespmem:$0x1D080] =	vst v63  }
0x23f: {  	_ =	swait.ge [sflag:s18], $0x2800  }
0x240: {  	[sflag:s18] =	ssyncset.done $0x0  }
0x241: {  	s6 =	rddreg [dreg:$0x9];
	[sflag:s18] =	ssyncadd.s32 $0xFFFFD800  }
0x242: {  	[spmem:s3] =	stream.indirect.scatter.add.f32 [tilespmem:s15], [sflag:$0x5], $0x80, s6, s14, $0xb8;
	[tilespmem:$0x1D080] =	vst v63  }
0x243: {  	_ =	swait.ge [sflag:s19], $0x2800  }
0x244: {  	[sflag:s19] =	ssyncset.done $0x0  }
0x245: {  	s7 =	rddreg [dreg:$0xa];
	[sflag:s19] =	ssyncadd.s32 $0xFFFFD800  }
0x246: {  	[tilespmem:s11], [sflag:$0x1] =	stream.indirect.gather [hbm4b:s1+s14], $0x80, s7, s14, $0xb8;
	[tilespmem:$0x1D080] =	vst v63  }
0x247: {  	_ =	swait.ge [sflag:s20], $0x2800  }
0x248: {  	[sflag:s20] =	ssyncset.done $0x0  }
0x249: {  	s8 =	rddreg [dreg:$0xb];
	[sflag:s20] =	ssyncadd.s32 $0xFFFFD800  }
0x24a: {  	[spmem:s3] =	stream.indirect.scatter.add.f32 [tilespmem:s17], [sflag:$0x6], $0x80, s8, s14, $0xb8;
	[tilespmem:$0x1D080] =	vst v63  }
0x24b: {  	_ =	swait.ge [sflag:s21], $0x2800  }
0x24c: {  	[sflag:s21] =	ssyncset.done $0x0  }
0x24d: {  	s9 =	rddreg [dreg:$0xc];
	[sflag:s21] =	ssyncadd.s32 $0xFFFFD800  }
0x24e: {  	[tilespmem:s15], [sflag:$0x2] =	stream.indirect.gather [hbm4b:s1+s14], $0x80, s9, s14, $0xb8;
	[tilespmem:$0x1D080] =	vst v63  }
0x24f: {  	_ =	swait.ge [sflag:s16], $0x2800  }
0x250: {  	[sflag:s16] =	ssyncset.done $0x0  }
0x251: {  	s13 =	rddreg [dreg:$0xd];
	[sflag:s16] =	ssyncadd.s32 $0xFFFFD800  }
0x252: {  	[spmem:s3] =	stream.indirect.scatter.add.f32 [tilespmem:s11], [sflag:$0x4], $0x80, s13, s14, $0xb8;
	[tilespmem:$0x1D080] =	vst v63  }
0x253: {  	_ =	swait.ge [sflag:s22], $0x2800  }
0x254: {  	[sflag:s22] =	ssyncset.done $0x0  }
0x255: {  	s24 =	rddreg [dreg:$0xe];
	[sflag:s22] =	ssyncadd.s32 $0xFFFFD800  }
0x256: {  	[tilespmem:s17], [sflag:$0x3] =	stream.indirect.gather [hbm4b:s1+s14], $0x80, s24, s14, $0xb8;
	[tilespmem:$0x1D080] =	vst v63  }
0x257: {  	_ =	swait.ge [sflag:s18], $0x2800  }
0x258: {  	[sflag:s18] =	ssyncset.done $0x0  }
0x259: {  	s6 =	rddreg [dreg:$0xf];
	[sflag:s18] =	ssyncadd.s32 $0xFFFFD800  }
0x25a: {  	[spmem:s3] =	stream.indirect.scatter.add.f32 [tilespmem:s15], [sflag:$0x5], $0x80, s6, s14, $0xb8;
	[tilespmem:$0x1D080] =	vst v63  }
0x25b: {  	_ =	swait.ge [sflag:s19], $0x2800  }
0x25c: {  	[sflag:s19] =	ssyncset.done $0x0  }
0x25d: {  	s7 =	rddreg [dreg:$0x10];
	[sflag:s19] =	ssyncadd.s32 $0xFFFFD800  }
0x25e: {  	[tilespmem:s11], [sflag:$0x1] =	stream.indirect.gather [hbm4b:s1+s14], $0x80, s7, s14, $0xb8;
	[tilespmem:$0x1D080] =	vst v63  }
0x25f: {  	_ =	swait.ge [sflag:s20], $0x2800  }
0x260: {  	[sflag:s20] =	ssyncset.done $0x0  }
0x261: {  	s8 =	rddreg [dreg:$0x11];
	[sflag:s20] =	ssyncadd.s32 $0xFFFFD800  }
0x262: {  	[spmem:s3] =	stream.indirect.scatter.add.f32 [tilespmem:s17], [sflag:$0x6], $0x80, s8, s14, $0xb8;
	[tilespmem:$0x1D080] =	vst v63  }
0x263: {  	_ =	swait.ge [sflag:s21], $0x2800  }
0x264: {  	[sflag:s21] =	ssyncset.done $0x0  }
0x265: {  	s9 =	rddreg [dreg:$0x12];
	[sflag:s21] =	ssyncadd.s32 $0xFFFFD800  }
0x266: {  	[tilespmem:s15], [sflag:$0x2] =	stream.indirect.gather [hbm4b:s1+s14], $0x80, s9, s14, $0xb8;
	[tilespmem:$0x1D080] =	vst v63  }
0x267: {  	_ =	swait.ge [sflag:s16], $0x2800  }
0x268: {  	[sflag:s16] =	ssyncset.done $0x0  }
0x269: {  	s13 =	rddreg [dreg:$0x13];
	[sflag:s16] =	ssyncadd.s32 $0xFFFFD800  }
0x26a: {  	[spmem:s3] =	stream.indirect.scatter.add.f32 [tilespmem:s11], [sflag:$0x4], $0x80, s13, s14, $0xb8;
	[tilespmem:$0x1D080] =	vst v63  }
0x26b: {  	_ =	swait.ge [sflag:s22], $0x2800  }
0x26c: {  	[sflag:s22] =	ssyncset.done $0x0  }
0x26d: {  	s24 =	rddreg [dreg:$0x14];
	[sflag:s22] =	ssyncadd.s32 $0xFFFFD800  }
0x26e: {  	[tilespmem:s17], [sflag:$0x3] =	stream.indirect.gather [hbm4b:s1+s14], $0x80, s24, s14, $0xb8;
	[tilespmem:$0x1D080] =	vst v63  }
0x26f: {  	_ =	swait.ge [sflag:s18], $0x2800  }
0x270: {  	[sflag:s18] =	ssyncset.done $0x0  }
0x271: {  	s6 =	rddreg [dreg:$0x15];
	[sflag:s18] =	ssyncadd.s32 $0xFFFFD800  }
0x272: {  	[spmem:s3] =	stream.indirect.scatter.add.f32 [tilespmem:s15], [sflag:$0x5], $0x80, s6, s14, $0xb8;
	[tilespmem:$0x1D080] =	vst v63  }
0x273: {  	_ =	swait.ge [sflag:s19], $0x2800  }
0x274: {  	[sflag:s19] =	ssyncset.done $0x0  }
0x275: {  	s7 =	rddreg [dreg:$0x16];
	[sflag:s19] =	ssyncadd.s32 $0xFFFFD800  }
0x276: {  	[tilespmem:s11], [sflag:$0x1] =	stream.indirect.gather [hbm4b:s1+s14], $0x80, s7, s14, $0xb8;
	[tilespmem:$0x1D080] =	vst v63  }
0x277: {  	_ =	swait.ge [sflag:s20], $0x2800  }
0x278: {  	[sflag:s20] =	ssyncset.done $0x0  }
0x279: {  	s8 =	rddreg [dreg:$0x17];
	[sflag:s20] =	ssyncadd.s32 $0xFFFFD800  }
0x27a: {  	[spmem:s3] =	stream.indirect.scatter.add.f32 [tilespmem:s17], [sflag:$0x6], $0x80, s8, s14, $0xb8;
	[tilespmem:$0x1D080] =	vst v63  }
0x27b: {  	_ =	swait.ge [sflag:s21], $0x2800  }
0x27c: {  	[sflag:s21] =	ssyncset.done $0x0  }
0x27d: {  	s9 =	rddreg [dreg:$0x18];
	[sflag:s21] =	ssyncadd.s32 $0xFFFFD800  }
0x27e: {  	[tilespmem:s15], [sflag:$0x2] =	stream.indirect.gather [hbm4b:s1+s14], $0x80, s9, s14, $0xb8;
	[tilespmem:$0x1D080] =	vst v63  }
0x27f: {  	_ =	swait.ge [sflag:s16], $0x2800  }
0x280: {  	[sflag:s16] =	ssyncset.done $0x0  }
0x281: {  	s13 =	rddreg [dreg:$0x19];
	[sflag:s16] =	ssyncadd.s32 $0xFFFFD800  }
0x282: {  	[spmem:s3] =	stream.indirect.scatter.add.f32 [tilespmem:s11], [sflag:$0x4], $0x80, s13, s14, $0xb8;
	[tilespmem:$0x1D080] =	vst v63  }
0x283: {  	_ =	swait.ge [sflag:s22], $0x2800  }
0x284: {  	[sflag:s22] =	ssyncset.done $0x0  }
0x285: {  	s24 =	rddreg [dreg:$0x1a];
	[sflag:s22] =	ssyncadd.s32 $0xFFFFD800  }
0x286: {  	[tilespmem:s17], [sflag:$0x3] =	stream.indirect.gather [hbm4b:s1+s14], $0x80, s24, s14, $0xb8;
	[tilespmem:$0x1D080] =	vst v63  }
0x287: {  	_ =	swait.ge [sflag:s18], $0x2800  }
0x288: {  	[sflag:s18] =	ssyncset.done $0x0  }
0x289: {  	s6 =	rddreg [dreg:$0x1b];
	[sflag:s18] =	ssyncadd.s32 $0xFFFFD800  }
0x28a: {  	[spmem:s3] =	stream.indirect.scatter.add.f32 [tilespmem:s15], [sflag:$0x5], $0x80, s6, s14, $0xb8;
	[tilespmem:$0x1D080] =	vst v63  }
0x28b: {  	_ =	swait.ge [sflag:s19], $0x2800  }
0x28c: {  	[sflag:s19] =	ssyncset.done $0x0  }
0x28d: {  	s7 =	rddreg [dreg:$0x1c];
	[sflag:s19] =	ssyncadd.s32 $0xFFFFD800  }
0x28e: {  	[tilespmem:s11], [sflag:$0x1] =	stream.indirect.gather [hbm4b:s1+s14], $0x80, s7, s14, $0xb8;
	[tilespmem:$0x1D080] =	vst v63  }
0x28f: {  	_ =	swait.ge [sflag:s20], $0x2800  }
0x290: {  	[sflag:s20] =	ssyncset.done $0x0  }
0x291: {  	s8 =	rddreg [dreg:$0x1d];
	[sflag:s20] =	ssyncadd.s32 $0xFFFFD800  }
0x292: {  	[spmem:s3] =	stream.indirect.scatter.add.f32 [tilespmem:s17], [sflag:$0x6], $0x80, s8, s14, $0xb8;
	[tilespmem:$0x1D080] =	vst v63  }
0x293: {  	_ =	swait.ge [sflag:s21], $0x2800  }
0x294: {  	[sflag:s21] =	ssyncset.done $0x0  }
0x295: {  	s9 =	rddreg [dreg:$0x1e];
	[sflag:s21] =	ssyncadd.s32 $0xFFFFD800  }
0x296: {  	[tilespmem:s15], [sflag:$0x2] =	stream.indirect.gather [hbm4b:s1+s14], $0x80, s9, s14, $0xb8;
	[tilespmem:$0x1D080] =	vst v63  }
0x297: {  	_ =	swait.ge [sflag:s16], $0x2800  }
0x298: {  	[sflag:s16] =	ssyncset.done $0x0  }
0x299: {  	s13 =	rddreg [dreg:$0x1f];
	[sflag:s16] =	ssyncadd.s32 $0xFFFFD800  }
0x29a: {  	[spmem:s3] =	stream.indirect.scatter.add.f32 [tilespmem:s11], [sflag:$0x4], $0x80, s13, s14, $0xb8;
	[tilespmem:$0x1D080] =	vst v63  }
0x29b: {  	_ =	swait.ge [sflag:s22], $0x2800  }
0x29c: {  	s24 =	sld [smem:$0x7EC]  }
0x29d: {  	[sflag:s22] =	ssyncset.done $0x0  }
0x29e: {  	[sflag:s22] =	ssyncadd.s32 $0xFFFFD800  }
0x29f: {  	[tilespmem:s17], [sflag:$0x3] =	stream.indirect.gather [hbm4b:s1+s14], $0x80, s24, s14, $0xb8;
	[tilespmem:$0x1D080] =	vst v63  }
0x2a0: {  	_ =	swait.ge [sflag:s18], $0x2800  }
0x2a1: {  	s6 =	sld [smem:$0x7ED]  }
0x2a2: {  	[sflag:s18] =	ssyncset.done $0x0  }
0x2a3: {  	[sflag:s18] =	ssyncadd.s32 $0xFFFFD800  }
0x2a4: {  	[spmem:s3] =	stream.indirect.scatter.add.f32 [tilespmem:s15], [sflag:$0x5], $0x80, s6, s14, $0xb8;
	[tilespmem:$0x1D080] =	vst v63  }
0x2a5: {  	_ =	swait.ge [sflag:s19], $0x2800  }
0x2a6: {  	s7 =	sld [smem:$0x7EE]  }
0x2a7: {  	[sflag:s19] =	ssyncset.done $0x0  }
0x2a8: {  	[sflag:s19] =	ssyncadd.s32 $0xFFFFD800  }
0x2a9: {  	[tilespmem:s11], [sflag:$0x1] =	stream.indirect.gather [hbm4b:s1+s14], $0x80, s7, s14, $0xb8;
	[tilespmem:$0x1D080] =	vst v63  }
0x2aa: {  	_ =	swait.ge [sflag:s20], $0x2800  }
0x2ab: {  	s8 =	sld [smem:$0x7EF]  }
0x2ac: {  	[sflag:s20] =	ssyncset.done $0x0  }
0x2ad: {  	[sflag:s20] =	ssyncadd.s32 $0xFFFFD800  }
0x2ae: {  	[spmem:s3] =	stream.indirect.scatter.add.f32 [tilespmem:s17], [sflag:$0x6], $0x80, s8, s14, $0xb8;
	[tilespmem:$0x1D080] =	vst v63  }
0x2af: {  	_ =	swait.ge [sflag:s21], $0x2800  }
0x2b0: {  	s9 =	sld [smem:$0x7F0]  }
0x2b1: {  	[sflag:s21] =	ssyncset.done $0x0  }
0x2b2: {  	[sflag:s21] =	ssyncadd.s32 $0xFFFFD800  }
0x2b3: {  	[tilespmem:s15], [sflag:$0x2] =	stream.indirect.gather [hbm4b:s1+s14], $0x80, s9, s14, $0xb8;
	[tilespmem:$0x1D080] =	vst v63  }
0x2b4: {  	_ =	swait.ge [sflag:s16], $0x2800  }
0x2b5: {  	s13 =	sld [smem:$0x7F1]  }
0x2b6: {  	[sflag:s16] =	ssyncset.done $0x0  }
0x2b7: {  	[sflag:s16] =	ssyncadd.s32 $0xFFFFD800  }
0x2b8: {  	[spmem:s3] =	stream.indirect.scatter.add.f32 [tilespmem:s11], [sflag:$0x4], $0x80, s13, s14, $0xb8;
	[tilespmem:$0x1D080] =	vst v63  }
0x2b9: {  	_ =	swait.ge [sflag:s22], $0x2800  }
0x2ba: {  	s24 =	sld [smem:$0x7F2]  }
0x2bb: {  	[sflag:s22] =	ssyncset.done $0x0  }
0x2bc: {  	[sflag:s22] =	ssyncadd.s32 $0xFFFFD800  }
0x2bd: {  	[tilespmem:s17], [sflag:$0x3] =	stream.indirect.gather [hbm4b:s1+s14], $0x80, s24, s14, $0xb8;
	[tilespmem:$0x1D080] =	vst v63  }
0x2be: {  	_ =	swait.ge [sflag:s18], $0x2800  }
0x2bf: {  	s6 =	sld [smem:$0x7F3]  }
0x2c0: {  	[sflag:s18] =	ssyncset.done $0x0  }
0x2c1: {  	[sflag:s18] =	ssyncadd.s32 $0xFFFFD800  }
0x2c2: {  	[spmem:s3] =	stream.indirect.scatter.add.f32 [tilespmem:s15], [sflag:$0x5], $0x80, s6, s14, $0xb8;
	[tilespmem:$0x1D080] =	vst v63  }
0x2c3: {  	_ =	swait.ge [sflag:s19], $0x2800  }
0x2c4: {  	s7 =	sld [smem:$0x7F4]  }
0x2c5: {  	[sflag:s19] =	ssyncset.done $0x0  }
0x2c6: {  	[sflag:s19] =	ssyncadd.s32 $0xFFFFD800  }
0x2c7: {  	[tilespmem:s11], [sflag:$0x1] =	stream.indirect.gather [hbm4b:s1+s14], $0x80, s7, s14, $0xb8;
	[tilespmem:$0x1D080] =	vst v63  }
0x2c8: {  	_ =	swait.ge [sflag:s20], $0x2800  }
0x2c9: {  	s8 =	sld [smem:$0x7F5]  }
0x2ca: {  	[sflag:s20] =	ssyncset.done $0x0  }
0x2cb: {  	[sflag:s20] =	ssyncadd.s32 $0xFFFFD800  }
0x2cc: {  	[spmem:s3] =	stream.indirect.scatter.add.f32 [tilespmem:s17], [sflag:$0x6], $0x80, s8, s14, $0xb8;
	[tilespmem:$0x1D080] =	vst v63  }
0x2cd: {  	_ =	swait.ge [sflag:s21], $0x2800  }
0x2ce: {  	s9 =	sld [smem:$0x7F6]  }
0x2cf: {  	[sflag:s21] =	ssyncset.done $0x0  }
0x2d0: {  	[sflag:s21] =	ssyncadd.s32 $0xFFFFD800  }
0x2d1: {  	[tilespmem:s15], [sflag:$0x2] =	stream.indirect.gather [hbm4b:s1+s14], $0x80, s9, s14, $0xb8;
	[tilespmem:$0x1D080] =	vst v63  }
0x2d2: {  	_ =	swait.ge [sflag:s16], $0x2800  }
0x2d3: {  	s13 =	sld [smem:$0x7F7]  }
0x2d4: {  	[sflag:s16] =	ssyncset.done $0x0  }
0x2d5: {  	[sflag:s16] =	ssyncadd.s32 $0xFFFFD800  }
0x2d6: {  	[spmem:s3] =	stream.indirect.scatter.add.f32 [tilespmem:s11], [sflag:$0x4], $0x80, s13, s14, $0xb8;
	[tilespmem:$0x1D080] =	vst v63  }
0x2d7: {  	_ =	swait.ge [sflag:s22], $0x2800  }
0x2d8: {  	s24 =	sld [smem:$0x7F8]  }
0x2d9: {  	[sflag:s22] =	ssyncset.done $0x0  }
0x2da: {  	[sflag:s22] =	ssyncadd.s32 $0xFFFFD800  }
0x2db: {  	[tilespmem:s17], [sflag:$0x3] =	stream.indirect.gather [hbm4b:s1+s14], $0x80, s24, s14, $0xb8;
	[tilespmem:$0x1D080] =	vst v63  }
0x2dc: {  	_ =	swait.ge [sflag:s18], $0x2800  }
0x2dd: {  	s6 =	sld [smem:$0x7F9]  }
0x2de: {  	[sflag:s18] =	ssyncset.done $0x0  }
0x2df: {  	[sflag:s18] =	ssyncadd.s32 $0xFFFFD800  }
0x2e0: {  	[spmem:s3] =	stream.indirect.scatter.add.f32 [tilespmem:s15], [sflag:$0x5], $0x80, s6, s14, $0xb8;
	[tilespmem:$0x1D080] =	vst v63  }
0x2e1: {  	_ =	swait.ge [sflag:s19], $0x2800  }
0x2e2: {  	s7 =	sld [smem:$0x7FA]  }
0x2e3: {  	[sflag:s19] =	ssyncset.done $0x0  }
0x2e4: {  	[sflag:s19] =	ssyncadd.s32 $0xFFFFD800  }
0x2e5: {  	[tilespmem:s11], [sflag:$0x1] =	stream.indirect.gather [hbm4b:s1+s14], $0x80, s7, s14, $0xb8;
	[tilespmem:$0x1D080] =	vst v63  }
0x2e6: {  	_ =	swait.ge [sflag:s20], $0x2800  }
0x2e7: {  	[sflag:s20] =	ssyncset.done $0x0  }
0x2e8: {  	[sflag:s20] =	ssyncadd.s32 $0xFFFFD800  }
0x2e9: {  	[spmem:s3] =	stream.indirect.scatter.add.f32 [tilespmem:s17], [sflag:$0x6], $0x80, s23, s14, $0xb8;
	[tilespmem:$0x1D080] =	vst v63  }
0x2ea: {  	_ =	swait.ge [sflag:s21], $0x2800  }
0x2eb: {  	[sflag:s21] =	ssyncset.done $0x0  }
0x2ec: {  	[sflag:s21] =	ssyncadd.s32 $0xFFFFD800  }
0x2ed: {  	[tilespmem:s15], [sflag:$0x2] =	stream.indirect.gather [hbm4b:s1+s14], $0x80, s25, s14, $0xb8;
	[tilespmem:$0x1D080] =	vst v63  }
0x2ee: {  	_ =	swait.ge [sflag:s16], $0x2800  }
0x2ef: {  	[sflag:s16] =	ssyncset.done $0x0  }
0x2f0: {  	[sflag:s16] =	ssyncadd.s32 $0xFFFFD800  }
0x2f1: {  	[spmem:s3] =	stream.indirect.scatter.add.f32 [tilespmem:s11], [sflag:$0x4], $0x80, s26, s14, $0xb8;
	[tilespmem:$0x1D080] =	vst v63  }
0x2f2: {  	_ =	swait.ge [sflag:s22], $0x2800  }
0x2f3: {  	[sflag:s22] =	ssyncset.done $0x0  }
0x2f4: {  	[sflag:s22] =	ssyncadd.s32 $0xFFFFD800  }
0x2f5: {  	[tilespmem:s17], [sflag:$0x3] =	stream.indirect.gather [hbm4b:s1+s14], $0x80, s28, s14, $0xb8;
	[tilespmem:$0x1D080] =	vst v63  }
0x2f6: {  	_ =	swait.ge [sflag:s18], $0x2800  }
0x2f7: {  	[sflag:s18] =	ssyncset.done $0x0  }
0x2f8: {  	[sflag:s18] =	ssyncadd.s32 $0xFFFFD800  }
0x2f9: {  	[spmem:s3] =	stream.indirect.scatter.add.f32 [tilespmem:s15], [sflag:$0x5], $0x80, s29, s14, $0xb8;
	[tilespmem:$0x1D080] =	vst v63  }
0x2fa: {  	_ =	swait.ge [sflag:s19], $0x2800  }
0x2fb: {  	[sflag:s19] =	ssyncset.done $0x0  }
0x2fc: {  	[sflag:s19] =	ssyncadd.s32 $0xFFFFD800  }
0x2fd: {  	[tilespmem:s11], [sflag:$0x1] =	stream.indirect.gather [hbm4b:s1+s14], $0x80, s30, s14, $0xb8;
	[tilespmem:$0x1D080] =	vst v63  }
0x2fe: {  	_ =	swait.ge [sflag:s20], $0x2800  }
0x2ff: {  	[sflag:s20] =	ssyncset.done $0x0  }
0x300: {  	[sflag:s20] =	ssyncadd.s32 $0xFFFFD800  }
0x301: {  	[spmem:s3] =	stream.indirect.scatter.add.f32 [tilespmem:s17], [sflag:$0x6], $0x80, s31, s14, $0xb8;
	[tilespmem:$0x1D080] =	vst v63  }
0x302: {  	_ =	swait.ge [sflag:s16], $0x2800  }
0x303: {  	[sflag:s16] =	ssyncset.done $0x0  }
0x304: {  	[sflag:s16] =	ssyncadd.s32 $0xFFFFD800  }
0x305: {  	[spmem:s3] =	stream.indirect.scatter.add.f32 [tilespmem:s11], [sflag:$0x4], $0x80, s2, s14, $0xb8;
	[tilespmem:$0x1D080] =	vst v63  }
0x306: {  	_ =	swait.ge [sflag:s21], $0x2800  }
0x307: {  	[sflag:s21] =	ssyncset.done $0x0  }
0x308: {  	[sflag:s21] =	ssyncadd.s32 $0xFFFFD800  }
0x309: {  	_ =	swait.ge [sflag:s22], $0x2800  }
0x30a: {  	[sflag:s22] =	ssyncset.done $0x0  }
0x30b: {  	[sflag:s22] =	ssyncadd.s32 $0xFFFFD800  }
0x30c: {  	_ =	swait.ge [sflag:s19], $0x2800  }
0x30d: {  	[sflag:s19] =	ssyncset.done $0x0  }
0x30e: {  	[sflag:s19] =	ssyncadd.s32 $0xFFFFD800  }
0x30f: {  	[bflag:$0x0] =	sbarrier.arrive $0xFFFF  }
0x310: {  	s13 =	sld [smem:$0x7FD]  }
0x311: {  	s8 =	stileid.u32;
	s24 =	sld [smem:$0x7FB]  }
0x312: {  	s5 =	sshll.u32 s8, $0x6  }
0x313: {  	s5 =	sor.u32 $0x1C08, s5;
	s9 =	sshrl.u32 s13, $0x3  }
0x314: {  	[hbm:s24], [sflag:s5] =	dma.local [spmem:s9], $0x500  }
.Ltmp6:
0x315: {  	_ = 	snop;
	(pc) =	sbr.rel @!p0 .LBB2_11-.Ltmp6, $2  }
0x316: {  	s9 =	sld [smem:$0x7FC];
	_ =	sdelay $0x2  }
0x317: {  	s8 =	sadd.s32 $0x28000, s13;
	s6 =	sadd.s32 $0xFFFFFFFF, s9  }
.LBB2_10:
0x318: {  	p1 =	sne.s32 s6, $0x1;
	s6 =	sadd.s32 $0xFFFFFFFF, s6  }
.Ltmp7:
0x319: {  	s7 =	sshrl.u32 s8, $0x3;
	s24 =	sadd.s32 $0x5000, s24;
	(pc) =	sbr.rel @p1 .LBB2_10-.Ltmp7, $3  }
0x31a: {  	[hbm:s24], [sflag:s5] =	dma.local [spmem:s7], $0x500  }
0x31b: {  	_ =	sdelay $0x1  }
0x31c: {  	s8 =	sadd.s32 $0x28000, s8  }
.LBB2_11:
.Ltmp8:
0x31d: {  	(pc) =	sbr.rel @!p0 .LBB2_13-.Ltmp8, $3  }
0x31e: {  	_ =	sdelay $0x1  }
0x31f: {  	_ =	swait.ge [sflag:s12], $0x500  }
0x320: {  	s5 =	sadd.s32 $0xFFFFFFFF, s9;
	[sflag:s12] =	ssyncset.done $0x0  }
.LBB2_12:
0x321: {  	p0 =	sne.s32 s5, $0x1;
	s5 =	sadd.s32 $0xFFFFFFFF, s5;
	[sflag:s12] =	ssyncadd.s32 $0xFFFFFB00  }
.Ltmp9:
0x322: {  	(pc) =	sbr.rel @p0 .LBB2_12-.Ltmp9, $3  }
0x323: {  	_ =	sdelay $0x1  }
0x324: {  	_ =	swait.ge [sflag:s12], $0x500  }
0x325: {  	[sflag:s12] =	ssyncset.done $0x0  }
.LBB2_13:
0x326: {  	s5 =	sld [smem:$0x7EB];
	_ =	sdelay $0x1  }
0x327: {  	s0 =	sadd.s32 $0x1, s0  }
0x328: {  	p0 =	sne.s32 s0, s5  }
.Ltmp10:
0x329: {  	_ = 	snop;
	(pc) =	sbr.rel @p0 .LBB2_1-.Ltmp10, $2  }
0x32a: {  	_ =	sdelay $0x2  }
0x32b: {  	[sflag:s12] =	ssyncadd.s32 $0xFFFFFB00  }
0x32c: {  	_ =	sfence.sel $0x180000  }
0x32d: {  	[bflag:$0x0] =	sbarrier.arrive $0xFFFF  }
0x32e: {  	_ =	strace $0x90000047  }
0x32f: {  	s0 =	stileid.u32;
	[bflag:$0x2] =	sbarrier.arrive $0xFFFF  }
0x330: {  	p0 =	sne.s32 s0, $0x0;
	s0 =	rddreg [dreg:$0x4]  }
0x331: {  	s0 =	sadd.s32 @!p0 $0x100000, s0  }
0x332: {  	[sflag:s0] =	ssyncadd.tile.s32 @!p0 $0x1;
	_ =	shalt  }
.Lfunc_end2:
_tile_overlayer_lowered:
.L_overlay_start_2:
0x333: {  	(tag) =	ssettag $0x2  }
0x334: {  	s0 =	rddreg [dreg:$0x0];
	s2 =	stileid.u32  }
0x335: {  	s1 =	rddreg [dreg:$0x1];
	p0 =	sne.s32 s2, $0x0  }
0x336: {  	s3 =	rddreg [dreg:$0x2];
	[bflag:$0x3] =	sbarrier.arrive $0xFFFF;
	s2 =	simm.s32 @!p0 $0x1C09  }
0x337: {  	[timem:s3], [sflag:s2] =	dma.local @!p0 [hbm:s0], s1  }
0x338: {  	s0 =	simm.s32 @!p0 $0x9  }
0x339: {  	_ =	swait.ge @!p0 [sflag:s0], s1  }
0x33a: {  	s1 =	ssub.s32 @!p0 $0x0, s1;
	[sflag:s0] =	ssyncset.done @!p0 $0x0  }
0x33b: {  	[sflag:s0] =	ssyncadd.s32 @!p0 s1  }
0x33c: {  	[bflag:$0x3] =	sbarrier.arrive $0xFFFF  }
0x33d: {  	_ =	shalt  }

</sc_bundles>
